<compile_context>
chip_gen: v7x
topology: tpu7x:2x2x1
jax: 0.10.2.dev20260603
libtpu: 0.0.44.dev20260713+nightly
codegen_flags: <defaults>
</compile_context>

<pallas_src>
import functools

import jax
import jax.numpy as jnp
from jax import lax
from jax.experimental import pallas as pl
from jax.experimental.pallas import tpu as pltpu
from jax.experimental.pallas import tpu_sc as plsc

_N = 32
_D = 128
_R = 3
_E = 64
_V = 40000
_STEPS = 32
_VT = 8192
_NT = 5
_TAIL0 = (_NT - 1) * _VT


def _sc_gather(X, idx_flat):
    info = plsc.get_sparse_core_info()
    nc, ns = info.num_cores, info.num_subcores
    nw = nc * ns
    rows_per_w = (_STEPS * _N) // nw
    mesh = plsc.VectorSubcoreMesh(core_axis_name="c", subcore_axis_name="s")

    @functools.partial(
        pl.kernel, mesh=mesh,
        out_type=jax.ShapeDtypeStruct((_STEPS * _N, _D), jnp.float32),
        scratch_types=[
            pltpu.VMEM((rows_per_w,), jnp.int32),
            pltpu.VMEM((rows_per_w, _D), jnp.float32),
            pltpu.SemaphoreType.DMA,
        ],
    )
    def gather_kernel(table_hbm, idx_hbm, out_hbm, idx_v, rows_v, sem):
        wid = lax.axis_index("s") * nc + lax.axis_index("c")
        base = wid * rows_per_w
        pltpu.sync_copy(idx_hbm.at[pl.ds(base, rows_per_w)], idx_v)
        pltpu.async_copy(table_hbm.at[idx_v], rows_v, sem).wait()
        pltpu.sync_copy(rows_v, out_hbm.at[pl.ds(base, rows_per_w)])

    return gather_kernel(X, idx_flat)


def _fused_body(xg_ref, srcT_ref, dstT_ref, wrel_ref, w0_ref, xflat_ref,
                ugw_ref, ugu_ref, wg_ref, b_ref, out_ref, u_scr, x0_scr,
                x1_scr, m_scr, s_scr):
    j = pl.program_id(0)

    @pl.when(j == 0)
    def _conv_and_gate():
        srcT = srcT_ref[...]
        dstT = dstT_ref[...]
        mask0 = (dstT == 0)
        dinv_rows = []
        cnt0_rows = []
        for i in range(_N):
            cmp_d = (dstT == i).astype(jnp.float32)
            dinv_rows.append(lax.rsqrt(
                jnp.sum(cmp_d, axis=0, keepdims=True)))
            cmp_s = jnp.where(mask0, (srcT == i).astype(jnp.float32), 0.0)
            cnt0_rows.append(jnp.sum(cmp_s, axis=0, keepdims=True))
        dinv_all = jnp.concatenate(dinv_rows, axis=0)
        cnt0 = jnp.concatenate(cnt0_rows, axis=0)
        a_allT = cnt0 * dinv_all * dinv_all[0:1, :]
        for s in range(_STEPS):
            xs = xg_ref[s * _N:(s + 1) * _N, :]
            x0_scr[s:s + 1, :] = xs[0:1, :]
            for r in range(_R):
                g = r * _STEPS + s
                u_scr[g:g + 1, :] = lax.dot_general(
                    a_allT[:, g:g + 1], xs, (((0,), (0,)), ((), ())),
                    preferred_element_type=jnp.float32)
        rels0 = (
            jnp.dot(u_scr[0:_STEPS, :], wrel_ref[0],
                    preferred_element_type=jnp.float32)
            + jnp.dot(u_scr[_STEPS:2 * _STEPS, :], wrel_ref[1],
                      preferred_element_type=jnp.float32)
            + jnp.dot(u_scr[2 * _STEPS:3 * _STEPS, :], wrel_ref[2],
                      preferred_element_type=jnp.float32))
        prop0 = rels0 + jnp.dot(x0_scr[...], w0_ref[...],
                                preferred_element_type=jnp.float32)
        ng_all = jnp.dot(xflat_ref[...], ugw_ref[...],
                         preferred_element_type=jnp.float32)
        m0 = jnp.zeros((1, _D), jnp.float32)
        for s in range(_STEPS):
            pg = jnp.dot(m0, ugu_ref[...], preferred_element_type=jnp.float32)
            gate = jax.nn.sigmoid(ng_all[s:s + 1, :] + pg)
            m0 = gate * prop0[s:s + 1, :] + (1.0 - gate) * m0
            x1_scr[s:s + 1, :] = jnp.where(m0 >= 0.0, m0, 0.01 * m0)

    logits = jnp.dot(x1_scr[...], wg_ref[...],
                     preferred_element_type=jnp.float32) + b_ref[...]
    cols = j * _VT + lax.broadcasted_iota(jnp.int32, (1, _VT), 1)
    logits = jnp.where(cols < _V, logits, -1e30)
    tmax = jnp.max(logits, axis=1, keepdims=True)

    @pl.when(j == 0)
    def _():
        m_scr[...] = jnp.broadcast_to(tmax, m_scr.shape)
        ts = jnp.sum(jnp.exp(logits - tmax), axis=1, keepdims=True)
        s_scr[...] = jnp.broadcast_to(ts, s_scr.shape)

    @pl.when(j > 0)
    def _():
        m_old = m_scr[...]
        m_new = jnp.maximum(m_old, jnp.broadcast_to(tmax, m_scr.shape))
        ts = jnp.sum(jnp.exp(logits - m_new[:, 0:1]), axis=1, keepdims=True)
        s_scr[...] = s_scr[...] * jnp.exp(m_old - m_new) + jnp.broadcast_to(
            ts, s_scr.shape)
        m_scr[...] = m_new

    @pl.when(j < _NT - 1)
    def _():
        out_ref[:, pl.ds(pl.multiple_of(j * _VT, _VT), _VT)] = logits

    @pl.when(j == _NT - 1)
    def _():
        out_ref[:, _TAIL0:_V] = logits[:, :_V - _TAIL0]
        lse = m_scr[:, 0:1] + jnp.log(s_scr[:, 0:1])
        out_ref[...] = out_ref[...] - lse


def _tc_fused(xg, W_rel, W_0, update_gate_W, update_gate_U, W_glob, b_glob,
              edge_index):
    ei = edge_index.reshape(_STEPS, _R, 2, _E).astype(jnp.int32)
    srast = jnp.transpose(ei, (2, 3, 1, 0)).reshape(2, _E, _R * _STEPS)
    self_rows = jnp.broadcast_to(
        jnp.arange(_N, dtype=jnp.int32)[:, None], (_N, _R * _STEPS))
    srcT = jnp.concatenate([srast[0], self_rows], axis=0)
    dstT = jnp.concatenate([srast[1], self_rows], axis=0)
    xflat = xg.reshape(_STEPS, _N * _D)

    return pl.pallas_call(
        _fused_body,
        grid=(_NT,),
        in_specs=[
            pl.BlockSpec((_STEPS * _N, _D), lambda j: (0, 0)),
            pl.BlockSpec((_E + _N, _R * _STEPS), lambda j: (0, 0)),
            pl.BlockSpec((_E + _N, _R * _STEPS), lambda j: (0, 0)),
            pl.BlockSpec((_R, _D, _D), lambda j: (0, 0, 0)),
            pl.BlockSpec((_D, _D), lambda j: (0, 0)),
            pl.BlockSpec((_STEPS, _N * _D), lambda j: (0, 0)),
            pl.BlockSpec((_N * _D, _D), lambda j: (0, 0)),
            pl.BlockSpec((_D, _D), lambda j: (0, 0)),
            pl.BlockSpec((_D, _VT), lambda j: (0, j)),
            pl.BlockSpec((1, _VT), lambda j: (0, j)),
        ],
        out_specs=pl.BlockSpec((_STEPS, _V), lambda j: (0, 0)),
        out_shape=jax.ShapeDtypeStruct((_STEPS, _V), jnp.float32),
        scratch_shapes=[
            pltpu.VMEM((_R * _STEPS, _D), jnp.float32),
            pltpu.VMEM((_STEPS, _D), jnp.float32),
            pltpu.VMEM((_STEPS, _D), jnp.float32),
            pltpu.VMEM((_STEPS, _D), jnp.float32),
            pltpu.VMEM((_STEPS, _D), jnp.float32),
        ],
    )(xg, srcT, dstT, W_rel, W_0, xflat, update_gate_W, update_gate_U,
      W_glob, b_glob.reshape(1, _V))


def kernel(X, W_rel, W_0, update_gate_W, update_gate_U, W_glob, b_glob,
           x_indices, edge_index):
    idx_flat = x_indices.reshape(-1).astype(jnp.int32)
    xg = _sc_gather(X, idx_flat)
    preds_globals = _tc_fused(xg, W_rel, W_0, update_gate_W, update_gate_U,
                              W_glob, b_glob, edge_index)
    preds_senses = jnp.zeros((_STEPS,), jnp.float32)
    return (preds_globals, preds_senses)

# --- scband reference (transcript-rebuilt; emitter-appended) ---
"""Pipeline reference for scband-gru-rgcn-30932354466392 (READ-ONLY COPY).

The authoritative reference and input builder live on the scoring server;
editing this copy changes nothing except your own understanding.
"""

import jax, jax.numpy as jnp
import numpy as np

NUM_NODES = 100000
D = 128
N = 32
R = 3
B = 4
T = 8
E = 64
V = 40000


def setup_inputs(seed: int = 0) -> dict:
    key = jax.random.key(seed)
    ks = jax.random.split(key, 10)
    x_indices = jax.random.randint(ks[0], (B, T, N), 0, NUM_NODES)
    edge_index = jax.random.randint(ks[1], (B, T, R, 2, E), 0, N)
    X = jax.random.normal(ks[2], (NUM_NODES, D), dtype=jnp.float32) * 0.02
    W_rel = jax.random.normal(ks[3], (R, D, D), dtype=jnp.float32) * 0.05
    W_0 = jax.random.normal(ks[4], (D, D), dtype=jnp.float32) * 0.05
    update_gate_W = jax.random.normal(ks[5], (N * D, D), dtype=jnp.float32) * 0.02
    update_gate_U = jax.random.normal(ks[6], (D, D), dtype=jnp.float32) * 0.05
    W_glob = jax.random.normal(ks[7], (D, V), dtype=jnp.float32) * 0.02
    b_glob = jnp.zeros((V,), dtype=jnp.float32)
    return {
        "X": X,
        "W_rel": W_rel,
        "W_0": W_0,
        "update_gate_W": update_gate_W,
        "update_gate_U": update_gate_U,
        "W_glob": W_glob,
        "b_glob": b_glob,
        "x_indices": x_indices,
        "edge_index": edge_index,
    }


def _gcn_conv(x, ei, W):
    # GCNConv (no bias) with self-loops and symmetric normalization
    n = x.shape[0]
    self_idx = jnp.arange(n)
    src = jnp.concatenate([ei[0], self_idx])
    dst = jnp.concatenate([ei[1], self_idx])
    deg = jnp.zeros((n,), dtype=x.dtype).at[dst].add(1.0)
    dinv = jnp.where(deg > 0, 1.0 / jnp.sqrt(deg), 0.0)
    norm = dinv[src] * dinv[dst]
    h = x @ W
    out = jnp.zeros_like(h).at[dst].add(h[src] * norm[:, None])
    return out


def reference(X, W_rel, W_0, update_gate_W, update_gate_U, W_glob, b_glob, x_indices, edge_index):
    memory = jnp.zeros((N, D), dtype=jnp.float32)
    preds_globals = []
    preds_senses = []
    for b in range(B):
        for t in range(T):
            idx = x_indices[b, t]
            grapharea_x = jnp.take(X, idx, axis=0)  # gather node features
            rels_out = _gcn_conv(grapharea_x, edge_index[b, t, 0], W_rel[0])
            for r in range(1, R):
                rels_out = rels_out + _gcn_conv(grapharea_x, edge_index[b, t, r], W_rel[r])
            # A0_selfadj = I, so mm(I, mm(x, W0)) == x @ W0
            prevlayer_connection = grapharea_x @ W_0
            proposed = rels_out + prevlayer_connection
            ng = grapharea_x.reshape(1, -1) @ update_gate_W
            pg = memory[0:1, :] @ update_gate_U
            update_gate = jax.nn.sigmoid(ng + pg)
            rgcn_conv = update_gate * proposed + (1.0 - update_gate) * memory
            # buffer copy via .data breaks the autograd graph in torch
            memory = jax.lax.stop_gradient(rgcn_conv)
            x_Lplus1 = jax.nn.leaky_relu(rgcn_conv, negative_slope=0.01)
            x1 = x_Lplus1[0]
            logits = x1 @ W_glob + b_glob
            preds_globals.append(jax.nn.log_softmax(logits, axis=0))
            preds_senses.append(jnp.zeros((), dtype=jnp.float32))
    return (jnp.stack(preds_globals, axis=0), jnp.stack(preds_senses, axis=0))

if __name__ == "__main__":
    import jax
    _d = setup_inputs()
    print(jax.jit(kernel)(*tuple(_d.values())))

</pallas_src>

<mosaic_0001>
#map = affine_map<(d0, d1) -> (0, 0)>
#map1 = affine_map<(d0, d1) -> (0)>
module attributes {stable_mosaic.version = 14 : i64} {
  func.func @gather_kernel(%arg0: i32, %arg1: i32, %arg2: memref<100000x128xf32, #tpu.memory_space<hbm>>, %arg3: memref<1024xi32, #tpu.memory_space<hbm>>, %arg4: memref<1024x128xf32, #tpu.memory_space<hbm>>, %arg5: memref<32xi32, #tpu.memory_space<vmem>>, %arg6: memref<32x128xf32, #tpu.memory_space<vmem>>, %arg7: memref<!tpu.dma_semaphore, #tpu.memory_space<semaphore_mem>>) attributes {dimension_semantics = [#tpu.dimension_semantics<core_parallel>, #tpu.dimension_semantics<subcore_parallel>], iteration_bounds = array<i64: 2, 16>, scalar_prefetch = 0 : i64, scratch_operands = 3 : i64, tpu.core_type = #tpu.core_type<sc_vector_subcore>, window_params = [{transform_indices = #map}, {transform_indices = #map1}, {transform_indices = #map}]} {
    %mul3A = arith.constant 2 : i32
    %mul3A_0 = arith.muli %arg1, %mul3A : i32
    %add3A = arith.addi %mul3A_0, %arg0 : i32
    %mul3A_1 = arith.constant 32 : i32
    %mul3A_2 = arith.muli %add3A, %mul3A_1 : i32
    "tpu.region"() ({
      %run_scoped3A = tpu.sem_alloc : memref<!tpu.dma_semaphore, #tpu.memory_space<semaphore_mem>>
      %dma_start3A_7 = tpu.memref_slice %arg3[%mul3A_2] : memref<1024xi32, #tpu.memory_space<hbm>> -> memref<32xi32, #tpu.memory_space<hbm>>
      %dma_start3A_8 = tpu.memref_slice %arg3[%mul3A_2] : memref<1024xi32, #tpu.memory_space<hbm>> -> memref<32xi32, #tpu.memory_space<hbm>>
      tpu.enqueue_dma source(%dma_start3A_8 : memref<32xi32, #tpu.memory_space<hbm>>) target(%arg5 : memref<32xi32, #tpu.memory_space<vmem>>) target_semaphore(%run_scoped3A : memref<!tpu.dma_semaphore, #tpu.memory_space<semaphore_mem>>)
      %dma_wait3A_9 = tpu.memref_slice %arg3[%mul3A_2] : memref<1024xi32, #tpu.memory_space<hbm>> -> memref<32xi32, #tpu.memory_space<hbm>>
      %dma_wait3A_10 = tpu.memref_slice %arg3[%mul3A_2] : memref<1024xi32, #tpu.memory_space<hbm>> -> memref<32xi32, #tpu.memory_space<hbm>>
      tpu.wait_dma2 semaphore(%run_scoped3A : memref<!tpu.dma_semaphore, #tpu.memory_space<semaphore_mem>>) src(%dma_wait3A_10 : memref<32xi32, #tpu.memory_space<hbm>>) dst(%arg5 : memref<32xi32, #tpu.memory_space<vmem>>)
      tpu.yield
    }) : () -> ()
    %dma_start3A = arith.constant 0 : i32
    %dma_start3A_3 = arith.constant 0 : i32
    %dma_start3A_4 = tpu.memref_slice %arg2[%dma_start3A, %dma_start3A_3] : memref<100000x128xf32, #tpu.memory_space<hbm>> -> memref<100000x128xf32, #tpu.memory_space<hbm>>
    tpu.enqueue_indirect_dma source(%dma_start3A_4 : memref<100000x128xf32, #tpu.memory_space<hbm>>) target(%arg6 : memref<32x128xf32, #tpu.memory_space<vmem>>) offsets(%arg5 : memref<32xi32, #tpu.memory_space<vmem>>) semaphore(%arg7 : memref<!tpu.dma_semaphore, #tpu.memory_space<semaphore_mem>>)
    %dma_wait3A = arith.constant 0 : i32
    %dma_wait3A_5 = arith.constant 0 : i32
    %dma_wait3A_6 = tpu.memref_slice %arg2[%dma_wait3A, %dma_wait3A_5] : memref<100000x128xf32, #tpu.memory_space<hbm>> -> memref<100000x128xf32, #tpu.memory_space<hbm>>
    tpu.wait_indirect_dma semaphore(%arg7 : memref<!tpu.dma_semaphore, #tpu.memory_space<semaphore_mem>>) src(%dma_wait3A_6 : memref<100000x128xf32, #tpu.memory_space<hbm>>) dst(%arg6 : memref<32x128xf32, #tpu.memory_space<vmem>>)
    "tpu.region"() ({
      %run_scoped3A = tpu.sem_alloc : memref<!tpu.dma_semaphore, #tpu.memory_space<semaphore_mem>>
      %dma_start3A_7 = arith.constant 0 : i32
      %dma_start3A_8 = tpu.memref_slice %arg4[%mul3A_2, %dma_start3A_7] : memref<1024x128xf32, #tpu.memory_space<hbm>> -> memref<32x128xf32, #tpu.memory_space<hbm>>
      %dma_start3A_9 = arith.constant 0 : i32
      %dma_start3A_10 = tpu.memref_slice %arg4[%mul3A_2, %dma_start3A_9] : memref<1024x128xf32, #tpu.memory_space<hbm>> -> memref<32x128xf32, #tpu.memory_space<hbm>>
      tpu.enqueue_dma source(%arg6 : memref<32x128xf32, #tpu.memory_space<vmem>>) target(%dma_start3A_10 : memref<32x128xf32, #tpu.memory_space<hbm>>) target_semaphore(%run_scoped3A : memref<!tpu.dma_semaphore, #tpu.memory_space<semaphore_mem>>)
      %dma_wait3A_11 = arith.constant 0 : i32
      %dma_wait3A_12 = tpu.memref_slice %arg4[%mul3A_2, %dma_wait3A_11] : memref<1024x128xf32, #tpu.memory_space<hbm>> -> memref<32x128xf32, #tpu.memory_space<hbm>>
      %dma_wait3A_13 = arith.constant 0 : i32
      %dma_wait3A_14 = tpu.memref_slice %arg4[%mul3A_2, %dma_wait3A_13] : memref<1024x128xf32, #tpu.memory_space<hbm>> -> memref<32x128xf32, #tpu.memory_space<hbm>>
      tpu.wait_dma2 semaphore(%run_scoped3A : memref<!tpu.dma_semaphore, #tpu.memory_space<semaphore_mem>>) src(%arg6 : memref<32x128xf32, #tpu.memory_space<vmem>>) dst(%dma_wait3A_14 : memref<32x128xf32, #tpu.memory_space<hbm>>)
      tpu.yield
    }) : () -> ()
    return
  }
}

module attributes {stable_mosaic.version = 14 : i64} {
  func.func @_fused_body(%arg0: i32, %arg1: memref<1024x128xf32, #tpu.memory_space<vmem>>, %arg2: memref<96x96xi32, #tpu.memory_space<vmem>>, %arg3: memref<96x96xi32, #tpu.memory_space<vmem>>, %arg4: memref<3x128x128xf32, #tpu.memory_space<vmem>>, %arg5: memref<128x128xf32, #tpu.memory_space<vmem>>, %arg6: memref<32x4096xf32, #tpu.memory_space<vmem>>, %arg7: memref<4096x128xf32, #tpu.memory_space<vmem>>, %arg8: memref<128x128xf32, #tpu.memory_space<vmem>>, %arg9: memref<128x8192xf32, #tpu.memory_space<vmem>>, %arg10: memref<1x8192xf32, #tpu.memory_space<vmem>>, %arg11: memref<32x40000xf32, #tpu.memory_space<vmem>>, %arg12: memref<96x128xf32, #tpu.memory_space<vmem>>, %arg13: memref<32x128xf32, #tpu.memory_space<vmem>>, %arg14: memref<32x128xf32, #tpu.memory_space<vmem>>, %arg15: memref<32x128xf32, #tpu.memory_space<vmem>>, %arg16: memref<32x128xf32, #tpu.memory_space<vmem>>) attributes {dimension_semantics = [#tpu.dimension_semantics<arbitrary>], iteration_bounds = array<i64: 5>, scalar_prefetch = 0 : i64, scratch_operands = 5 : i64, tpu.core_type = #tpu.core_type<tc>, window_params = [{pipeline_mode = #tpu.pipeline_mode<synchronous>, transform_indices = @transform_0, window_bounds = array<i64: 1024, 128>}, {pipeline_mode = #tpu.pipeline_mode<synchronous>, transform_indices = @transform_1, window_bounds = array<i64: 96, 96>}, {pipeline_mode = #tpu.pipeline_mode<synchronous>, transform_indices = @transform_2, window_bounds = array<i64: 96, 96>}, {pipeline_mode = #tpu.pipeline_mode<synchronous>, transform_indices = @transform_3, window_bounds = array<i64: 3, 128, 128>}, {pipeline_mode = #tpu.pipeline_mode<synchronous>, transform_indices = @transform_4, window_bounds = array<i64: 128, 128>}, {pipeline_mode = #tpu.pipeline_mode<synchronous>, transform_indices = @transform_5, window_bounds = array<i64: 32, 4096>}, {pipeline_mode = #tpu.pipeline_mode<synchronous>, transform_indices = @transform_6, window_bounds = array<i64: 4096, 128>}, {pipeline_mode = #tpu.pipeline_mode<synchronous>, transform_indices = @transform_7, window_bounds = array<i64: 128, 128>}, {transform_indices = @transform_8, window_bounds = array<i64: 128, 8192>}, {transform_indices = @transform_9, window_bounds = array<i64: 1, 8192>}, {pipeline_mode = #tpu.pipeline_mode<synchronous>, transform_indices = @transform_10, window_bounds = array<i64: 32, 40000>}]} {
    %eq3A = arith.constant 0 : i32
    %eq3A_0 = arith.cmpi eq, %arg0, %eq3A : i32
    %convert_element_type3A = arith.extui %eq3A_0 : i1 to i32
    %cond3A = arith.constant 0 : i32
    %cond3A_1 = arith.cmpi ne, %convert_element_type3A, %cond3A : i32
    scf.if %cond3A_1 {
      %get3A_40 = arith.constant 0 : index
      %get3A_41 = arith.constant 0 : index
      %get3A_42 = vector.load %arg2[%get3A_40, %get3A_41] : memref<96x96xi32, #tpu.memory_space<vmem>>, vector<96x96xi32>
      %get3A_43 = arith.constant 0 : index
      %get3A_44 = arith.constant 0 : index
      %get3A_45 = vector.load %arg3[%get3A_43, %get3A_44] : memref<96x96xi32, #tpu.memory_space<vmem>>, vector<96x96xi32>
      %eq3A_46 = arith.constant 0 : i32
      %eq3A_47 = vector.broadcast %eq3A_46 : i32 to vector<96x96xi32>
      %eq3A_48 = arith.cmpi eq, %get3A_45, %eq3A_47 : vector<96x96xi32>
      %eq3A_49 = arith.constant 0 : i32
      %eq3A_50 = vector.broadcast %eq3A_49 : i32 to vector<96x96xi32>
      %eq3A_51 = arith.cmpi eq, %get3A_45, %eq3A_50 : vector<96x96xi32>
      %convert_element_type3A_52 = arith.extui %eq3A_51 : vector<96x96xi1> to vector<96x96xi32>
      %convert_element_type3A_53 = arith.sitofp %convert_element_type3A_52 : vector<96x96xi32> to vector<96x96xf32>
      %reduce_sum3A = arith.constant dense<0.000000e+00> : vector<96xf32>
      %reduce_sum3A_54 = vector.multi_reduction <add>, %convert_element_type3A_53, %reduce_sum3A [0] : vector<96x96xf32> to vector<96xf32>
      %broadcast_in_dim3A_55 = vector.shape_cast %reduce_sum3A_54 : vector<96xf32> to vector<1x96xf32>
      %rsqrt3A = math.rsqrt %broadcast_in_dim3A_55 : vector<1x96xf32>
      %eq3A_56 = arith.constant 0 : i32
      %eq3A_57 = vector.broadcast %eq3A_56 : i32 to vector<96x96xi32>
      %eq3A_58 = arith.cmpi eq, %get3A_42, %eq3A_57 : vector<96x96xi32>
      %convert_element_type3A_59 = arith.extui %eq3A_58 : vector<96x96xi1> to vector<96x96xi32>
      %convert_element_type3A_60 = arith.sitofp %convert_element_type3A_59 : vector<96x96xi32> to vector<96x96xf32>
      %jit3A_61 = arith.constant 0.000000e+00 : f32
      %broadcast_in_dim3A_62 = vector.broadcast %jit3A_61 : f32 to vector<96x96xf32>
      %select_n3A_63 = arith.select %eq3A_48, %convert_element_type3A_60, %broadcast_in_dim3A_62 : vector<96x96xi1>, vector<96x96xf32>
      %reduce_sum3A_64 = arith.constant dense<0.000000e+00> : vector<96xf32>
      %reduce_sum3A_65 = vector.multi_reduction <add>, %select_n3A_63, %reduce_sum3A_64 [0] : vector<96x96xf32> to vector<96xf32>
      %broadcast_in_dim3A_66 = vector.shape_cast %reduce_sum3A_65 : vector<96xf32> to vector<1x96xf32>
      %eq3A_67 = arith.constant 1 : i32
      %eq3A_68 = vector.broadcast %eq3A_67 : i32 to vector<96x96xi32>
      %eq3A_69 = arith.cmpi eq, %get3A_45, %eq3A_68 : vector<96x96xi32>
      %convert_element_type3A_70 = arith.extui %eq3A_69 : vector<96x96xi1> to vector<96x96xi32>
      %convert_element_type3A_71 = arith.sitofp %convert_element_type3A_70 : vector<96x96xi32> to vector<96x96xf32>
      %reduce_sum3A_72 = arith.constant dense<0.000000e+00> : vector<96xf32>
      %reduce_sum3A_73 = vector.multi_reduction <add>, %convert_element_type3A_71, %reduce_sum3A_72 [0] : vector<96x96xf32> to vector<96xf32>
      %broadcast_in_dim3A_74 = vector.shape_cast %reduce_sum3A_73 : vector<96xf32> to vector<1x96xf32>
      %rsqrt3A_75 = math.rsqrt %broadcast_in_dim3A_74 : vector<1x96xf32>
      %eq3A_76 = arith.constant 1 : i32
      %eq3A_77 = vector.broadcast %eq3A_76 : i32 to vector<96x96xi32>
      %eq3A_78 = arith.cmpi eq, %get3A_42, %eq3A_77 : vector<96x96xi32>
      %convert_element_type3A_79 = arith.extui %eq3A_78 : vector<96x96xi1> to vector<96x96xi32>
      %convert_element_type3A_80 = arith.sitofp %convert_element_type3A_79 : vector<96x96xi32> to vector<96x96xf32>
      %jit3A_81 = arith.constant 0.000000e+00 : f32
      %broadcast_in_dim3A_82 = vector.broadcast %jit3A_81 : f32 to vector<96x96xf32>
      %select_n3A_83 = arith.select %eq3A_48, %convert_element_type3A_80, %broadcast_in_dim3A_82 : vector<96x96xi1>, vector<96x96xf32>
      %reduce_sum3A_84 = arith.constant dense<0.000000e+00> : vector<96xf32>
      %reduce_sum3A_85 = vector.multi_reduction <add>, %select_n3A_83, %reduce_sum3A_84 [0] : vector<96x96xf32> to vector<96xf32>
      %broadcast_in_dim3A_86 = vector.shape_cast %reduce_sum3A_85 : vector<96xf32> to vector<1x96xf32>
      %eq3A_87 = arith.constant 2 : i32
      %eq3A_88 = vector.broadcast %eq3A_87 : i32 to vector<96x96xi32>
      %eq3A_89 = arith.cmpi eq, %get3A_45, %eq3A_88 : vector<96x96xi32>
      %convert_element_type3A_90 = arith.extui %eq3A_89 : vector<96x96xi1> to vector<96x96xi32>
      %convert_element_type3A_91 = arith.sitofp %convert_element_type3A_90 : vector<96x96xi32> to vector<96x96xf32>
      %reduce_sum3A_92 = arith.constant dense<0.000000e+00> : vector<96xf32>
      %reduce_sum3A_93 = vector.multi_reduction <add>, %convert_element_type3A_91, %reduce_sum3A_92 [0] : vector<96x96xf32> to vector<96xf32>
      %broadcast_in_dim3A_94 = vector.shape_cast %reduce_sum3A_93 : vector<96xf32> to vector<1x96xf32>
      %rsqrt3A_95 = math.rsqrt %broadcast_in_dim3A_94 : vector<1x96xf32>
      %eq3A_96 = arith.constant 2 : i32
      %eq3A_97 = vector.broadcast %eq3A_96 : i32 to vector<96x96xi32>
      %eq3A_98 = arith.cmpi eq, %get3A_42, %eq3A_97 : vector<96x96xi32>
      %convert_element_type3A_99 = arith.extui %eq3A_98 : vector<96x96xi1> to vector<96x96xi32>
      %convert_element_type3A_100 = arith.sitofp %convert_element_type3A_99 : vector<96x96xi32> to vector<96x96xf32>
      %jit3A_101 = arith.constant 0.000000e+00 : f32
      %broadcast_in_dim3A_102 = vector.broadcast %jit3A_101 : f32 to vector<96x96xf32>
      %select_n3A_103 = arith.select %eq3A_48, %convert_element_type3A_100, %broadcast_in_dim3A_102 : vector<96x96xi1>, vector<96x96xf32>
      %reduce_sum3A_104 = arith.constant dense<0.000000e+00> : vector<96xf32>
      %reduce_sum3A_105 = vector.multi_reduction <add>, %select_n3A_103, %reduce_sum3A_104 [0] : vector<96x96xf32> to vector<96xf32>
      %broadcast_in_dim3A_106 = vector.shape_cast %reduce_sum3A_105 : vector<96xf32> to vector<1x96xf32>
      %eq3A_107 = arith.constant 3 : i32
      %eq3A_108 = vector.broadcast %eq3A_107 : i32 to vector<96x96xi32>
      %eq3A_109 = arith.cmpi eq, %get3A_45, %eq3A_108 : vector<96x96xi32>
      %convert_element_type3A_110 = arith.extui %eq3A_109 : vector<96x96xi1> to vector<96x96xi32>
      %convert_element_type3A_111 = arith.sitofp %convert_element_type3A_110 : vector<96x96xi32> to vector<96x96xf32>
      %reduce_sum3A_112 = arith.constant dense<0.000000e+00> : vector<96xf32>
      %reduce_sum3A_113 = vector.multi_reduction <add>, %convert_element_type3A_111, %reduce_sum3A_112 [0] : vector<96x96xf32> to vector<96xf32>
      %broadcast_in_dim3A_114 = vector.shape_cast %reduce_sum3A_113 : vector<96xf32> to vector<1x96xf32>
      %rsqrt3A_115 = math.rsqrt %broadcast_in_dim3A_114 : vector<1x96xf32>
      %eq3A_116 = arith.constant 3 : i32
      %eq3A_117 = vector.broadcast %eq3A_116 : i32 to vector<96x96xi32>
      %eq3A_118 = arith.cmpi eq, %get3A_42, %eq3A_117 : vector<96x96xi32>
      %convert_element_type3A_119 = arith.extui %eq3A_118 : vector<96x96xi1> to vector<96x96xi32>
      %convert_element_type3A_120 = arith.sitofp %convert_element_type3A_119 : vector<96x96xi32> to vector<96x96xf32>
      %jit3A_121 = arith.constant 0.000000e+00 : f32
      %broadcast_in_dim3A_122 = vector.broadcast %jit3A_121 : f32 to vector<96x96xf32>
      %select_n3A_123 = arith.select %eq3A_48, %convert_element_type3A_120, %broadcast_in_dim3A_122 : vector<96x96xi1>, vector<96x96xf32>
      %reduce_sum3A_124 = arith.constant dense<0.000000e+00> : vector<96xf32>
      %reduce_sum3A_125 = vector.multi_reduction <add>, %select_n3A_123, %reduce_sum3A_124 [0] : vector<96x96xf32> to vector<96xf32>
      %broadcast_in_dim3A_126 = vector.shape_cast %reduce_sum3A_125 : vector<96xf32> to vector<1x96xf32>
      %eq3A_127 = arith.constant 4 : i32
      %eq3A_128 = vector.broadcast %eq3A_127 : i32 to vector<96x96xi32>
      %eq3A_129 = arith.cmpi eq, %get3A_45, %eq3A_128 : vector<96x96xi32>
      %convert_element_type3A_130 = arith.extui %eq3A_129 : vector<96x96xi1> to vector<96x96xi32>
      %convert_element_type3A_131 = arith.sitofp %convert_element_type3A_130 : vector<96x96xi32> to vector<96x96xf32>
      %reduce_sum3A_132 = arith.constant dense<0.000000e+00> : vector<96xf32>
      %reduce_sum3A_133 = vector.multi_reduction <add>, %convert_element_type3A_131, %reduce_sum3A_132 [0] : vector<96x96xf32> to vector<96xf32>
      %broadcast_in_dim3A_134 = vector.shape_cast %reduce_sum3A_133 : vector<96xf32> to vector<1x96xf32>
      %rsqrt3A_135 = math.rsqrt %broadcast_in_dim3A_134 : vector<1x96xf32>
      %eq3A_136 = arith.constant 4 : i32
      %eq3A_137 = vector.broadcast %eq3A_136 : i32 to vector<96x96xi32>
      %eq3A_138 = arith.cmpi eq, %get3A_42, %eq3A_137 : vector<96x96xi32>
      %convert_element_type3A_139 = arith.extui %eq3A_138 : vector<96x96xi1> to vector<96x96xi32>
      %convert_element_type3A_140 = arith.sitofp %convert_element_type3A_139 : vector<96x96xi32> to vector<96x96xf32>
      %jit3A_141 = arith.constant 0.000000e+00 : f32
      %broadcast_in_dim3A_142 = vector.broadcast %jit3A_141 : f32 to vector<96x96xf32>
      %select_n3A_143 = arith.select %eq3A_48, %convert_element_type3A_140, %broadcast_in_dim3A_142 : vector<96x96xi1>, vector<96x96xf32>
      %reduce_sum3A_144 = arith.constant dense<0.000000e+00> : vector<96xf32>
      %reduce_sum3A_145 = vector.multi_reduction <add>, %select_n3A_143, %reduce_sum3A_144 [0] : vector<96x96xf32> to vector<96xf32>
      %broadcast_in_dim3A_146 = vector.shape_cast %reduce_sum3A_145 : vector<96xf32> to vector<1x96xf32>
      %eq3A_147 = arith.constant 5 : i32
      %eq3A_148 = vector.broadcast %eq3A_147 : i32 to vector<96x96xi32>
      %eq3A_149 = arith.cmpi eq, %get3A_45, %eq3A_148 : vector<96x96xi32>
      %convert_element_type3A_150 = arith.extui %eq3A_149 : vector<96x96xi1> to vector<96x96xi32>
      %convert_element_type3A_151 = arith.sitofp %convert_element_type3A_150 : vector<96x96xi32> to vector<96x96xf32>
      %reduce_sum3A_152 = arith.constant dense<0.000000e+00> : vector<96xf32>
      %reduce_sum3A_153 = vector.multi_reduction <add>, %convert_element_type3A_151, %reduce_sum3A_152 [0] : vector<96x96xf32> to vector<96xf32>
      %broadcast_in_dim3A_154 = vector.shape_cast %reduce_sum3A_153 : vector<96xf32> to vector<1x96xf32>
      %rsqrt3A_155 = math.rsqrt %broadcast_in_dim3A_154 : vector<1x96xf32>
      %eq3A_156 = arith.constant 5 : i32
      %eq3A_157 = vector.broadcast %eq3A_156 : i32 to vector<96x96xi32>
      %eq3A_158 = arith.cmpi eq, %get3A_42, %eq3A_157 : vector<96x96xi32>
      %convert_element_type3A_159 = arith.extui %eq3A_158 : vector<96x96xi1> to vector<96x96xi32>
      %convert_element_type3A_160 = arith.sitofp %convert_element_type3A_159 : vector<96x96xi32> to vector<96x96xf32>
      %jit3A_161 = arith.constant 0.000000e+00 : f32
      %broadcast_in_dim3A_162 = vector.broadcast %jit3A_161 : f32 to vector<96x96xf32>
      %select_n3A_163 = arith.select %eq3A_48, %convert_element_type3A_160, %broadcast_in_dim3A_162 : vector<96x96xi1>, vector<96x96xf32>
      %reduce_sum3A_164 = arith.constant dense<0.000000e+00> : vector<96xf32>
      %reduce_sum3A_165 = vector.multi_reduction <add>, %select_n3A_163, %reduce_sum3A_164 [0] : vector<96x96xf32> to vector<96xf32>
      %broadcast_in_dim3A_166 = vector.shape_cast %reduce_sum3A_165 : vector<96xf32> to vector<1x96xf32>
      %eq3A_167 = arith.constant 6 : i32
      %eq3A_168 = vector.broadcast %eq3A_167 : i32 to vector<96x96xi32>
      %eq3A_169 = arith.cmpi eq, %get3A_45, %eq3A_168 : vector<96x96xi32>
      %convert_element_type3A_170 = arith.extui %eq3A_169 : vector<96x96xi1> to vector<96x96xi32>
      %convert_element_type3A_171 = arith.sitofp %convert_element_type3A_170 : vector<96x96xi32> to vector<96x96xf32>
      %reduce_sum3A_172 = arith.constant dense<0.000000e+00> : vector<96xf32>
      %reduce_sum3A_173 = vector.multi_reduction <add>, %convert_element_type3A_171, %reduce_sum3A_172 [0] : vector<96x96xf32> to vector<96xf32>
      %broadcast_in_dim3A_174 = vector.shape_cast %reduce_sum3A_173 : vector<96xf32> to vector<1x96xf32>
      %rsqrt3A_175 = math.rsqrt %broadcast_in_dim3A_174 : vector<1x96xf32>
      %eq3A_176 = arith.constant 6 : i32
      %eq3A_177 = vector.broadcast %eq3A_176 : i32 to vector<96x96xi32>
      %eq3A_178 = arith.cmpi eq, %get3A_42, %eq3A_177 : vector<96x96xi32>
      %convert_element_type3A_179 = arith.extui %eq3A_178 : vector<96x96xi1> to vector<96x96xi32>
      %convert_element_type3A_180 = arith.sitofp %convert_element_type3A_179 : vector<96x96xi32> to vector<96x96xf32>
      %jit3A_181 = arith.constant 0.000000e+00 : f32
      %broadcast_in_dim3A_182 = vector.broadcast %jit3A_181 : f32 to vector<96x96xf32>
      %select_n3A_183 = arith.select %eq3A_48, %convert_element_type3A_180, %broadcast_in_dim3A_182 : vector<96x96xi1>, vector<96x96xf32>
      %reduce_sum3A_184 = arith.constant dense<0.000000e+00> : vector<96xf32>
      %reduce_sum3A_185 = vector.multi_reduction <add>, %select_n3A_183, %reduce_sum3A_184 [0] : vector<96x96xf32> to vector<96xf32>
      %broadcast_in_dim3A_186 = vector.shape_cast %reduce_sum3A_185 : vector<96xf32> to vector<1x96xf32>
      %eq3A_187 = arith.constant 7 : i32
      %eq3A_188 = vector.broadcast %eq3A_187 : i32 to vector<96x96xi32>
      %eq3A_189 = arith.cmpi eq, %get3A_45, %eq3A_188 : vector<96x96xi32>
      %convert_element_type3A_190 = arith.extui %eq3A_189 : vector<96x96xi1> to vector<96x96xi32>
      %convert_element_type3A_191 = arith.sitofp %convert_element_type3A_190 : vector<96x96xi32> to vector<96x96xf32>
      %reduce_sum3A_192 = arith.constant dense<0.000000e+00> : vector<96xf32>
      %reduce_sum3A_193 = vector.multi_reduction <add>, %convert_element_type3A_191, %reduce_sum3A_192 [0] : vector<96x96xf32> to vector<96xf32>
      %broadcast_in_dim3A_194 = vector.shape_cast %reduce_sum3A_193 : vector<96xf32> to vector<1x96xf32>
      %rsqrt3A_195 = math.rsqrt %broadcast_in_dim3A_194 : vector<1x96xf32>
      %eq3A_196 = arith.constant 7 : i32
      %eq3A_197 = vector.broadcast %eq3A_196 : i32 to vector<96x96xi32>
      %eq3A_198 = arith.cmpi eq, %get3A_42, %eq3A_197 : vector<96x96xi32>
      %convert_element_type3A_199 = arith.extui %eq3A_198 : vector<96x96xi1> to vector<96x96xi32>
      %convert_element_type3A_200 = arith.sitofp %convert_element_type3A_199 : vector<96x96xi32> to vector<96x96xf32>
      %jit3A_201 = arith.constant 0.000000e+00 : f32
      %broadcast_in_dim3A_202 = vector.broadcast %jit3A_201 : f32 to vector<96x96xf32>
      %select_n3A_203 = arith.select %eq3A_48, %convert_element_type3A_200, %broadcast_in_dim3A_202 : vector<96x96xi1>, vector<96x96xf32>
      %reduce_sum3A_204 = arith.constant dense<0.000000e+00> : vector<96xf32>
      %reduce_sum3A_205 = vector.multi_reduction <add>, %select_n3A_203, %reduce_sum3A_204 [0] : vector<96x96xf32> to vector<96xf32>
      %broadcast_in_dim3A_206 = vector.shape_cast %reduce_sum3A_205 : vector<96xf32> to vector<1x96xf32>
      %eq3A_207 = arith.constant 8 : i32
      %eq3A_208 = vector.broadcast %eq3A_207 : i32 to vector<96x96xi32>
      %eq3A_209 = arith.cmpi eq, %get3A_45, %eq3A_208 : vector<96x96xi32>
      %convert_element_type3A_210 = arith.extui %eq3A_209 : vector<96x96xi1> to vector<96x96xi32>
      %convert_element_type3A_211 = arith.sitofp %convert_element_type3A_210 : vector<96x96xi32> to vector<96x96xf32>
      %reduce_sum3A_212 = arith.constant dense<0.000000e+00> : vector<96xf32>
      %reduce_sum3A_213 = vector.multi_reduction <add>, %convert_element_type3A_211, %reduce_sum3A_212 [0] : vector<96x96xf32> to vector<96xf32>
      %broadcast_in_dim3A_214 = vector.shape_cast %reduce_sum3A_213 : vector<96xf32> to vector<1x96xf32>
      %rsqrt3A_215 = math.rsqrt %broadcast_in_dim3A_214 : vector<1x96xf32>
      %eq3A_216 = arith.constant 8 : i32
      %eq3A_217 = vector.broadcast %eq3A_216 : i32 to vector<96x96xi32>
      %eq3A_218 = arith.cmpi eq, %get3A_42, %eq3A_217 : vector<96x96xi32>
      %convert_element_type3A_219 = arith.extui %eq3A_218 : vector<96x96xi1> to vector<96x96xi32>
      %convert_element_type3A_220 = arith.sitofp %convert_element_type3A_219 : vector<96x96xi32> to vector<96x96xf32>
      %jit3A_221 = arith.constant 0.000000e+00 : f32
      %broadcast_in_dim3A_222 = vector.broadcast %jit3A_221 : f32 to vector<96x96xf32>
      %select_n3A_223 = arith.select %eq3A_48, %convert_element_type3A_220, %broadcast_in_dim3A_222 : vector<96x96xi1>, vector<96x96xf32>
      %reduce_sum3A_224 = arith.constant dense<0.000000e+00> : vector<96xf32>
      %reduce_sum3A_225 = vector.multi_reduction <add>, %select_n3A_223, %reduce_sum3A_224 [0] : vector<96x96xf32> to vector<96xf32>
      %broadcast_in_dim3A_226 = vector.shape_cast %reduce_sum3A_225 : vector<96xf32> to vector<1x96xf32>
      %eq3A_227 = arith.constant 9 : i32
      %eq3A_228 = vector.broadcast %eq3A_227 : i32 to vector<96x96xi32>
      %eq3A_229 = arith.cmpi eq, %get3A_45, %eq3A_228 : vector<96x96xi32>
      %convert_element_type3A_230 = arith.extui %eq3A_229 : vector<96x96xi1> to vector<96x96xi32>
      %convert_element_type3A_231 = arith.sitofp %convert_element_type3A_230 : vector<96x96xi32> to vector<96x96xf32>
      %reduce_sum3A_232 = arith.constant dense<0.000000e+00> : vector<96xf32>
      %reduce_sum3A_233 = vector.multi_reduction <add>, %convert_element_type3A_231, %reduce_sum3A_232 [0] : vector<96x96xf32> to vector<96xf32>
      %broadcast_in_dim3A_234 = vector.shape_cast %reduce_sum3A_233 : vector<96xf32> to vector<1x96xf32>
      %rsqrt3A_235 = math.rsqrt %broadcast_in_dim3A_234 : vector<1x96xf32>
      %eq3A_236 = arith.constant 9 : i32
      %eq3A_237 = vector.broadcast %eq3A_236 : i32 to vector<96x96xi32>
      %eq3A_238 = arith.cmpi eq, %get3A_42, %eq3A_237 : vector<96x96xi32>
      %convert_element_type3A_239 = arith.extui %eq3A_238 : vector<96x96xi1> to vector<96x96xi32>
      %convert_element_type3A_240 = arith.sitofp %convert_element_type3A_239 : vector<96x96xi32> to vector<96x96xf32>
      %jit3A_241 = arith.constant 0.000000e+00 : f32
      %broadcast_in_dim3A_242 = vector.broadcast %jit3A_241 : f32 to vector<96x96xf32>
      %select_n3A_243 = arith.select %eq3A_48, %convert_element_type3A_240, %broadcast_in_dim3A_242 : vector<96x96xi1>, vector<96x96xf32>
      %reduce_sum3A_244 = arith.constant dense<0.000000e+00> : vector<96xf32>
      %reduce_sum3A_245 = vector.multi_reduction <add>, %select_n3A_243, %reduce_sum3A_244 [0] : vector<96x96xf32> to vector<96xf32>
      %broadcast_in_dim3A_246 = vector.shape_cast %reduce_sum3A_245 : vector<96xf32> to vector<1x96xf32>
      %eq3A_247 = arith.constant 10 : i32
      %eq3A_248 = vector.broadcast %eq3A_247 : i32 to vector<96x96xi32>
      %eq3A_249 = arith.cmpi eq, %get3A_45, %eq3A_248 : vector<96x96xi32>
      %convert_element_type3A_250 = arith.extui %eq3A_249 : vector<96x96xi1> to vector<96x96xi32>
      %convert_element_type3A_251 = arith.sitofp %convert_element_type3A_250 : vector<96x96xi32> to vector<96x96xf32>
      %reduce_sum3A_252 = arith.constant dense<0.000000e+00> : vector<96xf32>
      %reduce_sum3A_253 = vector.multi_reduction <add>, %convert_element_type3A_251, %reduce_sum3A_252 [0] : vector<96x96xf32> to vector<96xf32>
      %broadcast_in_dim3A_254 = vector.shape_cast %reduce_sum3A_253 : vector<96xf32> to vector<1x96xf32>
      %rsqrt3A_255 = math.rsqrt %broadcast_in_dim3A_254 : vector<1x96xf32>
      %eq3A_256 = arith.constant 10 : i32
      %eq3A_257 = vector.broadcast %eq3A_256 : i32 to vector<96x96xi32>
      %eq3A_258 = arith.cmpi eq, %get3A_42, %eq3A_257 : vector<96x96xi32>
      %convert_element_type3A_259 = arith.extui %eq3A_258 : vector<96x96xi1> to vector<96x96xi32>
      %convert_element_type3A_260 = arith.sitofp %convert_element_type3A_259 : vector<96x96xi32> to vector<96x96xf32>
      %jit3A_261 = arith.constant 0.000000e+00 : f32
      %broadcast_in_dim3A_262 = vector.broadcast %jit3A_261 : f32 to vector<96x96xf32>
      %select_n3A_263 = arith.select %eq3A_48, %convert_element_type3A_260, %broadcast_in_dim3A_262 : vector<96x96xi1>, vector<96x96xf32>
      %reduce_sum3A_264 = arith.constant dense<0.000000e+00> : vector<96xf32>
      %reduce_sum3A_265 = vector.multi_reduction <add>, %select_n3A_263, %reduce_sum3A_264 [0] : vector<96x96xf32> to vector<96xf32>
      %broadcast_in_dim3A_266 = vector.shape_cast %reduce_sum3A_265 : vector<96xf32> to vector<1x96xf32>
      %eq3A_267 = arith.constant 11 : i32
      %eq3A_268 = vector.broadcast %eq3A_267 : i32 to vector<96x96xi32>
      %eq3A_269 = arith.cmpi eq, %get3A_45, %eq3A_268 : vector<96x96xi32>
      %convert_element_type3A_270 = arith.extui %eq3A_269 : vector<96x96xi1> to vector<96x96xi32>
      %convert_element_type3A_271 = arith.sitofp %convert_element_type3A_270 : vector<96x96xi32> to vector<96x96xf32>
      %reduce_sum3A_272 = arith.constant dense<0.000000e+00> : vector<96xf32>
      %reduce_sum3A_273 = vector.multi_reduction <add>, %convert_element_type3A_271, %reduce_sum3A_272 [0] : vector<96x96xf32> to vector<96xf32>
      %broadcast_in_dim3A_274 = vector.shape_cast %reduce_sum3A_273 : vector<96xf32> to vector<1x96xf32>
      %rsqrt3A_275 = math.rsqrt %broadcast_in_dim3A_274 : vector<1x96xf32>
      %eq3A_276 = arith.constant 11 : i32
      %eq3A_277 = vector.broadcast %eq3A_276 : i32 to vector<96x96xi32>
      %eq3A_278 = arith.cmpi eq, %get3A_42, %eq3A_277 : vector<96x96xi32>
      %convert_element_type3A_279 = arith.extui %eq3A_278 : vector<96x96xi1> to vector<96x96xi32>
      %convert_element_type3A_280 = arith.sitofp %convert_element_type3A_279 : vector<96x96xi32> to vector<96x96xf32>
      %jit3A_281 = arith.constant 0.000000e+00 : f32
      %broadcast_in_dim3A_282 = vector.broadcast %jit3A_281 : f32 to vector<96x96xf32>
      %select_n3A_283 = arith.select %eq3A_48, %convert_element_type3A_280, %broadcast_in_dim3A_282 : vector<96x96xi1>, vector<96x96xf32>
      %reduce_sum3A_284 = arith.constant dense<0.000000e+00> : vector<96xf32>
      %reduce_sum3A_285 = vector.multi_reduction <add>, %select_n3A_283, %reduce_sum3A_284 [0] : vector<96x96xf32> to vector<96xf32>
      %broadcast_in_dim3A_286 = vector.shape_cast %reduce_sum3A_285 : vector<96xf32> to vector<1x96xf32>
      %eq3A_287 = arith.constant 12 : i32
      %eq3A_288 = vector.broadcast %eq3A_287 : i32 to vector<96x96xi32>
      %eq3A_289 = arith.cmpi eq, %get3A_45, %eq3A_288 : vector<96x96xi32>
      %convert_element_type3A_290 = arith.extui %eq3A_289 : vector<96x96xi1> to vector<96x96xi32>
      %convert_element_type3A_291 = arith.sitofp %convert_element_type3A_290 : vector<96x96xi32> to vector<96x96xf32>
      %reduce_sum3A_292 = arith.constant dense<0.000000e+00> : vector<96xf32>
      %reduce_sum3A_293 = vector.multi_reduction <add>, %convert_element_type3A_291, %reduce_sum3A_292 [0] : vector<96x96xf32> to vector<96xf32>
      %broadcast_in_dim3A_294 = vector.shape_cast %reduce_sum3A_293 : vector<96xf32> to vector<1x96xf32>
      %rsqrt3A_295 = math.rsqrt %broadcast_in_dim3A_294 : vector<1x96xf32>
      %eq3A_296 = arith.constant 12 : i32
      %eq3A_297 = vector.broadcast %eq3A_296 : i32 to vector<96x96xi32>
      %eq3A_298 = arith.cmpi eq, %get3A_42, %eq3A_297 : vector<96x96xi32>
      %convert_element_type3A_299 = arith.extui %eq3A_298 : vector<96x96xi1> to vector<96x96xi32>
      %convert_element_type3A_300 = arith.sitofp %convert_element_type3A_299 : vector<96x96xi32> to vector<96x96xf32>
      %jit3A_301 = arith.constant 0.000000e+00 : f32
      %broadcast_in_dim3A_302 = vector.broadcast %jit3A_301 : f32 to vector<96x96xf32>
      %select_n3A_303 = arith.select %eq3A_48, %convert_element_type3A_300, %broadcast_in_dim3A_302 : vector<96x96xi1>, vector<96x96xf32>
      %reduce_sum3A_304 = arith.constant dense<0.000000e+00> : vector<96xf32>
      %reduce_sum3A_305 = vector.multi_reduction <add>, %select_n3A_303, %reduce_sum3A_304 [0] : vector<96x96xf32> to vector<96xf32>
      %broadcast_in_dim3A_306 = vector.shape_cast %reduce_sum3A_305 : vector<96xf32> to vector<1x96xf32>
      %eq3A_307 = arith.constant 13 : i32
      %eq3A_308 = vector.broadcast %eq3A_307 : i32 to vector<96x96xi32>
      %eq3A_309 = arith.cmpi eq, %get3A_45, %eq3A_308 : vector<96x96xi32>
      %convert_element_type3A_310 = arith.extui %eq3A_309 : vector<96x96xi1> to vector<96x96xi32>
      %convert_element_type3A_311 = arith.sitofp %convert_element_type3A_310 : vector<96x96xi32> to vector<96x96xf32>
      %reduce_sum3A_312 = arith.constant dense<0.000000e+00> : vector<96xf32>
      %reduce_sum3A_313 = vector.multi_reduction <add>, %convert_element_type3A_311, %reduce_sum3A_312 [0] : vector<96x96xf32> to vector<96xf32>
      %broadcast_in_dim3A_314 = vector.shape_cast %reduce_sum3A_313 : vector<96xf32> to vector<1x96xf32>
      %rsqrt3A_315 = math.rsqrt %broadcast_in_dim3A_314 : vector<1x96xf32>
      %eq3A_316 = arith.constant 13 : i32
      %eq3A_317 = vector.broadcast %eq3A_316 : i32 to vector<96x96xi32>
      %eq3A_318 = arith.cmpi eq, %get3A_42, %eq3A_317 : vector<96x96xi32>
      %convert_element_type3A_319 = arith.extui %eq3A_318 : vector<96x96xi1> to vector<96x96xi32>
      %convert_element_type3A_320 = arith.sitofp %convert_element_type3A_319 : vector<96x96xi32> to vector<96x96xf32>
      %jit3A_321 = arith.constant 0.000000e+00 : f32
      %broadcast_in_dim3A_322 = vector.broadcast %jit3A_321 : f32 to vector<96x96xf32>
      %select_n3A_323 = arith.select %eq3A_48, %convert_element_type3A_320, %broadcast_in_dim3A_322 : vector<96x96xi1>, vector<96x96xf32>
      %reduce_sum3A_324 = arith.constant dense<0.000000e+00> : vector<96xf32>
      %reduce_sum3A_325 = vector.multi_reduction <add>, %select_n3A_323, %reduce_sum3A_324 [0] : vector<96x96xf32> to vector<96xf32>
      %broadcast_in_dim3A_326 = vector.shape_cast %reduce_sum3A_325 : vector<96xf32> to vector<1x96xf32>
      %eq3A_327 = arith.constant 14 : i32
      %eq3A_328 = vector.broadcast %eq3A_327 : i32 to vector<96x96xi32>
      %eq3A_329 = arith.cmpi eq, %get3A_45, %eq3A_328 : vector<96x96xi32>
      %convert_element_type3A_330 = arith.extui %eq3A_329 : vector<96x96xi1> to vector<96x96xi32>
      %convert_element_type3A_331 = arith.sitofp %convert_element_type3A_330 : vector<96x96xi32> to vector<96x96xf32>
      %reduce_sum3A_332 = arith.constant dense<0.000000e+00> : vector<96xf32>
      %reduce_sum3A_333 = vector.multi_reduction <add>, %convert_element_type3A_331, %reduce_sum3A_332 [0] : vector<96x96xf32> to vector<96xf32>
      %broadcast_in_dim3A_334 = vector.shape_cast %reduce_sum3A_333 : vector<96xf32> to vector<1x96xf32>
      %rsqrt3A_335 = math.rsqrt %broadcast_in_dim3A_334 : vector<1x96xf32>
      %eq3A_336 = arith.constant 14 : i32
      %eq3A_337 = vector.broadcast %eq3A_336 : i32 to vector<96x96xi32>
      %eq3A_338 = arith.cmpi eq, %get3A_42, %eq3A_337 : vector<96x96xi32>
      %convert_element_type3A_339 = arith.extui %eq3A_338 : vector<96x96xi1> to vector<96x96xi32>
      %convert_element_type3A_340 = arith.sitofp %convert_element_type3A_339 : vector<96x96xi32> to vector<96x96xf32>
      %jit3A_341 = arith.constant 0.000000e+00 : f32
      %broadcast_in_dim3A_342 = vector.broadcast %jit3A_341 : f32 to vector<96x96xf32>
      %select_n3A_343 = arith.select %eq3A_48, %convert_element_type3A_340, %broadcast_in_dim3A_342 : vector<96x96xi1>, vector<96x96xf32>
      %reduce_sum3A_344 = arith.constant dense<0.000000e+00> : vector<96xf32>
      %reduce_sum3A_345 = vector.multi_reduction <add>, %select_n3A_343, %reduce_sum3A_344 [0] : vector<96x96xf32> to vector<96xf32>
      %broadcast_in_dim3A_346 = vector.shape_cast %reduce_sum3A_345 : vector<96xf32> to vector<1x96xf32>
      %eq3A_347 = arith.constant 15 : i32
      %eq3A_348 = vector.broadcast %eq3A_347 : i32 to vector<96x96xi32>
      %eq3A_349 = arith.cmpi eq, %get3A_45, %eq3A_348 : vector<96x96xi32>
      %convert_element_type3A_350 = arith.extui %eq3A_349 : vector<96x96xi1> to vector<96x96xi32>
      %convert_element_type3A_351 = arith.sitofp %convert_element_type3A_350 : vector<96x96xi32> to vector<96x96xf32>
      %reduce_sum3A_352 = arith.constant dense<0.000000e+00> : vector<96xf32>
      %reduce_sum3A_353 = vector.multi_reduction <add>, %convert_element_type3A_351, %reduce_sum3A_352 [0] : vector<96x96xf32> to vector<96xf32>
      %broadcast_in_dim3A_354 = vector.shape_cast %reduce_sum3A_353 : vector<96xf32> to vector<1x96xf32>
      %rsqrt3A_355 = math.rsqrt %broadcast_in_dim3A_354 : vector<1x96xf32>
      %eq3A_356 = arith.constant 15 : i32
      %eq3A_357 = vector.broadcast %eq3A_356 : i32 to vector<96x96xi32>
      %eq3A_358 = arith.cmpi eq, %get3A_42, %eq3A_357 : vector<96x96xi32>
      %convert_element_type3A_359 = arith.extui %eq3A_358 : vector<96x96xi1> to vector<96x96xi32>
      %convert_element_type3A_360 = arith.sitofp %convert_element_type3A_359 : vector<96x96xi32> to vector<96x96xf32>
      %jit3A_361 = arith.constant 0.000000e+00 : f32
      %broadcast_in_dim3A_362 = vector.broadcast %jit3A_361 : f32 to vector<96x96xf32>
      %select_n3A_363 = arith.select %eq3A_48, %convert_element_type3A_360, %broadcast_in_dim3A_362 : vector<96x96xi1>, vector<96x96xf32>
      %reduce_sum3A_364 = arith.constant dense<0.000000e+00> : vector<96xf32>
      %reduce_sum3A_365 = vector.multi_reduction <add>, %select_n3A_363, %reduce_sum3A_364 [0] : vector<96x96xf32> to vector<96xf32>
      %broadcast_in_dim3A_366 = vector.shape_cast %reduce_sum3A_365 : vector<96xf32> to vector<1x96xf32>
      %eq3A_367 = arith.constant 16 : i32
      %eq3A_368 = vector.broadcast %eq3A_367 : i32 to vector<96x96xi32>
      %eq3A_369 = arith.cmpi eq, %get3A_45, %eq3A_368 : vector<96x96xi32>
      %convert_element_type3A_370 = arith.extui %eq3A_369 : vector<96x96xi1> to vector<96x96xi32>
      %convert_element_type3A_371 = arith.sitofp %convert_element_type3A_370 : vector<96x96xi32> to vector<96x96xf32>
      %reduce_sum3A_372 = arith.constant dense<0.000000e+00> : vector<96xf32>
      %reduce_sum3A_373 = vector.multi_reduction <add>, %convert_element_type3A_371, %reduce_sum3A_372 [0] : vector<96x96xf32> to vector<96xf32>
      %broadcast_in_dim3A_374 = vector.shape_cast %reduce_sum3A_373 : vector<96xf32> to vector<1x96xf32>
      %rsqrt3A_375 = math.rsqrt %broadcast_in_dim3A_374 : vector<1x96xf32>
      %eq3A_376 = arith.constant 16 : i32
      %eq3A_377 = vector.broadcast %eq3A_376 : i32 to vector<96x96xi32>
      %eq3A_378 = arith.cmpi eq, %get3A_42, %eq3A_377 : vector<96x96xi32>
      %convert_element_type3A_379 = arith.extui %eq3A_378 : vector<96x96xi1> to vector<96x96xi32>
      %convert_element_type3A_380 = arith.sitofp %convert_element_type3A_379 : vector<96x96xi32> to vector<96x96xf32>
      %jit3A_381 = arith.constant 0.000000e+00 : f32
      %broadcast_in_dim3A_382 = vector.broadcast %jit3A_381 : f32 to vector<96x96xf32>
      %select_n3A_383 = arith.select %eq3A_48, %convert_element_type3A_380, %broadcast_in_dim3A_382 : vector<96x96xi1>, vector<96x96xf32>
      %reduce_sum3A_384 = arith.constant dense<0.000000e+00> : vector<96xf32>
      %reduce_sum3A_385 = vector.multi_reduction <add>, %select_n3A_383, %reduce_sum3A_384 [0] : vector<96x96xf32> to vector<96xf32>
      %broadcast_in_dim3A_386 = vector.shape_cast %reduce_sum3A_385 : vector<96xf32> to vector<1x96xf32>
      %eq3A_387 = arith.constant 17 : i32
      %eq3A_388 = vector.broadcast %eq3A_387 : i32 to vector<96x96xi32>
      %eq3A_389 = arith.cmpi eq, %get3A_45, %eq3A_388 : vector<96x96xi32>
      %convert_element_type3A_390 = arith.extui %eq3A_389 : vector<96x96xi1> to vector<96x96xi32>
      %convert_element_type3A_391 = arith.sitofp %convert_element_type3A_390 : vector<96x96xi32> to vector<96x96xf32>
      %reduce_sum3A_392 = arith.constant dense<0.000000e+00> : vector<96xf32>
      %reduce_sum3A_393 = vector.multi_reduction <add>, %convert_element_type3A_391, %reduce_sum3A_392 [0] : vector<96x96xf32> to vector<96xf32>
      %broadcast_in_dim3A_394 = vector.shape_cast %reduce_sum3A_393 : vector<96xf32> to vector<1x96xf32>
      %rsqrt3A_395 = math.rsqrt %broadcast_in_dim3A_394 : vector<1x96xf32>
      %eq3A_396 = arith.constant 17 : i32
      %eq3A_397 = vector.broadcast %eq3A_396 : i32 to vector<96x96xi32>
      %eq3A_398 = arith.cmpi eq, %get3A_42, %eq3A_397 : vector<96x96xi32>
      %convert_element_type3A_399 = arith.extui %eq3A_398 : vector<96x96xi1> to vector<96x96xi32>
      %convert_element_type3A_400 = arith.sitofp %convert_element_type3A_399 : vector<96x96xi32> to vector<96x96xf32>
      %jit3A_401 = arith.constant 0.000000e+00 : f32
      %broadcast_in_dim3A_402 = vector.broadcast %jit3A_401 : f32 to vector<96x96xf32>
      %select_n3A_403 = arith.select %eq3A_48, %convert_element_type3A_400, %broadcast_in_dim3A_402 : vector<96x96xi1>, vector<96x96xf32>
      %reduce_sum3A_404 = arith.constant dense<0.000000e+00> : vector<96xf32>
      %reduce_sum3A_405 = vector.multi_reduction <add>, %select_n3A_403, %reduce_sum3A_404 [0] : vector<96x96xf32> to vector<96xf32>
      %broadcast_in_dim3A_406 = vector.shape_cast %reduce_sum3A_405 : vector<96xf32> to vector<1x96xf32>
      %eq3A_407 = arith.constant 18 : i32
      %eq3A_408 = vector.broadcast %eq3A_407 : i32 to vector<96x96xi32>
      %eq3A_409 = arith.cmpi eq, %get3A_45, %eq3A_408 : vector<96x96xi32>
      %convert_element_type3A_410 = arith.extui %eq3A_409 : vector<96x96xi1> to vector<96x96xi32>
      %convert_element_type3A_411 = arith.sitofp %convert_element_type3A_410 : vector<96x96xi32> to vector<96x96xf32>
      %reduce_sum3A_412 = arith.constant dense<0.000000e+00> : vector<96xf32>
      %reduce_sum3A_413 = vector.multi_reduction <add>, %convert_element_type3A_411, %reduce_sum3A_412 [0] : vector<96x96xf32> to vector<96xf32>
      %broadcast_in_dim3A_414 = vector.shape_cast %reduce_sum3A_413 : vector<96xf32> to vector<1x96xf32>
      %rsqrt3A_415 = math.rsqrt %broadcast_in_dim3A_414 : vector<1x96xf32>
      %eq3A_416 = arith.constant 18 : i32
      %eq3A_417 = vector.broadcast %eq3A_416 : i32 to vector<96x96xi32>
      %eq3A_418 = arith.cmpi eq, %get3A_42, %eq3A_417 : vector<96x96xi32>
      %convert_element_type3A_419 = arith.extui %eq3A_418 : vector<96x96xi1> to vector<96x96xi32>
      %convert_element_type3A_420 = arith.sitofp %convert_element_type3A_419 : vector<96x96xi32> to vector<96x96xf32>
      %jit3A_421 = arith.constant 0.000000e+00 : f32
      %broadcast_in_dim3A_422 = vector.broadcast %jit3A_421 : f32 to vector<96x96xf32>
      %select_n3A_423 = arith.select %eq3A_48, %convert_element_type3A_420, %broadcast_in_dim3A_422 : vector<96x96xi1>, vector<96x96xf32>
      %reduce_sum3A_424 = arith.constant dense<0.000000e+00> : vector<96xf32>
      %reduce_sum3A_425 = vector.multi_reduction <add>, %select_n3A_423, %reduce_sum3A_424 [0] : vector<96x96xf32> to vector<96xf32>
      %broadcast_in_dim3A_426 = vector.shape_cast %reduce_sum3A_425 : vector<96xf32> to vector<1x96xf32>
      %eq3A_427 = arith.constant 19 : i32
      %eq3A_428 = vector.broadcast %eq3A_427 : i32 to vector<96x96xi32>
      %eq3A_429 = arith.cmpi eq, %get3A_45, %eq3A_428 : vector<96x96xi32>
      %convert_element_type3A_430 = arith.extui %eq3A_429 : vector<96x96xi1> to vector<96x96xi32>
      %convert_element_type3A_431 = arith.sitofp %convert_element_type3A_430 : vector<96x96xi32> to vector<96x96xf32>
      %reduce_sum3A_432 = arith.constant dense<0.000000e+00> : vector<96xf32>
      %reduce_sum3A_433 = vector.multi_reduction <add>, %convert_element_type3A_431, %reduce_sum3A_432 [0] : vector<96x96xf32> to vector<96xf32>
      %broadcast_in_dim3A_434 = vector.shape_cast %reduce_sum3A_433 : vector<96xf32> to vector<1x96xf32>
      %rsqrt3A_435 = math.rsqrt %broadcast_in_dim3A_434 : vector<1x96xf32>
      %eq3A_436 = arith.constant 19 : i32
      %eq3A_437 = vector.broadcast %eq3A_436 : i32 to vector<96x96xi32>
      %eq3A_438 = arith.cmpi eq, %get3A_42, %eq3A_437 : vector<96x96xi32>
      %convert_element_type3A_439 = arith.extui %eq3A_438 : vector<96x96xi1> to vector<96x96xi32>
      %convert_element_type3A_440 = arith.sitofp %convert_element_type3A_439 : vector<96x96xi32> to vector<96x96xf32>
      %jit3A_441 = arith.constant 0.000000e+00 : f32
      %broadcast_in_dim3A_442 = vector.broadcast %jit3A_441 : f32 to vector<96x96xf32>
      %select_n3A_443 = arith.select %eq3A_48, %convert_element_type3A_440, %broadcast_in_dim3A_442 : vector<96x96xi1>, vector<96x96xf32>
      %reduce_sum3A_444 = arith.constant dense<0.000000e+00> : vector<96xf32>
      %reduce_sum3A_445 = vector.multi_reduction <add>, %select_n3A_443, %reduce_sum3A_444 [0] : vector<96x96xf32> to vector<96xf32>
      %broadcast_in_dim3A_446 = vector.shape_cast %reduce_sum3A_445 : vector<96xf32> to vector<1x96xf32>
      %eq3A_447 = arith.constant 20 : i32
      %eq3A_448 = vector.broadcast %eq3A_447 : i32 to vector<96x96xi32>
      %eq3A_449 = arith.cmpi eq, %get3A_45, %eq3A_448 : vector<96x96xi32>
      %convert_element_type3A_450 = arith.extui %eq3A_449 : vector<96x96xi1> to vector<96x96xi32>
      %convert_element_type3A_451 = arith.sitofp %convert_element_type3A_450 : vector<96x96xi32> to vector<96x96xf32>
      %reduce_sum3A_452 = arith.constant dense<0.000000e+00> : vector<96xf32>
      %reduce_sum3A_453 = vector.multi_reduction <add>, %convert_element_type3A_451, %reduce_sum3A_452 [0] : vector<96x96xf32> to vector<96xf32>
      %broadcast_in_dim3A_454 = vector.shape_cast %reduce_sum3A_453 : vector<96xf32> to vector<1x96xf32>
      %rsqrt3A_455 = math.rsqrt %broadcast_in_dim3A_454 : vector<1x96xf32>
      %eq3A_456 = arith.constant 20 : i32
      %eq3A_457 = vector.broadcast %eq3A_456 : i32 to vector<96x96xi32>
      %eq3A_458 = arith.cmpi eq, %get3A_42, %eq3A_457 : vector<96x96xi32>
      %convert_element_type3A_459 = arith.extui %eq3A_458 : vector<96x96xi1> to vector<96x96xi32>
      %convert_element_type3A_460 = arith.sitofp %convert_element_type3A_459 : vector<96x96xi32> to vector<96x96xf32>
      %jit3A_461 = arith.constant 0.000000e+00 : f32
      %broadcast_in_dim3A_462 = vector.broadcast %jit3A_461 : f32 to vector<96x96xf32>
      %select_n3A_463 = arith.select %eq3A_48, %convert_element_type3A_460, %broadcast_in_dim3A_462 : vector<96x96xi1>, vector<96x96xf32>
      %reduce_sum3A_464 = arith.constant dense<0.000000e+00> : vector<96xf32>
      %reduce_sum3A_465 = vector.multi_reduction <add>, %select_n3A_463, %reduce_sum3A_464 [0] : vector<96x96xf32> to vector<96xf32>
      %broadcast_in_dim3A_466 = vector.shape_cast %reduce_sum3A_465 : vector<96xf32> to vector<1x96xf32>
      %eq3A_467 = arith.constant 21 : i32
      %eq3A_468 = vector.broadcast %eq3A_467 : i32 to vector<96x96xi32>
      %eq3A_469 = arith.cmpi eq, %get3A_45, %eq3A_468 : vector<96x96xi32>
      %convert_element_type3A_470 = arith.extui %eq3A_469 : vector<96x96xi1> to vector<96x96xi32>
      %convert_element_type3A_471 = arith.sitofp %convert_element_type3A_470 : vector<96x96xi32> to vector<96x96xf32>
      %reduce_sum3A_472 = arith.constant dense<0.000000e+00> : vector<96xf32>
      %reduce_sum3A_473 = vector.multi_reduction <add>, %convert_element_type3A_471, %reduce_sum3A_472 [0] : vector<96x96xf32> to vector<96xf32>
      %broadcast_in_dim3A_474 = vector.shape_cast %reduce_sum3A_473 : vector<96xf32> to vector<1x96xf32>
      %rsqrt3A_475 = math.rsqrt %broadcast_in_dim3A_474 : vector<1x96xf32>
      %eq3A_476 = arith.constant 21 : i32
      %eq3A_477 = vector.broadcast %eq3A_476 : i32 to vector<96x96xi32>
      %eq3A_478 = arith.cmpi eq, %get3A_42, %eq3A_477 : vector<96x96xi32>
      %convert_element_type3A_479 = arith.extui %eq3A_478 : vector<96x96xi1> to vector<96x96xi32>
      %convert_element_type3A_480 = arith.sitofp %convert_element_type3A_479 : vector<96x96xi32> to vector<96x96xf32>
      %jit3A_481 = arith.constant 0.000000e+00 : f32
      %broadcast_in_dim3A_482 = vector.broadcast %jit3A_481 : f32 to vector<96x96xf32>
      %select_n3A_483 = arith.select %eq3A_48, %convert_element_type3A_480, %broadcast_in_dim3A_482 : vector<96x96xi1>, vector<96x96xf32>
      %reduce_sum3A_484 = arith.constant dense<0.000000e+00> : vector<96xf32>
      %reduce_sum3A_485 = vector.multi_reduction <add>, %select_n3A_483, %reduce_sum3A_484 [0] : vector<96x96xf32> to vector<96xf32>
      %broadcast_in_dim3A_486 = vector.shape_cast %reduce_sum3A_485 : vector<96xf32> to vector<1x96xf32>
      %eq3A_487 = arith.constant 22 : i32
      %eq3A_488 = vector.broadcast %eq3A_487 : i32 to vector<96x96xi32>
      %eq3A_489 = arith.cmpi eq, %get3A_45, %eq3A_488 : vector<96x96xi32>
      %convert_element_type3A_490 = arith.extui %eq3A_489 : vector<96x96xi1> to vector<96x96xi32>
      %convert_element_type3A_491 = arith.sitofp %convert_element_type3A_490 : vector<96x96xi32> to vector<96x96xf32>
      %reduce_sum3A_492 = arith.constant dense<0.000000e+00> : vector<96xf32>
      %reduce_sum3A_493 = vector.multi_reduction <add>, %convert_element_type3A_491, %reduce_sum3A_492 [0] : vector<96x96xf32> to vector<96xf32>
      %broadcast_in_dim3A_494 = vector.shape_cast %reduce_sum3A_493 : vector<96xf32> to vector<1x96xf32>
      %rsqrt3A_495 = math.rsqrt %broadcast_in_dim3A_494 : vector<1x96xf32>
      %eq3A_496 = arith.constant 22 : i32
      %eq3A_497 = vector.broadcast %eq3A_496 : i32 to vector<96x96xi32>
      %eq3A_498 = arith.cmpi eq, %get3A_42, %eq3A_497 : vector<96x96xi32>
      %convert_element_type3A_499 = arith.extui %eq3A_498 : vector<96x96xi1> to vector<96x96xi32>
      %convert_element_type3A_500 = arith.sitofp %convert_element_type3A_499 : vector<96x96xi32> to vector<96x96xf32>
      %jit3A_501 = arith.constant 0.000000e+00 : f32
      %broadcast_in_dim3A_502 = vector.broadcast %jit3A_501 : f32 to vector<96x96xf32>
      %select_n3A_503 = arith.select %eq3A_48, %convert_element_type3A_500, %broadcast_in_dim3A_502 : vector<96x96xi1>, vector<96x96xf32>
      %reduce_sum3A_504 = arith.constant dense<0.000000e+00> : vector<96xf32>
      %reduce_sum3A_505 = vector.multi_reduction <add>, %select_n3A_503, %reduce_sum3A_504 [0] : vector<96x96xf32> to vector<96xf32>
      %broadcast_in_dim3A_506 = vector.shape_cast %reduce_sum3A_505 : vector<96xf32> to vector<1x96xf32>
      %eq3A_507 = arith.constant 23 : i32
      %eq3A_508 = vector.broadcast %eq3A_507 : i32 to vector<96x96xi32>
      %eq3A_509 = arith.cmpi eq, %get3A_45, %eq3A_508 : vector<96x96xi32>
      %convert_element_type3A_510 = arith.extui %eq3A_509 : vector<96x96xi1> to vector<96x96xi32>
      %convert_element_type3A_511 = arith.sitofp %convert_element_type3A_510 : vector<96x96xi32> to vector<96x96xf32>
      %reduce_sum3A_512 = arith.constant dense<0.000000e+00> : vector<96xf32>
      %reduce_sum3A_513 = vector.multi_reduction <add>, %convert_element_type3A_511, %reduce_sum3A_512 [0] : vector<96x96xf32> to vector<96xf32>
      %broadcast_in_dim3A_514 = vector.shape_cast %reduce_sum3A_513 : vector<96xf32> to vector<1x96xf32>
      %rsqrt3A_515 = math.rsqrt %broadcast_in_dim3A_514 : vector<1x96xf32>
      %eq3A_516 = arith.constant 23 : i32
      %eq3A_517 = vector.broadcast %eq3A_516 : i32 to vector<96x96xi32>
      %eq3A_518 = arith.cmpi eq, %get3A_42, %eq3A_517 : vector<96x96xi32>
      %convert_element_type3A_519 = arith.extui %eq3A_518 : vector<96x96xi1> to vector<96x96xi32>
      %convert_element_type3A_520 = arith.sitofp %convert_element_type3A_519 : vector<96x96xi32> to vector<96x96xf32>
      %jit3A_521 = arith.constant 0.000000e+00 : f32
      %broadcast_in_dim3A_522 = vector.broadcast %jit3A_521 : f32 to vector<96x96xf32>
      %select_n3A_523 = arith.select %eq3A_48, %convert_element_type3A_520, %broadcast_in_dim3A_522 : vector<96x96xi1>, vector<96x96xf32>
      %reduce_sum3A_524 = arith.constant dense<0.000000e+00> : vector<96xf32>
      %reduce_sum3A_525 = vector.multi_reduction <add>, %select_n3A_523, %reduce_sum3A_524 [0] : vector<96x96xf32> to vector<96xf32>
      %broadcast_in_dim3A_526 = vector.shape_cast %reduce_sum3A_525 : vector<96xf32> to vector<1x96xf32>
      %eq3A_527 = arith.constant 24 : i32
      %eq3A_528 = vector.broadcast %eq3A_527 : i32 to vector<96x96xi32>
      %eq3A_529 = arith.cmpi eq, %get3A_45, %eq3A_528 : vector<96x96xi32>
      %convert_element_type3A_530 = arith.extui %eq3A_529 : vector<96x96xi1> to vector<96x96xi32>
      %convert_element_type3A_531 = arith.sitofp %convert_element_type3A_530 : vector<96x96xi32> to vector<96x96xf32>
      %reduce_sum3A_532 = arith.constant dense<0.000000e+00> : vector<96xf32>
      %reduce_sum3A_533 = vector.multi_reduction <add>, %convert_element_type3A_531, %reduce_sum3A_532 [0] : vector<96x96xf32> to vector<96xf32>
      %broadcast_in_dim3A_534 = vector.shape_cast %reduce_sum3A_533 : vector<96xf32> to vector<1x96xf32>
      %rsqrt3A_535 = math.rsqrt %broadcast_in_dim3A_534 : vector<1x96xf32>
      %eq3A_536 = arith.constant 24 : i32
      %eq3A_537 = vector.broadcast %eq3A_536 : i32 to vector<96x96xi32>
      %eq3A_538 = arith.cmpi eq, %get3A_42, %eq3A_537 : vector<96x96xi32>
      %convert_element_type3A_539 = arith.extui %eq3A_538 : vector<96x96xi1> to vector<96x96xi32>
      %convert_element_type3A_540 = arith.sitofp %convert_element_type3A_539 : vector<96x96xi32> to vector<96x96xf32>
      %jit3A_541 = arith.constant 0.000000e+00 : f32
      %broadcast_in_dim3A_542 = vector.broadcast %jit3A_541 : f32 to vector<96x96xf32>
      %select_n3A_543 = arith.select %eq3A_48, %convert_element_type3A_540, %broadcast_in_dim3A_542 : vector<96x96xi1>, vector<96x96xf32>
      %reduce_sum3A_544 = arith.constant dense<0.000000e+00> : vector<96xf32>
      %reduce_sum3A_545 = vector.multi_reduction <add>, %select_n3A_543, %reduce_sum3A_544 [0] : vector<96x96xf32> to vector<96xf32>
      %broadcast_in_dim3A_546 = vector.shape_cast %reduce_sum3A_545 : vector<96xf32> to vector<1x96xf32>
      %eq3A_547 = arith.constant 25 : i32
      %eq3A_548 = vector.broadcast %eq3A_547 : i32 to vector<96x96xi32>
      %eq3A_549 = arith.cmpi eq, %get3A_45, %eq3A_548 : vector<96x96xi32>
      %convert_element_type3A_550 = arith.extui %eq3A_549 : vector<96x96xi1> to vector<96x96xi32>
      %convert_element_type3A_551 = arith.sitofp %convert_element_type3A_550 : vector<96x96xi32> to vector<96x96xf32>
      %reduce_sum3A_552 = arith.constant dense<0.000000e+00> : vector<96xf32>
      %reduce_sum3A_553 = vector.multi_reduction <add>, %convert_element_type3A_551, %reduce_sum3A_552 [0] : vector<96x96xf32> to vector<96xf32>
      %broadcast_in_dim3A_554 = vector.shape_cast %reduce_sum3A_553 : vector<96xf32> to vector<1x96xf32>
      %rsqrt3A_555 = math.rsqrt %broadcast_in_dim3A_554 : vector<1x96xf32>
      %eq3A_556 = arith.constant 25 : i32
      %eq3A_557 = vector.broadcast %eq3A_556 : i32 to vector<96x96xi32>
      %eq3A_558 = arith.cmpi eq, %get3A_42, %eq3A_557 : vector<96x96xi32>
      %convert_element_type3A_559 = arith.extui %eq3A_558 : vector<96x96xi1> to vector<96x96xi32>
      %convert_element_type3A_560 = arith.sitofp %convert_element_type3A_559 : vector<96x96xi32> to vector<96x96xf32>
      %jit3A_561 = arith.constant 0.000000e+00 : f32
      %broadcast_in_dim3A_562 = vector.broadcast %jit3A_561 : f32 to vector<96x96xf32>
      %select_n3A_563 = arith.select %eq3A_48, %convert_element_type3A_560, %broadcast_in_dim3A_562 : vector<96x96xi1>, vector<96x96xf32>
      %reduce_sum3A_564 = arith.constant dense<0.000000e+00> : vector<96xf32>
      %reduce_sum3A_565 = vector.multi_reduction <add>, %select_n3A_563, %reduce_sum3A_564 [0] : vector<96x96xf32> to vector<96xf32>
      %broadcast_in_dim3A_566 = vector.shape_cast %reduce_sum3A_565 : vector<96xf32> to vector<1x96xf32>
      %eq3A_567 = arith.constant 26 : i32
      %eq3A_568 = vector.broadcast %eq3A_567 : i32 to vector<96x96xi32>
      %eq3A_569 = arith.cmpi eq, %get3A_45, %eq3A_568 : vector<96x96xi32>
      %convert_element_type3A_570 = arith.extui %eq3A_569 : vector<96x96xi1> to vector<96x96xi32>
      %convert_element_type3A_571 = arith.sitofp %convert_element_type3A_570 : vector<96x96xi32> to vector<96x96xf32>
      %reduce_sum3A_572 = arith.constant dense<0.000000e+00> : vector<96xf32>
      %reduce_sum3A_573 = vector.multi_reduction <add>, %convert_element_type3A_571, %reduce_sum3A_572 [0] : vector<96x96xf32> to vector<96xf32>
      %broadcast_in_dim3A_574 = vector.shape_cast %reduce_sum3A_573 : vector<96xf32> to vector<1x96xf32>
      %rsqrt3A_575 = math.rsqrt %broadcast_in_dim3A_574 : vector<1x96xf32>
      %eq3A_576 = arith.constant 26 : i32
      %eq3A_577 = vector.broadcast %eq3A_576 : i32 to vector<96x96xi32>
      %eq3A_578 = arith.cmpi eq, %get3A_42, %eq3A_577 : vector<96x96xi32>
      %convert_element_type3A_579 = arith.extui %eq3A_578 : vector<96x96xi1> to vector<96x96xi32>
      %convert_element_type3A_580 = arith.sitofp %convert_element_type3A_579 : vector<96x96xi32> to vector<96x96xf32>
      %jit3A_581 = arith.constant 0.000000e+00 : f32
      %broadcast_in_dim3A_582 = vector.broadcast %jit3A_581 : f32 to vector<96x96xf32>
      %select_n3A_583 = arith.select %eq3A_48, %convert_element_type3A_580, %broadcast_in_dim3A_582 : vector<96x96xi1>, vector<96x96xf32>
      %reduce_sum3A_584 = arith.constant dense<0.000000e+00> : vector<96xf32>
      %reduce_sum3A_585 = vector.multi_reduction <add>, %select_n3A_583, %reduce_sum3A_584 [0] : vector<96x96xf32> to vector<96xf32>
      %broadcast_in_dim3A_586 = vector.shape_cast %reduce_sum3A_585 : vector<96xf32> to vector<1x96xf32>
      %eq3A_587 = arith.constant 27 : i32
      %eq3A_588 = vector.broadcast %eq3A_587 : i32 to vector<96x96xi32>
      %eq3A_589 = arith.cmpi eq, %get3A_45, %eq3A_588 : vector<96x96xi32>
      %convert_element_type3A_590 = arith.extui %eq3A_589 : vector<96x96xi1> to vector<96x96xi32>
      %convert_element_type3A_591 = arith.sitofp %convert_element_type3A_590 : vector<96x96xi32> to vector<96x96xf32>
      %reduce_sum3A_592 = arith.constant dense<0.000000e+00> : vector<96xf32>
      %reduce_sum3A_593 = vector.multi_reduction <add>, %convert_element_type3A_591, %reduce_sum3A_592 [0] : vector<96x96xf32> to vector<96xf32>
      %broadcast_in_dim3A_594 = vector.shape_cast %reduce_sum3A_593 : vector<96xf32> to vector<1x96xf32>
      %rsqrt3A_595 = math.rsqrt %broadcast_in_dim3A_594 : vector<1x96xf32>
      %eq3A_596 = arith.constant 27 : i32
      %eq3A_597 = vector.broadcast %eq3A_596 : i32 to vector<96x96xi32>
      %eq3A_598 = arith.cmpi eq, %get3A_42, %eq3A_597 : vector<96x96xi32>
      %convert_element_type3A_599 = arith.extui %eq3A_598 : vector<96x96xi1> to vector<96x96xi32>
      %convert_element_type3A_600 = arith.sitofp %convert_element_type3A_599 : vector<96x96xi32> to vector<96x96xf32>
      %jit3A_601 = arith.constant 0.000000e+00 : f32
      %broadcast_in_dim3A_602 = vector.broadcast %jit3A_601 : f32 to vector<96x96xf32>
      %select_n3A_603 = arith.select %eq3A_48, %convert_element_type3A_600, %broadcast_in_dim3A_602 : vector<96x96xi1>, vector<96x96xf32>
      %reduce_sum3A_604 = arith.constant dense<0.000000e+00> : vector<96xf32>
      %reduce_sum3A_605 = vector.multi_reduction <add>, %select_n3A_603, %reduce_sum3A_604 [0] : vector<96x96xf32> to vector<96xf32>
      %broadcast_in_dim3A_606 = vector.shape_cast %reduce_sum3A_605 : vector<96xf32> to vector<1x96xf32>
      %eq3A_607 = arith.constant 28 : i32
      %eq3A_608 = vector.broadcast %eq3A_607 : i32 to vector<96x96xi32>
      %eq3A_609 = arith.cmpi eq, %get3A_45, %eq3A_608 : vector<96x96xi32>
      %convert_element_type3A_610 = arith.extui %eq3A_609 : vector<96x96xi1> to vector<96x96xi32>
      %convert_element_type3A_611 = arith.sitofp %convert_element_type3A_610 : vector<96x96xi32> to vector<96x96xf32>
      %reduce_sum3A_612 = arith.constant dense<0.000000e+00> : vector<96xf32>
      %reduce_sum3A_613 = vector.multi_reduction <add>, %convert_element_type3A_611, %reduce_sum3A_612 [0] : vector<96x96xf32> to vector<96xf32>
      %broadcast_in_dim3A_614 = vector.shape_cast %reduce_sum3A_613 : vector<96xf32> to vector<1x96xf32>
      %rsqrt3A_615 = math.rsqrt %broadcast_in_dim3A_614 : vector<1x96xf32>
      %eq3A_616 = arith.constant 28 : i32
      %eq3A_617 = vector.broadcast %eq3A_616 : i32 to vector<96x96xi32>
      %eq3A_618 = arith.cmpi eq, %get3A_42, %eq3A_617 : vector<96x96xi32>
      %convert_element_type3A_619 = arith.extui %eq3A_618 : vector<96x96xi1> to vector<96x96xi32>
      %convert_element_type3A_620 = arith.sitofp %convert_element_type3A_619 : vector<96x96xi32> to vector<96x96xf32>
      %jit3A_621 = arith.constant 0.000000e+00 : f32
      %broadcast_in_dim3A_622 = vector.broadcast %jit3A_621 : f32 to vector<96x96xf32>
      %select_n3A_623 = arith.select %eq3A_48, %convert_element_type3A_620, %broadcast_in_dim3A_622 : vector<96x96xi1>, vector<96x96xf32>
      %reduce_sum3A_624 = arith.constant dense<0.000000e+00> : vector<96xf32>
      %reduce_sum3A_625 = vector.multi_reduction <add>, %select_n3A_623, %reduce_sum3A_624 [0] : vector<96x96xf32> to vector<96xf32>
      %broadcast_in_dim3A_626 = vector.shape_cast %reduce_sum3A_625 : vector<96xf32> to vector<1x96xf32>
      %eq3A_627 = arith.constant 29 : i32
      %eq3A_628 = vector.broadcast %eq3A_627 : i32 to vector<96x96xi32>
      %eq3A_629 = arith.cmpi eq, %get3A_45, %eq3A_628 : vector<96x96xi32>
      %convert_element_type3A_630 = arith.extui %eq3A_629 : vector<96x96xi1> to vector<96x96xi32>
      %convert_element_type3A_631 = arith.sitofp %convert_element_type3A_630 : vector<96x96xi32> to vector<96x96xf32>
      %reduce_sum3A_632 = arith.constant dense<0.000000e+00> : vector<96xf32>
      %reduce_sum3A_633 = vector.multi_reduction <add>, %convert_element_type3A_631, %reduce_sum3A_632 [0] : vector<96x96xf32> to vector<96xf32>
      %broadcast_in_dim3A_634 = vector.shape_cast %reduce_sum3A_633 : vector<96xf32> to vector<1x96xf32>
      %rsqrt3A_635 = math.rsqrt %broadcast_in_dim3A_634 : vector<1x96xf32>
      %eq3A_636 = arith.constant 29 : i32
      %eq3A_637 = vector.broadcast %eq3A_636 : i32 to vector<96x96xi32>
      %eq3A_638 = arith.cmpi eq, %get3A_42, %eq3A_637 : vector<96x96xi32>
      %convert_element_type3A_639 = arith.extui %eq3A_638 : vector<96x96xi1> to vector<96x96xi32>
      %convert_element_type3A_640 = arith.sitofp %convert_element_type3A_639 : vector<96x96xi32> to vector<96x96xf32>
      %jit3A_641 = arith.constant 0.000000e+00 : f32
      %broadcast_in_dim3A_642 = vector.broadcast %jit3A_641 : f32 to vector<96x96xf32>
      %select_n3A_643 = arith.select %eq3A_48, %convert_element_type3A_640, %broadcast_in_dim3A_642 : vector<96x96xi1>, vector<96x96xf32>
      %reduce_sum3A_644 = arith.constant dense<0.000000e+00> : vector<96xf32>
      %reduce_sum3A_645 = vector.multi_reduction <add>, %select_n3A_643, %reduce_sum3A_644 [0] : vector<96x96xf32> to vector<96xf32>
      %broadcast_in_dim3A_646 = vector.shape_cast %reduce_sum3A_645 : vector<96xf32> to vector<1x96xf32>
      %eq3A_647 = arith.constant 30 : i32
      %eq3A_648 = vector.broadcast %eq3A_647 : i32 to vector<96x96xi32>
      %eq3A_649 = arith.cmpi eq, %get3A_45, %eq3A_648 : vector<96x96xi32>
      %convert_element_type3A_650 = arith.extui %eq3A_649 : vector<96x96xi1> to vector<96x96xi32>
      %convert_element_type3A_651 = arith.sitofp %convert_element_type3A_650 : vector<96x96xi32> to vector<96x96xf32>
      %reduce_sum3A_652 = arith.constant dense<0.000000e+00> : vector<96xf32>
      %reduce_sum3A_653 = vector.multi_reduction <add>, %convert_element_type3A_651, %reduce_sum3A_652 [0] : vector<96x96xf32> to vector<96xf32>
      %broadcast_in_dim3A_654 = vector.shape_cast %reduce_sum3A_653 : vector<96xf32> to vector<1x96xf32>
      %rsqrt3A_655 = math.rsqrt %broadcast_in_dim3A_654 : vector<1x96xf32>
      %eq3A_656 = arith.constant 30 : i32
      %eq3A_657 = vector.broadcast %eq3A_656 : i32 to vector<96x96xi32>
      %eq3A_658 = arith.cmpi eq, %get3A_42, %eq3A_657 : vector<96x96xi32>
      %convert_element_type3A_659 = arith.extui %eq3A_658 : vector<96x96xi1> to vector<96x96xi32>
      %convert_element_type3A_660 = arith.sitofp %convert_element_type3A_659 : vector<96x96xi32> to vector<96x96xf32>
      %jit3A_661 = arith.constant 0.000000e+00 : f32
      %broadcast_in_dim3A_662 = vector.broadcast %jit3A_661 : f32 to vector<96x96xf32>
      %select_n3A_663 = arith.select %eq3A_48, %convert_element_type3A_660, %broadcast_in_dim3A_662 : vector<96x96xi1>, vector<96x96xf32>
      %reduce_sum3A_664 = arith.constant dense<0.000000e+00> : vector<96xf32>
      %reduce_sum3A_665 = vector.multi_reduction <add>, %select_n3A_663, %reduce_sum3A_664 [0] : vector<96x96xf32> to vector<96xf32>
      %broadcast_in_dim3A_666 = vector.shape_cast %reduce_sum3A_665 : vector<96xf32> to vector<1x96xf32>
      %eq3A_667 = arith.constant 31 : i32
      %eq3A_668 = vector.broadcast %eq3A_667 : i32 to vector<96x96xi32>
      %eq3A_669 = arith.cmpi eq, %get3A_45, %eq3A_668 : vector<96x96xi32>
      %convert_element_type3A_670 = arith.extui %eq3A_669 : vector<96x96xi1> to vector<96x96xi32>
      %convert_element_type3A_671 = arith.sitofp %convert_element_type3A_670 : vector<96x96xi32> to vector<96x96xf32>
      %reduce_sum3A_672 = arith.constant dense<0.000000e+00> : vector<96xf32>
      %reduce_sum3A_673 = vector.multi_reduction <add>, %convert_element_type3A_671, %reduce_sum3A_672 [0] : vector<96x96xf32> to vector<96xf32>
      %broadcast_in_dim3A_674 = vector.shape_cast %reduce_sum3A_673 : vector<96xf32> to vector<1x96xf32>
      %rsqrt3A_675 = math.rsqrt %broadcast_in_dim3A_674 : vector<1x96xf32>
      %eq3A_676 = arith.constant 31 : i32
      %eq3A_677 = vector.broadcast %eq3A_676 : i32 to vector<96x96xi32>
      %eq3A_678 = arith.cmpi eq, %get3A_42, %eq3A_677 : vector<96x96xi32>
      %convert_element_type3A_679 = arith.extui %eq3A_678 : vector<96x96xi1> to vector<96x96xi32>
      %convert_element_type3A_680 = arith.sitofp %convert_element_type3A_679 : vector<96x96xi32> to vector<96x96xf32>
      %jit3A_681 = arith.constant 0.000000e+00 : f32
      %broadcast_in_dim3A_682 = vector.broadcast %jit3A_681 : f32 to vector<96x96xf32>
      %select_n3A_683 = arith.select %eq3A_48, %convert_element_type3A_680, %broadcast_in_dim3A_682 : vector<96x96xi1>, vector<96x96xf32>
      %reduce_sum3A_684 = arith.constant dense<0.000000e+00> : vector<96xf32>
      %reduce_sum3A_685 = vector.multi_reduction <add>, %select_n3A_683, %reduce_sum3A_684 [0] : vector<96x96xf32> to vector<96xf32>
      %broadcast_in_dim3A_686 = vector.shape_cast %reduce_sum3A_685 : vector<96xf32> to vector<1x96xf32>
      %concatenate3A = tpu.concatenate %rsqrt3A, %rsqrt3A_75, %rsqrt3A_95, %rsqrt3A_115, %rsqrt3A_135, %rsqrt3A_155, %rsqrt3A_175, %rsqrt3A_195, %rsqrt3A_215, %rsqrt3A_235, %rsqrt3A_255, %rsqrt3A_275, %rsqrt3A_295, %rsqrt3A_315, %rsqrt3A_335, %rsqrt3A_355, %rsqrt3A_375, %rsqrt3A_395, %rsqrt3A_415, %rsqrt3A_435, %rsqrt3A_455, %rsqrt3A_475, %rsqrt3A_495, %rsqrt3A_515, %rsqrt3A_535, %rsqrt3A_555, %rsqrt3A_575, %rsqrt3A_595, %rsqrt3A_615, %rsqrt3A_635, %rsqrt3A_655, %rsqrt3A_675 in 0 : vector<1x96xf32>, vector<1x96xf32>, vector<1x96xf32>, vector<1x96xf32>, vector<1x96xf32>, vector<1x96xf32>, vector<1x96xf32>, vector<1x96xf32>, vector<1x96xf32>, vector<1x96xf32>, vector<1x96xf32>, vector<1x96xf32>, vector<1x96xf32>, vector<1x96xf32>, vector<1x96xf32>, vector<1x96xf32>, vector<1x96xf32>, vector<1x96xf32>, vector<1x96xf32>, vector<1x96xf32>, vector<1x96xf32>, vector<1x96xf32>, vector<1x96xf32>, vector<1x96xf32>, vector<1x96xf32>, vector<1x96xf32>, vector<1x96xf32>, vector<1x96xf32>, vector<1x96xf32>, vector<1x96xf32>, vector<1x96xf32>, vector<1x96xf32> -> vector<32x96xf32>
      %concatenate3A_687 = tpu.concatenate %broadcast_in_dim3A_66, %broadcast_in_dim3A_86, %broadcast_in_dim3A_106, %broadcast_in_dim3A_126, %broadcast_in_dim3A_146, %broadcast_in_dim3A_166, %broadcast_in_dim3A_186, %broadcast_in_dim3A_206, %broadcast_in_dim3A_226, %broadcast_in_dim3A_246, %broadcast_in_dim3A_266, %broadcast_in_dim3A_286, %broadcast_in_dim3A_306, %broadcast_in_dim3A_326, %broadcast_in_dim3A_346, %broadcast_in_dim3A_366, %broadcast_in_dim3A_386, %broadcast_in_dim3A_406, %broadcast_in_dim3A_426, %broadcast_in_dim3A_446, %broadcast_in_dim3A_466, %broadcast_in_dim3A_486, %broadcast_in_dim3A_506, %broadcast_in_dim3A_526, %broadcast_in_dim3A_546, %broadcast_in_dim3A_566, %broadcast_in_dim3A_586, %broadcast_in_dim3A_606, %broadcast_in_dim3A_626, %broadcast_in_dim3A_646, %broadcast_in_dim3A_666, %broadcast_in_dim3A_686 in 0 : vector<1x96xf32>, vector<1x96xf32>, vector<1x96xf32>, vector<1x96xf32>, vector<1x96xf32>, vector<1x96xf32>, vector<1x96xf32>, vector<1x96xf32>, vector<1x96xf32>, vector<1x96xf32>, vector<1x96xf32>, vector<1x96xf32>, vector<1x96xf32>, vector<1x96xf32>, vector<1x96xf32>, vector<1x96xf32>, vector<1x96xf32>, vector<1x96xf32>, vector<1x96xf32>, vector<1x96xf32>, vector<1x96xf32>, vector<1x96xf32>, vector<1x96xf32>, vector<1x96xf32>, vector<1x96xf32>, vector<1x96xf32>, vector<1x96xf32>, vector<1x96xf32>, vector<1x96xf32>, vector<1x96xf32>, vector<1x96xf32>, vector<1x96xf32> -> vector<32x96xf32>
      %mul3A_688 = arith.mulf %concatenate3A_687, %concatenate3A : vector<32x96xf32>
      %slice3A = vector.extract_strided_slice %concatenate3A {offsets = [0, 0], sizes = [1, 96], strides = [1, 1]} : vector<32x96xf32> to vector<1x96xf32>
      %mul3A_689 = vector.broadcast %slice3A : vector<1x96xf32> to vector<32x96xf32>
      %mul3A_690 = arith.mulf %mul3A_688, %mul3A_689 : vector<32x96xf32>
      %get3A_691 = arith.constant 0 : index
      %get3A_692 = arith.constant 0 : index
      %get3A_693 = vector.load %arg1[%get3A_691, %get3A_692] : memref<1024x128xf32, #tpu.memory_space<vmem>>, vector<32x128xf32>
      %slice3A_694 = vector.extract_strided_slice %get3A_693 {offsets = [0, 0], sizes = [1, 128], strides = [1, 1]} : vector<32x128xf32> to vector<1x128xf32>
      %swap3A = arith.constant 0 : index
      %swap3A_695 = arith.constant 0 : index
      %swap3A_696 = vector.load %arg13[%swap3A, %swap3A_695] : memref<32x128xf32, #tpu.memory_space<vmem>>, vector<1x128xf32>
      tpu.vector_store %arg13[%swap3A, %swap3A_695], %slice3A_694 {strides = array<i32>} : memref<32x128xf32, #tpu.memory_space<vmem>>, vector<1x128xf32>,
      %slice3A_697 = vector.extract_strided_slice %mul3A_690 {offsets = [0, 0], sizes = [32, 1], strides = [1, 1]} : vector<32x96xf32> to vector<32x1xf32>
      %dot_general3A_698 = arith.constant dense<0.000000e+00> : vector<1x128xf32>
      %dot_general3A_699 = tpu.matmul %slice3A_697, %get3A_693, %dot_general3A_698 {dimension_numbers = #tpu.dot_dimension_numbers<[0], [0], [1], [1], [0, 1, 1, 1], [], []>, transpose_lhs_hint = false} : vector<32x1xf32>, vector<32x128xf32>, vector<1x128xf32> -> vector<1x128xf32>
      %swap3A_700 = arith.constant 0 : index
      %swap3A_701 = arith.constant 0 : index
      %swap3A_702 = vector.load %arg12[%swap3A_700, %swap3A_701] : memref<96x128xf32, #tpu.memory_space<vmem>>, vector<1x128xf32>
      tpu.vector_store %arg12[%swap3A_700, %swap3A_701], %dot_general3A_699 {strides = array<i32>} : memref<96x128xf32, #tpu.memory_space<vmem>>, vector<1x128xf32>,
      %slice3A_703 = vector.extract_strided_slice %mul3A_690 {offsets = [0, 32], sizes = [32, 1], strides = [1, 1]} : vector<32x96xf32> to vector<32x1xf32>
      %dot_general3A_704 = arith.constant dense<0.000000e+00> : vector<1x128xf32>
      %dot_general3A_705 = tpu.matmul %slice3A_703, %get3A_693, %dot_general3A_704 {dimension_numbers = #tpu.dot_dimension_numbers<[0], [0], [1], [1], [0, 1, 1, 1], [], []>, transpose_lhs_hint = false} : vector<32x1xf32>, vector<32x128xf32>, vector<1x128xf32> -> vector<1x128xf32>
      %swap3A_706 = arith.constant 32 : index
      %swap3A_707 = arith.constant 0 : index
      %swap3A_708 = vector.load %arg12[%swap3A_706, %swap3A_707] : memref<96x128xf32, #tpu.memory_space<vmem>>, vector<1x128xf32>
      tpu.vector_store %arg12[%swap3A_706, %swap3A_707], %dot_general3A_705 {strides = array<i32>} : memref<96x128xf32, #tpu.memory_space<vmem>>, vector<1x128xf32>,
      %slice3A_709 = vector.extract_strided_slice %mul3A_690 {offsets = [0, 64], sizes = [32, 1], strides = [1, 1]} : vector<32x96xf32> to vector<32x1xf32>
      %dot_general3A_710 = arith.constant dense<0.000000e+00> : vector<1x128xf32>
      %dot_general3A_711 = tpu.matmul %slice3A_709, %get3A_693, %dot_general3A_710 {dimension_numbers = #tpu.dot_dimension_numbers<[0], [0], [1], [1], [0, 1, 1, 1], [], []>, transpose_lhs_hint = false} : vector<32x1xf32>, vector<32x128xf32>, vector<1x128xf32> -> vector<1x128xf32>
      %swap3A_712 = arith.constant 64 : index
      %swap3A_713 = arith.constant 0 : index
      %swap3A_714 = vector.load %arg12[%swap3A_712, %swap3A_713] : memref<96x128xf32, #tpu.memory_space<vmem>>, vector<1x128xf32>
      tpu.vector_store %arg12[%swap3A_712, %swap3A_713], %dot_general3A_711 {strides = array<i32>} : memref<96x128xf32, #tpu.memory_space<vmem>>, vector<1x128xf32>,
      %get3A_715 = arith.constant 32 : index
      %get3A_716 = arith.constant 0 : index
      %get3A_717 = vector.load %arg1[%get3A_715, %get3A_716] : memref<1024x128xf32, #tpu.memory_space<vmem>>, vector<32x128xf32>
      %slice3A_718 = vector.extract_strided_slice %get3A_717 {offsets = [0, 0], sizes = [1, 128], strides = [1, 1]} : vector<32x128xf32> to vector<1x128xf32>
      %swap3A_719 = arith.constant 1 : index
      %swap3A_720 = arith.constant 0 : index
      %swap3A_721 = vector.load %arg13[%swap3A_719, %swap3A_720] : memref<32x128xf32, #tpu.memory_space<vmem>>, vector<1x128xf32>
      tpu.vector_store %arg13[%swap3A_719, %swap3A_720], %slice3A_718 {strides = array<i32>} : memref<32x128xf32, #tpu.memory_space<vmem>>, vector<1x128xf32>,
      %slice3A_722 = vector.extract_strided_slice %mul3A_690 {offsets = [0, 1], sizes = [32, 1], strides = [1, 1]} : vector<32x96xf32> to vector<32x1xf32>
      %dot_general3A_723 = arith.constant dense<0.000000e+00> : vector<1x128xf32>
      %dot_general3A_724 = tpu.matmul %slice3A_722, %get3A_717, %dot_general3A_723 {dimension_numbers = #tpu.dot_dimension_numbers<[0], [0], [1], [1], [0, 1, 1, 1], [], []>, transpose_lhs_hint = false} : vector<32x1xf32>, vector<32x128xf32>, vector<1x128xf32> -> vector<1x128xf32>
      %swap3A_725 = arith.constant 1 : index
      %swap3A_726 = arith.constant 0 : index
      %swap3A_727 = vector.load %arg12[%swap3A_725, %swap3A_726] : memref<96x128xf32, #tpu.memory_space<vmem>>, vector<1x128xf32>
      tpu.vector_store %arg12[%swap3A_725, %swap3A_726], %dot_general3A_724 {strides = array<i32>} : memref<96x128xf32, #tpu.memory_space<vmem>>, vector<1x128xf32>,
      %slice3A_728 = vector.extract_strided_slice %mul3A_690 {offsets = [0, 33], sizes = [32, 1], strides = [1, 1]} : vector<32x96xf32> to vector<32x1xf32>
      %dot_general3A_729 = arith.constant dense<0.000000e+00> : vector<1x128xf32>
      %dot_general3A_730 = tpu.matmul %slice3A_728, %get3A_717, %dot_general3A_729 {dimension_numbers = #tpu.dot_dimension_numbers<[0], [0], [1], [1], [0, 1, 1, 1], [], []>, transpose_lhs_hint = false} : vector<32x1xf32>, vector<32x128xf32>, vector<1x128xf32> -> vector<1x128xf32>
      %swap3A_731 = arith.constant 33 : index
      %swap3A_732 = arith.constant 0 : index
      %swap3A_733 = vector.load %arg12[%swap3A_731, %swap3A_732] : memref<96x128xf32, #tpu.memory_space<vmem>>, vector<1x128xf32>
      tpu.vector_store %arg12[%swap3A_731, %swap3A_732], %dot_general3A_730 {strides = array<i32>} : memref<96x128xf32, #tpu.memory_space<vmem>>, vector<1x128xf32>,
      %slice3A_734 = vector.extract_strided_slice %mul3A_690 {offsets = [0, 65], sizes = [32, 1], strides = [1, 1]} : vector<32x96xf32> to vector<32x1xf32>
      %dot_general3A_735 = arith.constant dense<0.000000e+00> : vector<1x128xf32>
      %dot_general3A_736 = tpu.matmul %slice3A_734, %get3A_717, %dot_general3A_735 {dimension_numbers = #tpu.dot_dimension_numbers<[0], [0], [1], [1], [0, 1, 1, 1], [], []>, transpose_lhs_hint = false} : vector<32x1xf32>, vector<32x128xf32>, vector<1x128xf32> -> vector<1x128xf32>
      %swap3A_737 = arith.constant 65 : index
      %swap3A_738 = arith.constant 0 : index
      %swap3A_739 = vector.load %arg12[%swap3A_737, %swap3A_738] : memref<96x128xf32, #tpu.memory_space<vmem>>, vector<1x128xf32>
      tpu.vector_store %arg12[%swap3A_737, %swap3A_738], %dot_general3A_736 {strides = array<i32>} : memref<96x128xf32, #tpu.memory_space<vmem>>, vector<1x128xf32>,
      %get3A_740 = arith.constant 64 : index
      %get3A_741 = arith.constant 0 : index
      %get3A_742 = vector.load %arg1[%get3A_740, %get3A_741] : memref<1024x128xf32, #tpu.memory_space<vmem>>, vector<32x128xf32>
      %slice3A_743 = vector.extract_strided_slice %get3A_742 {offsets = [0, 0], sizes = [1, 128], strides = [1, 1]} : vector<32x128xf32> to vector<1x128xf32>
      %swap3A_744 = arith.constant 2 : index
      %swap3A_745 = arith.constant 0 : index
      %swap3A_746 = vector.load %arg13[%swap3A_744, %swap3A_745] : memref<32x128xf32, #tpu.memory_space<vmem>>, vector<1x128xf32>
      tpu.vector_store %arg13[%swap3A_744, %swap3A_745], %slice3A_743 {strides = array<i32>} : memref<32x128xf32, #tpu.memory_space<vmem>>, vector<1x128xf32>,
      %slice3A_747 = vector.extract_strided_slice %mul3A_690 {offsets = [0, 2], sizes = [32, 1], strides = [1, 1]} : vector<32x96xf32> to vector<32x1xf32>
      %dot_general3A_748 = arith.constant dense<0.000000e+00> : vector<1x128xf32>
      %dot_general3A_749 = tpu.matmul %slice3A_747, %get3A_742, %dot_general3A_748 {dimension_numbers = #tpu.dot_dimension_numbers<[0], [0], [1], [1], [0, 1, 1, 1], [], []>, transpose_lhs_hint = false} : vector<32x1xf32>, vector<32x128xf32>, vector<1x128xf32> -> vector<1x128xf32>
      %swap3A_750 = arith.constant 2 : index
      %swap3A_751 = arith.constant 0 : index
      %swap3A_752 = vector.load %arg12[%swap3A_750, %swap3A_751] : memref<96x128xf32, #tpu.memory_space<vmem>>, vector<1x128xf32>
      tpu.vector_store %arg12[%swap3A_750, %swap3A_751], %dot_general3A_749 {strides = array<i32>} : memref<96x128xf32, #tpu.memory_space<vmem>>, vector<1x128xf32>,
      %slice3A_753 = vector.extract_strided_slice %mul3A_690 {offsets = [0, 34], sizes = [32, 1], strides = [1, 1]} : vector<32x96xf32> to vector<32x1xf32>
      %dot_general3A_754 = arith.constant dense<0.000000e+00> : vector<1x128xf32>
      %dot_general3A_755 = tpu.matmul %slice3A_753, %get3A_742, %dot_general3A_754 {dimension_numbers = #tpu.dot_dimension_numbers<[0], [0], [1], [1], [0, 1, 1, 1], [], []>, transpose_lhs_hint = false} : vector<32x1xf32>, vector<32x128xf32>, vector<1x128xf32> -> vector<1x128xf32>
      %swap3A_756 = arith.constant 34 : index
      %swap3A_757 = arith.constant 0 : index
      %swap3A_758 = vector.load %arg12[%swap3A_756, %swap3A_757] : memref<96x128xf32, #tpu.memory_space<vmem>>, vector<1x128xf32>
      tpu.vector_store %arg12[%swap3A_756, %swap3A_757], %dot_general3A_755 {strides = array<i32>} : memref<96x128xf32, #tpu.memory_space<vmem>>, vector<1x128xf32>,
      %slice3A_759 = vector.extract_strided_slice %mul3A_690 {offsets = [0, 66], sizes = [32, 1], strides = [1, 1]} : vector<32x96xf32> to vector<32x1xf32>
      %dot_general3A_760 = arith.constant dense<0.000000e+00> : vector<1x128xf32>
      %dot_general3A_761 = tpu.matmul %slice3A_759, %get3A_742, %dot_general3A_760 {dimension_numbers = #tpu.dot_dimension_numbers<[0], [0], [1], [1], [0, 1, 1, 1], [], []>, transpose_lhs_hint = false} : vector<32x1xf32>, vector<32x128xf32>, vector<1x128xf32> -> vector<1x128xf32>
      %swap3A_762 = arith.constant 66 : index
      %swap3A_763 = arith.constant 0 : index
      %swap3A_764 = vector.load %arg12[%swap3A_762, %swap3A_763] : memref<96x128xf32, #tpu.memory_space<vmem>>, vector<1x128xf32>
      tpu.vector_store %arg12[%swap3A_762, %swap3A_763], %dot_general3A_761 {strides = array<i32>} : memref<96x128xf32, #tpu.memory_space<vmem>>, vector<1x128xf32>,
      %get3A_765 = arith.constant 96 : index
      %get3A_766 = arith.constant 0 : index
      %get3A_767 = vector.load %arg1[%get3A_765, %get3A_766] : memref<1024x128xf32, #tpu.memory_space<vmem>>, vector<32x128xf32>
      %slice3A_768 = vector.extract_strided_slice %get3A_767 {offsets = [0, 0], sizes = [1, 128], strides = [1, 1]} : vector<32x128xf32> to vector<1x128xf32>
      %swap3A_769 = arith.constant 3 : index
      %swap3A_770 = arith.constant 0 : index
      %swap3A_771 = vector.load %arg13[%swap3A_769, %swap3A_770] : memref<32x128xf32, #tpu.memory_space<vmem>>, vector<1x128xf32>
      tpu.vector_store %arg13[%swap3A_769, %swap3A_770], %slice3A_768 {strides = array<i32>} : memref<32x128xf32, #tpu.memory_space<vmem>>, vector<1x128xf32>,
      %slice3A_772 = vector.extract_strided_slice %mul3A_690 {offsets = [0, 3], sizes = [32, 1], strides = [1, 1]} : vector<32x96xf32> to vector<32x1xf32>
      %dot_general3A_773 = arith.constant dense<0.000000e+00> : vector<1x128xf32>
      %dot_general3A_774 = tpu.matmul %slice3A_772, %get3A_767, %dot_general3A_773 {dimension_numbers = #tpu.dot_dimension_numbers<[0], [0], [1], [1], [0, 1, 1, 1], [], []>, transpose_lhs_hint = false} : vector<32x1xf32>, vector<32x128xf32>, vector<1x128xf32> -> vector<1x128xf32>
      %swap3A_775 = arith.constant 3 : index
      %swap3A_776 = arith.constant 0 : index
      %swap3A_777 = vector.load %arg12[%swap3A_775, %swap3A_776] : memref<96x128xf32, #tpu.memory_space<vmem>>, vector<1x128xf32>
      tpu.vector_store %arg12[%swap3A_775, %swap3A_776], %dot_general3A_774 {strides = array<i32>} : memref<96x128xf32, #tpu.memory_space<vmem>>, vector<1x128xf32>,
      %slice3A_778 = vector.extract_strided_slice %mul3A_690 {offsets = [0, 35], sizes = [32, 1], strides = [1, 1]} : vector<32x96xf32> to vector<32x1xf32>
      %dot_general3A_779 = arith.constant dense<0.000000e+00> : vector<1x128xf32>
      %dot_general3A_780 = tpu.matmul %slice3A_778, %get3A_767, %dot_general3A_779 {dimension_numbers = #tpu.dot_dimension_numbers<[0], [0], [1], [1], [0, 1, 1, 1], [], []>, transpose_lhs_hint = false} : vector<32x1xf32>, vector<32x128xf32>, vector<1x128xf32> -> vector<1x128xf32>
      %swap3A_781 = arith.constant 35 : index
      %swap3A_782 = arith.constant 0 : index
      %swap3A_783 = vector.load %arg12[%swap3A_781, %swap3A_782] : memref<96x128xf32, #tpu.memory_space<vmem>>, vector<1x128xf32>
      tpu.vector_store %arg12[%swap3A_781, %swap3A_782], %dot_general3A_780 {strides = array<i32>} : memref<96x128xf32, #tpu.memory_space<vmem>>, vector<1x128xf32>,
      %slice3A_784 = vector.extract_strided_slice %mul3A_690 {offsets = [0, 67], sizes = [32, 1], strides = [1, 1]} : vector<32x96xf32> to vector<32x1xf32>
      %dot_general3A_785 = arith.constant dense<0.000000e+00> : vector<1x128xf32>
      %dot_general3A_786 = tpu.matmul %slice3A_784, %get3A_767, %dot_general3A_785 {dimension_numbers = #tpu.dot_dimension_numbers<[0], [0], [1], [1], [0, 1, 1, 1], [], []>, transpose_lhs_hint = false} : vector<32x1xf32>, vector<32x128xf32>, vector<1x128xf32> -> vector<1x128xf32>
      %swap3A_787 = arith.constant 67 : index
      %swap3A_788 = arith.constant 0 : index
      %swap3A_789 = vector.load %arg12[%swap3A_787, %swap3A_788] : memref<96x128xf32, #tpu.memory_space<vmem>>, vector<1x128xf32>
      tpu.vector_store %arg12[%swap3A_787, %swap3A_788], %dot_general3A_786 {strides = array<i32>} : memref<96x128xf32, #tpu.memory_space<vmem>>, vector<1x128xf32>,
      %get3A_790 = arith.constant 128 : index
      %get3A_791 = arith.constant 0 : index
      %get3A_792 = vector.load %arg1[%get3A_790, %get3A_791] : memref<1024x128xf32, #tpu.memory_space<vmem>>, vector<32x128xf32>
      %slice3A_793 = vector.extract_strided_slice %get3A_792 {offsets = [0, 0], sizes = [1, 128], strides = [1, 1]} : vector<32x128xf32> to vector<1x128xf32>
      %swap3A_794 = arith.constant 4 : index
      %swap3A_795 = arith.constant 0 : index
      %swap3A_796 = vector.load %arg13[%swap3A_794, %swap3A_795] : memref<32x128xf32, #tpu.memory_space<vmem>>, vector<1x128xf32>
      tpu.vector_store %arg13[%swap3A_794, %swap3A_795], %slice3A_793 {strides = array<i32>} : memref<32x128xf32, #tpu.memory_space<vmem>>, vector<1x128xf32>,
      %slice3A_797 = vector.extract_strided_slice %mul3A_690 {offsets = [0, 4], sizes = [32, 1], strides = [1, 1]} : vector<32x96xf32> to vector<32x1xf32>
      %dot_general3A_798 = arith.constant dense<0.000000e+00> : vector<1x128xf32>
      %dot_general3A_799 = tpu.matmul %slice3A_797, %get3A_792, %dot_general3A_798 {dimension_numbers = #tpu.dot_dimension_numbers<[0], [0], [1], [1], [0, 1, 1, 1], [], []>, transpose_lhs_hint = false} : vector<32x1xf32>, vector<32x128xf32>, vector<1x128xf32> -> vector<1x128xf32>
      %swap3A_800 = arith.constant 4 : index
      %swap3A_801 = arith.constant 0 : index
      %swap3A_802 = vector.load %arg12[%swap3A_800, %swap3A_801] : memref<96x128xf32, #tpu.memory_space<vmem>>, vector<1x128xf32>
      tpu.vector_store %arg12[%swap3A_800, %swap3A_801], %dot_general3A_799 {strides = array<i32>} : memref<96x128xf32, #tpu.memory_space<vmem>>, vector<1x128xf32>,
      %slice3A_803 = vector.extract_strided_slice %mul3A_690 {offsets = [0, 36], sizes = [32, 1], strides = [1, 1]} : vector<32x96xf32> to vector<32x1xf32>
      %dot_general3A_804 = arith.constant dense<0.000000e+00> : vector<1x128xf32>
      %dot_general3A_805 = tpu.matmul %slice3A_803, %get3A_792, %dot_general3A_804 {dimension_numbers = #tpu.dot_dimension_numbers<[0], [0], [1], [1], [0, 1, 1, 1], [], []>, transpose_lhs_hint = false} : vector<32x1xf32>, vector<32x128xf32>, vector<1x128xf32> -> vector<1x128xf32>
      %swap3A_806 = arith.constant 36 : index
      %swap3A_807 = arith.constant 0 : index
      %swap3A_808 = vector.load %arg12[%swap3A_806, %swap3A_807] : memref<96x128xf32, #tpu.memory_space<vmem>>, vector<1x128xf32>
      tpu.vector_store %arg12[%swap3A_806, %swap3A_807], %dot_general3A_805 {strides = array<i32>} : memref<96x128xf32, #tpu.memory_space<vmem>>, vector<1x128xf32>,
      %slice3A_809 = vector.extract_strided_slice %mul3A_690 {offsets = [0, 68], sizes = [32, 1], strides = [1, 1]} : vector<32x96xf32> to vector<32x1xf32>
      %dot_general3A_810 = arith.constant dense<0.000000e+00> : vector<1x128xf32>
      %dot_general3A_811 = tpu.matmul %slice3A_809, %get3A_792, %dot_general3A_810 {dimension_numbers = #tpu.dot_dimension_numbers<[0], [0], [1], [1], [0, 1, 1, 1], [], []>, transpose_lhs_hint = false} : vector<32x1xf32>, vector<32x128xf32>, vector<1x128xf32> -> vector<1x128xf32>
      %swap3A_812 = arith.constant 68 : index
      %swap3A_813 = arith.constant 0 : index
      %swap3A_814 = vector.load %arg12[%swap3A_812, %swap3A_813] : memref<96x128xf32, #tpu.memory_space<vmem>>, vector<1x128xf32>
      tpu.vector_store %arg12[%swap3A_812, %swap3A_813], %dot_general3A_811 {strides = array<i32>} : memref<96x128xf32, #tpu.memory_space<vmem>>, vector<1x128xf32>,
      %get3A_815 = arith.constant 160 : index
      %get3A_816 = arith.constant 0 : index
      %get3A_817 = vector.load %arg1[%get3A_815, %get3A_816] : memref<1024x128xf32, #tpu.memory_space<vmem>>, vector<32x128xf32>
      %slice3A_818 = vector.extract_strided_slice %get3A_817 {offsets = [0, 0], sizes = [1, 128], strides = [1, 1]} : vector<32x128xf32> to vector<1x128xf32>
      %swap3A_819 = arith.constant 5 : index
      %swap3A_820 = arith.constant 0 : index
      %swap3A_821 = vector.load %arg13[%swap3A_819, %swap3A_820] : memref<32x128xf32, #tpu.memory_space<vmem>>, vector<1x128xf32>
      tpu.vector_store %arg13[%swap3A_819, %swap3A_820], %slice3A_818 {strides = array<i32>} : memref<32x128xf32, #tpu.memory_space<vmem>>, vector<1x128xf32>,
      %slice3A_822 = vector.extract_strided_slice %mul3A_690 {offsets = [0, 5], sizes = [32, 1], strides = [1, 1]} : vector<32x96xf32> to vector<32x1xf32>
      %dot_general3A_823 = arith.constant dense<0.000000e+00> : vector<1x128xf32>
      %dot_general3A_824 = tpu.matmul %slice3A_822, %get3A_817, %dot_general3A_823 {dimension_numbers = #tpu.dot_dimension_numbers<[0], [0], [1], [1], [0, 1, 1, 1], [], []>, transpose_lhs_hint = false} : vector<32x1xf32>, vector<32x128xf32>, vector<1x128xf32> -> vector<1x128xf32>
      %swap3A_825 = arith.constant 5 : index
      %swap3A_826 = arith.constant 0 : index
      %swap3A_827 = vector.load %arg12[%swap3A_825, %swap3A_826] : memref<96x128xf32, #tpu.memory_space<vmem>>, vector<1x128xf32>
      tpu.vector_store %arg12[%swap3A_825, %swap3A_826], %dot_general3A_824 {strides = array<i32>} : memref<96x128xf32, #tpu.memory_space<vmem>>, vector<1x128xf32>,
      %slice3A_828 = vector.extract_strided_slice %mul3A_690 {offsets = [0, 37], sizes = [32, 1], strides = [1, 1]} : vector<32x96xf32> to vector<32x1xf32>
      %dot_general3A_829 = arith.constant dense<0.000000e+00> : vector<1x128xf32>
      %dot_general3A_830 = tpu.matmul %slice3A_828, %get3A_817, %dot_general3A_829 {dimension_numbers = #tpu.dot_dimension_numbers<[0], [0], [1], [1], [0, 1, 1, 1], [], []>, transpose_lhs_hint = false} : vector<32x1xf32>, vector<32x128xf32>, vector<1x128xf32> -> vector<1x128xf32>
      %swap3A_831 = arith.constant 37 : index
      %swap3A_832 = arith.constant 0 : index
      %swap3A_833 = vector.load %arg12[%swap3A_831, %swap3A_832] : memref<96x128xf32, #tpu.memory_space<vmem>>, vector<1x128xf32>
      tpu.vector_store %arg12[%swap3A_831, %swap3A_832], %dot_general3A_830 {strides = array<i32>} : memref<96x128xf32, #tpu.memory_space<vmem>>, vector<1x128xf32>,
      %slice3A_834 = vector.extract_strided_slice %mul3A_690 {offsets = [0, 69], sizes = [32, 1], strides = [1, 1]} : vector<32x96xf32> to vector<32x1xf32>
      %dot_general3A_835 = arith.constant dense<0.000000e+00> : vector<1x128xf32>
      %dot_general3A_836 = tpu.matmul %slice3A_834, %get3A_817, %dot_general3A_835 {dimension_numbers = #tpu.dot_dimension_numbers<[0], [0], [1], [1], [0, 1, 1, 1], [], []>, transpose_lhs_hint = false} : vector<32x1xf32>, vector<32x128xf32>, vector<1x128xf32> -> vector<1x128xf32>
      %swap3A_837 = arith.constant 69 : index
      %swap3A_838 = arith.constant 0 : index
      %swap3A_839 = vector.load %arg12[%swap3A_837, %swap3A_838] : memref<96x128xf32, #tpu.memory_space<vmem>>, vector<1x128xf32>
      tpu.vector_store %arg12[%swap3A_837, %swap3A_838], %dot_general3A_836 {strides = array<i32>} : memref<96x128xf32, #tpu.memory_space<vmem>>, vector<1x128xf32>,
      %get3A_840 = arith.constant 192 : index
      %get3A_841 = arith.constant 0 : index
      %get3A_842 = vector.load %arg1[%get3A_840, %get3A_841] : memref<1024x128xf32, #tpu.memory_space<vmem>>, vector<32x128xf32>
      %slice3A_843 = vector.extract_strided_slice %get3A_842 {offsets = [0, 0], sizes = [1, 128], strides = [1, 1]} : vector<32x128xf32> to vector<1x128xf32>
      %swap3A_844 = arith.constant 6 : index
      %swap3A_845 = arith.constant 0 : index
      %swap3A_846 = vector.load %arg13[%swap3A_844, %swap3A_845] : memref<32x128xf32, #tpu.memory_space<vmem>>, vector<1x128xf32>
      tpu.vector_store %arg13[%swap3A_844, %swap3A_845], %slice3A_843 {strides = array<i32>} : memref<32x128xf32, #tpu.memory_space<vmem>>, vector<1x128xf32>,
      %slice3A_847 = vector.extract_strided_slice %mul3A_690 {offsets = [0, 6], sizes = [32, 1], strides = [1, 1]} : vector<32x96xf32> to vector<32x1xf32>
      %dot_general3A_848 = arith.constant dense<0.000000e+00> : vector<1x128xf32>
      %dot_general3A_849 = tpu.matmul %slice3A_847, %get3A_842, %dot_general3A_848 {dimension_numbers = #tpu.dot_dimension_numbers<[0], [0], [1], [1], [0, 1, 1, 1], [], []>, transpose_lhs_hint = false} : vector<32x1xf32>, vector<32x128xf32>, vector<1x128xf32> -> vector<1x128xf32>
      %swap3A_850 = arith.constant 6 : index
      %swap3A_851 = arith.constant 0 : index
      %swap3A_852 = vector.load %arg12[%swap3A_850, %swap3A_851] : memref<96x128xf32, #tpu.memory_space<vmem>>, vector<1x128xf32>
      tpu.vector_store %arg12[%swap3A_850, %swap3A_851], %dot_general3A_849 {strides = array<i32>} : memref<96x128xf32, #tpu.memory_space<vmem>>, vector<1x128xf32>,
      %slice3A_853 = vector.extract_strided_slice %mul3A_690 {offsets = [0, 38], sizes = [32, 1], strides = [1, 1]} : vector<32x96xf32> to vector<32x1xf32>
      %dot_general3A_854 = arith.constant dense<0.000000e+00> : vector<1x128xf32>
      %dot_general3A_855 = tpu.matmul %slice3A_853, %get3A_842, %dot_general3A_854 {dimension_numbers = #tpu.dot_dimension_numbers<[0], [0], [1], [1], [0, 1, 1, 1], [], []>, transpose_lhs_hint = false} : vector<32x1xf32>, vector<32x128xf32>, vector<1x128xf32> -> vector<1x128xf32>
      %swap3A_856 = arith.constant 38 : index
      %swap3A_857 = arith.constant 0 : index
      %swap3A_858 = vector.load %arg12[%swap3A_856, %swap3A_857] : memref<96x128xf32, #tpu.memory_space<vmem>>, vector<1x128xf32>
      tpu.vector_store %arg12[%swap3A_856, %swap3A_857], %dot_general3A_855 {strides = array<i32>} : memref<96x128xf32, #tpu.memory_space<vmem>>, vector<1x128xf32>,
      %slice3A_859 = vector.extract_strided_slice %mul3A_690 {offsets = [0, 70], sizes = [32, 1], strides = [1, 1]} : vector<32x96xf32> to vector<32x1xf32>
      %dot_general3A_860 = arith.constant dense<0.000000e+00> : vector<1x128xf32>
      %dot_general3A_861 = tpu.matmul %slice3A_859, %get3A_842, %dot_general3A_860 {dimension_numbers = #tpu.dot_dimension_numbers<[0], [0], [1], [1], [0, 1, 1, 1], [], []>, transpose_lhs_hint = false} : vector<32x1xf32>, vector<32x128xf32>, vector<1x128xf32> -> vector<1x128xf32>
      %swap3A_862 = arith.constant 70 : index
      %swap3A_863 = arith.constant 0 : index
      %swap3A_864 = vector.load %arg12[%swap3A_862, %swap3A_863] : memref<96x128xf32, #tpu.memory_space<vmem>>, vector<1x128xf32>
      tpu.vector_store %arg12[%swap3A_862, %swap3A_863], %dot_general3A_861 {strides = array<i32>} : memref<96x128xf32, #tpu.memory_space<vmem>>, vector<1x128xf32>,
      %get3A_865 = arith.constant 224 : index
      %get3A_866 = arith.constant 0 : index
      %get3A_867 = vector.load %arg1[%get3A_865, %get3A_866] : memref<1024x128xf32, #tpu.memory_space<vmem>>, vector<32x128xf32>
      %slice3A_868 = vector.extract_strided_slice %get3A_867 {offsets = [0, 0], sizes = [1, 128], strides = [1, 1]} : vector<32x128xf32> to vector<1x128xf32>
      %swap3A_869 = arith.constant 7 : index
      %swap3A_870 = arith.constant 0 : index
      %swap3A_871 = vector.load %arg13[%swap3A_869, %swap3A_870] : memref<32x128xf32, #tpu.memory_space<vmem>>, vector<1x128xf32>
      tpu.vector_store %arg13[%swap3A_869, %swap3A_870], %slice3A_868 {strides = array<i32>} : memref<32x128xf32, #tpu.memory_space<vmem>>, vector<1x128xf32>,
      %slice3A_872 = vector.extract_strided_slice %mul3A_690 {offsets = [0, 7], sizes = [32, 1], strides = [1, 1]} : vector<32x96xf32> to vector<32x1xf32>
      %dot_general3A_873 = arith.constant dense<0.000000e+00> : vector<1x128xf32>
      %dot_general3A_874 = tpu.matmul %slice3A_872, %get3A_867, %dot_general3A_873 {dimension_numbers = #tpu.dot_dimension_numbers<[0], [0], [1], [1], [0, 1, 1, 1], [], []>, transpose_lhs_hint = false} : vector<32x1xf32>, vector<32x128xf32>, vector<1x128xf32> -> vector<1x128xf32>
      %swap3A_875 = arith.constant 7 : index
      %swap3A_876 = arith.constant 0 : index
      %swap3A_877 = vector.load %arg12[%swap3A_875, %swap3A_876] : memref<96x128xf32, #tpu.memory_space<vmem>>, vector<1x128xf32>
      tpu.vector_store %arg12[%swap3A_875, %swap3A_876], %dot_general3A_874 {strides = array<i32>} : memref<96x128xf32, #tpu.memory_space<vmem>>, vector<1x128xf32>,
      %slice3A_878 = vector.extract_strided_slice %mul3A_690 {offsets = [0, 39], sizes = [32, 1], strides = [1, 1]} : vector<32x96xf32> to vector<32x1xf32>
      %dot_general3A_879 = arith.constant dense<0.000000e+00> : vector<1x128xf32>
      %dot_general3A_880 = tpu.matmul %slice3A_878, %get3A_867, %dot_general3A_879 {dimension_numbers = #tpu.dot_dimension_numbers<[0], [0], [1], [1], [0, 1, 1, 1], [], []>, transpose_lhs_hint = false} : vector<32x1xf32>, vector<32x128xf32>, vector<1x128xf32> -> vector<1x128xf32>
      %swap3A_881 = arith.constant 39 : index
      %swap3A_882 = arith.constant 0 : index
      %swap3A_883 = vector.load %arg12[%swap3A_881, %swap3A_882] : memref<96x128xf32, #tpu.memory_space<vmem>>, vector<1x128xf32>
      tpu.vector_store %arg12[%swap3A_881, %swap3A_882], %dot_general3A_880 {strides = array<i32>} : memref<96x128xf32, #tpu.memory_space<vmem>>, vector<1x128xf32>,
      %slice3A_884 = vector.extract_strided_slice %mul3A_690 {offsets = [0, 71], sizes = [32, 1], strides = [1, 1]} : vector<32x96xf32> to vector<32x1xf32>
      %dot_general3A_885 = arith.constant dense<0.000000e+00> : vector<1x128xf32>
      %dot_general3A_886 = tpu.matmul %slice3A_884, %get3A_867, %dot_general3A_885 {dimension_numbers = #tpu.dot_dimension_numbers<[0], [0], [1], [1], [0, 1, 1, 1], [], []>, transpose_lhs_hint = false} : vector<32x1xf32>, vector<32x128xf32>, vector<1x128xf32> -> vector<1x128xf32>
      %swap3A_887 = arith.constant 71 : index
      %swap3A_888 = arith.constant 0 : index
      %swap3A_889 = vector.load %arg12[%swap3A_887, %swap3A_888] : memref<96x128xf32, #tpu.memory_space<vmem>>, vector<1x128xf32>
      tpu.vector_store %arg12[%swap3A_887, %swap3A_888], %dot_general3A_886 {strides = array<i32>} : memref<96x128xf32, #tpu.memory_space<vmem>>, vector<1x128xf32>,
      %get3A_890 = arith.constant 256 : index
      %get3A_891 = arith.constant 0 : index
      %get3A_892 = vector.load %arg1[%get3A_890, %get3A_891] : memref<1024x128xf32, #tpu.memory_space<vmem>>, vector<32x128xf32>
      %slice3A_893 = vector.extract_strided_slice %get3A_892 {offsets = [0, 0], sizes = [1, 128], strides = [1, 1]} : vector<32x128xf32> to vector<1x128xf32>
      %swap3A_894 = arith.constant 8 : index
      %swap3A_895 = arith.constant 0 : index
      %swap3A_896 = vector.load %arg13[%swap3A_894, %swap3A_895] : memref<32x128xf32, #tpu.memory_space<vmem>>, vector<1x128xf32>
      tpu.vector_store %arg13[%swap3A_894, %swap3A_895], %slice3A_893 {strides = array<i32>} : memref<32x128xf32, #tpu.memory_space<vmem>>, vector<1x128xf32>,
      %slice3A_897 = vector.extract_strided_slice %mul3A_690 {offsets = [0, 8], sizes = [32, 1], strides = [1, 1]} : vector<32x96xf32> to vector<32x1xf32>
      %dot_general3A_898 = arith.constant dense<0.000000e+00> : vector<1x128xf32>
      %dot_general3A_899 = tpu.matmul %slice3A_897, %get3A_892, %dot_general3A_898 {dimension_numbers = #tpu.dot_dimension_numbers<[0], [0], [1], [1], [0, 1, 1, 1], [], []>, transpose_lhs_hint = false} : vector<32x1xf32>, vector<32x128xf32>, vector<1x128xf32> -> vector<1x128xf32>
      %swap3A_900 = arith.constant 8 : index
      %swap3A_901 = arith.constant 0 : index
      %swap3A_902 = vector.load %arg12[%swap3A_900, %swap3A_901] : memref<96x128xf32, #tpu.memory_space<vmem>>, vector<1x128xf32>
      tpu.vector_store %arg12[%swap3A_900, %swap3A_901], %dot_general3A_899 {strides = array<i32>} : memref<96x128xf32, #tpu.memory_space<vmem>>, vector<1x128xf32>,
      %slice3A_903 = vector.extract_strided_slice %mul3A_690 {offsets = [0, 40], sizes = [32, 1], strides = [1, 1]} : vector<32x96xf32> to vector<32x1xf32>
      %dot_general3A_904 = arith.constant dense<0.000000e+00> : vector<1x128xf32>
      %dot_general3A_905 = tpu.matmul %slice3A_903, %get3A_892, %dot_general3A_904 {dimension_numbers = #tpu.dot_dimension_numbers<[0], [0], [1], [1], [0, 1, 1, 1], [], []>, transpose_lhs_hint = false} : vector<32x1xf32>, vector<32x128xf32>, vector<1x128xf32> -> vector<1x128xf32>
      %swap3A_906 = arith.constant 40 : index
      %swap3A_907 = arith.constant 0 : index
      %swap3A_908 = vector.load %arg12[%swap3A_906, %swap3A_907] : memref<96x128xf32, #tpu.memory_space<vmem>>, vector<1x128xf32>
      tpu.vector_store %arg12[%swap3A_906, %swap3A_907], %dot_general3A_905 {strides = array<i32>} : memref<96x128xf32, #tpu.memory_space<vmem>>, vector<1x128xf32>,
      %slice3A_909 = vector.extract_strided_slice %mul3A_690 {offsets = [0, 72], sizes = [32, 1], strides = [1, 1]} : vector<32x96xf32> to vector<32x1xf32>
      %dot_general3A_910 = arith.constant dense<0.000000e+00> : vector<1x128xf32>
      %dot_general3A_911 = tpu.matmul %slice3A_909, %get3A_892, %dot_general3A_910 {dimension_numbers = #tpu.dot_dimension_numbers<[0], [0], [1], [1], [0, 1, 1, 1], [], []>, transpose_lhs_hint = false} : vector<32x1xf32>, vector<32x128xf32>, vector<1x128xf32> -> vector<1x128xf32>
      %swap3A_912 = arith.constant 72 : index
      %swap3A_913 = arith.constant 0 : index
      %swap3A_914 = vector.load %arg12[%swap3A_912, %swap3A_913] : memref<96x128xf32, #tpu.memory_space<vmem>>, vector<1x128xf32>
      tpu.vector_store %arg12[%swap3A_912, %swap3A_913], %dot_general3A_911 {strides = array<i32>} : memref<96x128xf32, #tpu.memory_space<vmem>>, vector<1x128xf32>,
      %get3A_915 = arith.constant 288 : index
      %get3A_916 = arith.constant 0 : index
      %get3A_917 = vector.load %arg1[%get3A_915, %get3A_916] : memref<1024x128xf32, #tpu.memory_space<vmem>>, vector<32x128xf32>
      %slice3A_918 = vector.extract_strided_slice %get3A_917 {offsets = [0, 0], sizes = [1, 128], strides = [1, 1]} : vector<32x128xf32> to vector<1x128xf32>
      %swap3A_919 = arith.constant 9 : index
      %swap3A_920 = arith.constant 0 : index
      %swap3A_921 = vector.load %arg13[%swap3A_919, %swap3A_920] : memref<32x128xf32, #tpu.memory_space<vmem>>, vector<1x128xf32>
      tpu.vector_store %arg13[%swap3A_919, %swap3A_920], %slice3A_918 {strides = array<i32>} : memref<32x128xf32, #tpu.memory_space<vmem>>, vector<1x128xf32>,
      %slice3A_922 = vector.extract_strided_slice %mul3A_690 {offsets = [0, 9], sizes = [32, 1], strides = [1, 1]} : vector<32x96xf32> to vector<32x1xf32>
      %dot_general3A_923 = arith.constant dense<0.000000e+00> : vector<1x128xf32>
      %dot_general3A_924 = tpu.matmul %slice3A_922, %get3A_917, %dot_general3A_923 {dimension_numbers = #tpu.dot_dimension_numbers<[0], [0], [1], [1], [0, 1, 1, 1], [], []>, transpose_lhs_hint = false} : vector<32x1xf32>, vector<32x128xf32>, vector<1x128xf32> -> vector<1x128xf32>
      %swap3A_925 = arith.constant 9 : index
      %swap3A_926 = arith.constant 0 : index
      %swap3A_927 = vector.load %arg12[%swap3A_925, %swap3A_926] : memref<96x128xf32, #tpu.memory_space<vmem>>, vector<1x128xf32>
      tpu.vector_store %arg12[%swap3A_925, %swap3A_926], %dot_general3A_924 {strides = array<i32>} : memref<96x128xf32, #tpu.memory_space<vmem>>, vector<1x128xf32>,
      %slice3A_928 = vector.extract_strided_slice %mul3A_690 {offsets = [0, 41], sizes = [32, 1], strides = [1, 1]} : vector<32x96xf32> to vector<32x1xf32>
      %dot_general3A_929 = arith.constant dense<0.000000e+00> : vector<1x128xf32>
      %dot_general3A_930 = tpu.matmul %slice3A_928, %get3A_917, %dot_general3A_929 {dimension_numbers = #tpu.dot_dimension_numbers<[0], [0], [1], [1], [0, 1, 1, 1], [], []>, transpose_lhs_hint = false} : vector<32x1xf32>, vector<32x128xf32>, vector<1x128xf32> -> vector<1x128xf32>
      %swap3A_931 = arith.constant 41 : index
      %swap3A_932 = arith.constant 0 : index
      %swap3A_933 = vector.load %arg12[%swap3A_931, %swap3A_932] : memref<96x128xf32, #tpu.memory_space<vmem>>, vector<1x128xf32>
      tpu.vector_store %arg12[%swap3A_931, %swap3A_932], %dot_general3A_930 {strides = array<i32>} : memref<96x128xf32, #tpu.memory_space<vmem>>, vector<1x128xf32>,
      %slice3A_934 = vector.extract_strided_slice %mul3A_690 {offsets = [0, 73], sizes = [32, 1], strides = [1, 1]} : vector<32x96xf32> to vector<32x1xf32>
      %dot_general3A_935 = arith.constant dense<0.000000e+00> : vector<1x128xf32>
      %dot_general3A_936 = tpu.matmul %slice3A_934, %get3A_917, %dot_general3A_935 {dimension_numbers = #tpu.dot_dimension_numbers<[0], [0], [1], [1], [0, 1, 1, 1], [], []>, transpose_lhs_hint = false} : vector<32x1xf32>, vector<32x128xf32>, vector<1x128xf32> -> vector<1x128xf32>
      %swap3A_937 = arith.constant 73 : index
      %swap3A_938 = arith.constant 0 : index
      %swap3A_939 = vector.load %arg12[%swap3A_937, %swap3A_938] : memref<96x128xf32, #tpu.memory_space<vmem>>, vector<1x128xf32>
      tpu.vector_store %arg12[%swap3A_937, %swap3A_938], %dot_general3A_936 {strides = array<i32>} : memref<96x128xf32, #tpu.memory_space<vmem>>, vector<1x128xf32>,
      %get3A_940 = arith.constant 320 : index
      %get3A_941 = arith.constant 0 : index
      %get3A_942 = vector.load %arg1[%get3A_940, %get3A_941] : memref<1024x128xf32, #tpu.memory_space<vmem>>, vector<32x128xf32>
      %slice3A_943 = vector.extract_strided_slice %get3A_942 {offsets = [0, 0], sizes = [1, 128], strides = [1, 1]} : vector<32x128xf32> to vector<1x128xf32>
      %swap3A_944 = arith.constant 10 : index
      %swap3A_945 = arith.constant 0 : index
      %swap3A_946 = vector.load %arg13[%swap3A_944, %swap3A_945] : memref<32x128xf32, #tpu.memory_space<vmem>>, vector<1x128xf32>
      tpu.vector_store %arg13[%swap3A_944, %swap3A_945], %slice3A_943 {strides = array<i32>} : memref<32x128xf32, #tpu.memory_space<vmem>>, vector<1x128xf32>,
      %slice3A_947 = vector.extract_strided_slice %mul3A_690 {offsets = [0, 10], sizes = [32, 1], strides = [1, 1]} : vector<32x96xf32> to vector<32x1xf32>
      %dot_general3A_948 = arith.constant dense<0.000000e+00> : vector<1x128xf32>
      %dot_general3A_949 = tpu.matmul %slice3A_947, %get3A_942, %dot_general3A_948 {dimension_numbers = #tpu.dot_dimension_numbers<[0], [0], [1], [1], [0, 1, 1, 1], [], []>, transpose_lhs_hint = false} : vector<32x1xf32>, vector<32x128xf32>, vector<1x128xf32> -> vector<1x128xf32>
      %swap3A_950 = arith.constant 10 : index
      %swap3A_951 = arith.constant 0 : index
      %swap3A_952 = vector.load %arg12[%swap3A_950, %swap3A_951] : memref<96x128xf32, #tpu.memory_space<vmem>>, vector<1x128xf32>
      tpu.vector_store %arg12[%swap3A_950, %swap3A_951], %dot_general3A_949 {strides = array<i32>} : memref<96x128xf32, #tpu.memory_space<vmem>>, vector<1x128xf32>,
      %slice3A_953 = vector.extract_strided_slice %mul3A_690 {offsets = [0, 42], sizes = [32, 1], strides = [1, 1]} : vector<32x96xf32> to vector<32x1xf32>
      %dot_general3A_954 = arith.constant dense<0.000000e+00> : vector<1x128xf32>
      %dot_general3A_955 = tpu.matmul %slice3A_953, %get3A_942, %dot_general3A_954 {dimension_numbers = #tpu.dot_dimension_numbers<[0], [0], [1], [1], [0, 1, 1, 1], [], []>, transpose_lhs_hint = false} : vector<32x1xf32>, vector<32x128xf32>, vector<1x128xf32> -> vector<1x128xf32>
      %swap3A_956 = arith.constant 42 : index
      %swap3A_957 = arith.constant 0 : index
      %swap3A_958 = vector.load %arg12[%swap3A_956, %swap3A_957] : memref<96x128xf32, #tpu.memory_space<vmem>>, vector<1x128xf32>
      tpu.vector_store %arg12[%swap3A_956, %swap3A_957], %dot_general3A_955 {strides = array<i32>} : memref<96x128xf32, #tpu.memory_space<vmem>>, vector<1x128xf32>,
      %slice3A_959 = vector.extract_strided_slice %mul3A_690 {offsets = [0, 74], sizes = [32, 1], strides = [1, 1]} : vector<32x96xf32> to vector<32x1xf32>
      %dot_general3A_960 = arith.constant dense<0.000000e+00> : vector<1x128xf32>
      %dot_general3A_961 = tpu.matmul %slice3A_959, %get3A_942, %dot_general3A_960 {dimension_numbers = #tpu.dot_dimension_numbers<[0], [0], [1], [1], [0, 1, 1, 1], [], []>, transpose_lhs_hint = false} : vector<32x1xf32>, vector<32x128xf32>, vector<1x128xf32> -> vector<1x128xf32>
      %swap3A_962 = arith.constant 74 : index
      %swap3A_963 = arith.constant 0 : index
      %swap3A_964 = vector.load %arg12[%swap3A_962, %swap3A_963] : memref<96x128xf32, #tpu.memory_space<vmem>>, vector<1x128xf32>
      tpu.vector_store %arg12[%swap3A_962, %swap3A_963], %dot_general3A_961 {strides = array<i32>} : memref<96x128xf32, #tpu.memory_space<vmem>>, vector<1x128xf32>,
      %get3A_965 = arith.constant 352 : index
      %get3A_966 = arith.constant 0 : index
      %get3A_967 = vector.load %arg1[%get3A_965, %get3A_966] : memref<1024x128xf32, #tpu.memory_space<vmem>>, vector<32x128xf32>
      %slice3A_968 = vector.extract_strided_slice %get3A_967 {offsets = [0, 0], sizes = [1, 128], strides = [1, 1]} : vector<32x128xf32> to vector<1x128xf32>
      %swap3A_969 = arith.constant 11 : index
      %swap3A_970 = arith.constant 0 : index
      %swap3A_971 = vector.load %arg13[%swap3A_969, %swap3A_970] : memref<32x128xf32, #tpu.memory_space<vmem>>, vector<1x128xf32>
      tpu.vector_store %arg13[%swap3A_969, %swap3A_970], %slice3A_968 {strides = array<i32>} : memref<32x128xf32, #tpu.memory_space<vmem>>, vector<1x128xf32>,
      %slice3A_972 = vector.extract_strided_slice %mul3A_690 {offsets = [0, 11], sizes = [32, 1], strides = [1, 1]} : vector<32x96xf32> to vector<32x1xf32>
      %dot_general3A_973 = arith.constant dense<0.000000e+00> : vector<1x128xf32>
      %dot_general3A_974 = tpu.matmul %slice3A_972, %get3A_967, %dot_general3A_973 {dimension_numbers = #tpu.dot_dimension_numbers<[0], [0], [1], [1], [0, 1, 1, 1], [], []>, transpose_lhs_hint = false} : vector<32x1xf32>, vector<32x128xf32>, vector<1x128xf32> -> vector<1x128xf32>
      %swap3A_975 = arith.constant 11 : index
      %swap3A_976 = arith.constant 0 : index
      %swap3A_977 = vector.load %arg12[%swap3A_975, %swap3A_976] : memref<96x128xf32, #tpu.memory_space<vmem>>, vector<1x128xf32>
      tpu.vector_store %arg12[%swap3A_975, %swap3A_976], %dot_general3A_974 {strides = array<i32>} : memref<96x128xf32, #tpu.memory_space<vmem>>, vector<1x128xf32>,
      %slice3A_978 = vector.extract_strided_slice %mul3A_690 {offsets = [0, 43], sizes = [32, 1], strides = [1, 1]} : vector<32x96xf32> to vector<32x1xf32>
      %dot_general3A_979 = arith.constant dense<0.000000e+00> : vector<1x128xf32>
      %dot_general3A_980 = tpu.matmul %slice3A_978, %get3A_967, %dot_general3A_979 {dimension_numbers = #tpu.dot_dimension_numbers<[0], [0], [1], [1], [0, 1, 1, 1], [], []>, transpose_lhs_hint = false} : vector<32x1xf32>, vector<32x128xf32>, vector<1x128xf32> -> vector<1x128xf32>
      %swap3A_981 = arith.constant 43 : index
      %swap3A_982 = arith.constant 0 : index
      %swap3A_983 = vector.load %arg12[%swap3A_981, %swap3A_982] : memref<96x128xf32, #tpu.memory_space<vmem>>, vector<1x128xf32>
      tpu.vector_store %arg12[%swap3A_981, %swap3A_982], %dot_general3A_980 {strides = array<i32>} : memref<96x128xf32, #tpu.memory_space<vmem>>, vector<1x128xf32>,
      %slice3A_984 = vector.extract_strided_slice %mul3A_690 {offsets = [0, 75], sizes = [32, 1], strides = [1, 1]} : vector<32x96xf32> to vector<32x1xf32>
      %dot_general3A_985 = arith.constant dense<0.000000e+00> : vector<1x128xf32>
      %dot_general3A_986 = tpu.matmul %slice3A_984, %get3A_967, %dot_general3A_985 {dimension_numbers = #tpu.dot_dimension_numbers<[0], [0], [1], [1], [0, 1, 1, 1], [], []>, transpose_lhs_hint = false} : vector<32x1xf32>, vector<32x128xf32>, vector<1x128xf32> -> vector<1x128xf32>
      %swap3A_987 = arith.constant 75 : index
      %swap3A_988 = arith.constant 0 : index
      %swap3A_989 = vector.load %arg12[%swap3A_987, %swap3A_988] : memref<96x128xf32, #tpu.memory_space<vmem>>, vector<1x128xf32>
      tpu.vector_store %arg12[%swap3A_987, %swap3A_988], %dot_general3A_986 {strides = array<i32>} : memref<96x128xf32, #tpu.memory_space<vmem>>, vector<1x128xf32>,
      %get3A_990 = arith.constant 384 : index
      %get3A_991 = arith.constant 0 : index
      %get3A_992 = vector.load %arg1[%get3A_990, %get3A_991] : memref<1024x128xf32, #tpu.memory_space<vmem>>, vector<32x128xf32>
      %slice3A_993 = vector.extract_strided_slice %get3A_992 {offsets = [0, 0], sizes = [1, 128], strides = [1, 1]} : vector<32x128xf32> to vector<1x128xf32>
      %swap3A_994 = arith.constant 12 : index
      %swap3A_995 = arith.constant 0 : index
      %swap3A_996 = vector.load %arg13[%swap3A_994, %swap3A_995] : memref<32x128xf32, #tpu.memory_space<vmem>>, vector<1x128xf32>
      tpu.vector_store %arg13[%swap3A_994, %swap3A_995], %slice3A_993 {strides = array<i32>} : memref<32x128xf32, #tpu.memory_space<vmem>>, vector<1x128xf32>,
      %slice3A_997 = vector.extract_strided_slice %mul3A_690 {offsets = [0, 12], sizes = [32, 1], strides = [1, 1]} : vector<32x96xf32> to vector<32x1xf32>
      %dot_general3A_998 = arith.constant dense<0.000000e+00> : vector<1x128xf32>
      %dot_general3A_999 = tpu.matmul %slice3A_997, %get3A_992, %dot_general3A_998 {dimension_numbers = #tpu.dot_dimension_numbers<[0], [0], [1], [1], [0, 1, 1, 1], [], []>, transpose_lhs_hint = false} : vector<32x1xf32>, vector<32x128xf32>, vector<1x128xf32> -> vector<1x128xf32>
      %swap3A_1000 = arith.constant 12 : index
      %swap3A_1001 = arith.constant 0 : index
      %swap3A_1002 = vector.load %arg12[%swap3A_1000, %swap3A_1001] : memref<96x128xf32, #tpu.memory_space<vmem>>, vector<1x128xf32>
      tpu.vector_store %arg12[%swap3A_1000, %swap3A_1001], %dot_general3A_999 {strides = array<i32>} : memref<96x128xf32, #tpu.memory_space<vmem>>, vector<1x128xf32>,
      %slice3A_1003 = vector.extract_strided_slice %mul3A_690 {offsets = [0, 44], sizes = [32, 1], strides = [1, 1]} : vector<32x96xf32> to vector<32x1xf32>
      %dot_general3A_1004 = arith.constant dense<0.000000e+00> : vector<1x128xf32>
      %dot_general3A_1005 = tpu.matmul %slice3A_1003, %get3A_992, %dot_general3A_1004 {dimension_numbers = #tpu.dot_dimension_numbers<[0], [0], [1], [1], [0, 1, 1, 1], [], []>, transpose_lhs_hint = false} : vector<32x1xf32>, vector<32x128xf32>, vector<1x128xf32> -> vector<1x128xf32>
      %swap3A_1006 = arith.constant 44 : index
      %swap3A_1007 = arith.constant 0 : index
      %swap3A_1008 = vector.load %arg12[%swap3A_1006, %swap3A_1007] : memref<96x128xf32, #tpu.memory_space<vmem>>, vector<1x128xf32>
      tpu.vector_store %arg12[%swap3A_1006, %swap3A_1007], %dot_general3A_1005 {strides = array<i32>} : memref<96x128xf32, #tpu.memory_space<vmem>>, vector<1x128xf32>,
      %slice3A_1009 = vector.extract_strided_slice %mul3A_690 {offsets = [0, 76], sizes = [32, 1], strides = [1, 1]} : vector<32x96xf32> to vector<32x1xf32>
      %dot_general3A_1010 = arith.constant dense<0.000000e+00> : vector<1x128xf32>
      %dot_general3A_1011 = tpu.matmul %slice3A_1009, %get3A_992, %dot_general3A_1010 {dimension_numbers = #tpu.dot_dimension_numbers<[0], [0], [1], [1], [0, 1, 1, 1], [], []>, transpose_lhs_hint = false} : vector<32x1xf32>, vector<32x128xf32>, vector<1x128xf32> -> vector<1x128xf32>
      %swap3A_1012 = arith.constant 76 : index
      %swap3A_1013 = arith.constant 0 : index
      %swap3A_1014 = vector.load %arg12[%swap3A_1012, %swap3A_1013] : memref<96x128xf32, #tpu.memory_space<vmem>>, vector<1x128xf32>
      tpu.vector_store %arg12[%swap3A_1012, %swap3A_1013], %dot_general3A_1011 {strides = array<i32>} : memref<96x128xf32, #tpu.memory_space<vmem>>, vector<1x128xf32>,
      %get3A_1015 = arith.constant 416 : index
      %get3A_1016 = arith.constant 0 : index
      %get3A_1017 = vector.load %arg1[%get3A_1015, %get3A_1016] : memref<1024x128xf32, #tpu.memory_space<vmem>>, vector<32x128xf32>
      %slice3A_1018 = vector.extract_strided_slice %get3A_1017 {offsets = [0, 0], sizes = [1, 128], strides = [1, 1]} : vector<32x128xf32> to vector<1x128xf32>
      %swap3A_1019 = arith.constant 13 : index
      %swap3A_1020 = arith.constant 0 : index
      %swap3A_1021 = vector.load %arg13[%swap3A_1019, %swap3A_1020] : memref<32x128xf32, #tpu.memory_space<vmem>>, vector<1x128xf32>
      tpu.vector_store %arg13[%swap3A_1019, %swap3A_1020], %slice3A_1018 {strides = array<i32>} : memref<32x128xf32, #tpu.memory_space<vmem>>, vector<1x128xf32>,
      %slice3A_1022 = vector.extract_strided_slice %mul3A_690 {offsets = [0, 13], sizes = [32, 1], strides = [1, 1]} : vector<32x96xf32> to vector<32x1xf32>
      %dot_general3A_1023 = arith.constant dense<0.000000e+00> : vector<1x128xf32>
      %dot_general3A_1024 = tpu.matmul %slice3A_1022, %get3A_1017, %dot_general3A_1023 {dimension_numbers = #tpu.dot_dimension_numbers<[0], [0], [1], [1], [0, 1, 1, 1], [], []>, transpose_lhs_hint = false} : vector<32x1xf32>, vector<32x128xf32>, vector<1x128xf32> -> vector<1x128xf32>
      %swap3A_1025 = arith.constant 13 : index
      %swap3A_1026 = arith.constant 0 : index
      %swap3A_1027 = vector.load %arg12[%swap3A_1025, %swap3A_1026] : memref<96x128xf32, #tpu.memory_space<vmem>>, vector<1x128xf32>
      tpu.vector_store %arg12[%swap3A_1025, %swap3A_1026], %dot_general3A_1024 {strides = array<i32>} : memref<96x128xf32, #tpu.memory_space<vmem>>, vector<1x128xf32>,
      %slice3A_1028 = vector.extract_strided_slice %mul3A_690 {offsets = [0, 45], sizes = [32, 1], strides = [1, 1]} : vector<32x96xf32> to vector<32x1xf32>
      %dot_general3A_1029 = arith.constant dense<0.000000e+00> : vector<1x128xf32>
      %dot_general3A_1030 = tpu.matmul %slice3A_1028, %get3A_1017, %dot_general3A_1029 {dimension_numbers = #tpu.dot_dimension_numbers<[0], [0], [1], [1], [0, 1, 1, 1], [], []>, transpose_lhs_hint = false} : vector<32x1xf32>, vector<32x128xf32>, vector<1x128xf32> -> vector<1x128xf32>
      %swap3A_1031 = arith.constant 45 : index
      %swap3A_1032 = arith.constant 0 : index
      %swap3A_1033 = vector.load %arg12[%swap3A_1031, %swap3A_1032] : memref<96x128xf32, #tpu.memory_space<vmem>>, vector<1x128xf32>
      tpu.vector_store %arg12[%swap3A_1031, %swap3A_1032], %dot_general3A_1030 {strides = array<i32>} : memref<96x128xf32, #tpu.memory_space<vmem>>, vector<1x128xf32>,
      %slice3A_1034 = vector.extract_strided_slice %mul3A_690 {offsets = [0, 77], sizes = [32, 1], strides = [1, 1]} : vector<32x96xf32> to vector<32x1xf32>
      %dot_general3A_1035 = arith.constant dense<0.000000e+00> : vector<1x128xf32>
      %dot_general3A_1036 = tpu.matmul %slice3A_1034, %get3A_1017, %dot_general3A_1035 {dimension_numbers = #tpu.dot_dimension_numbers<[0], [0], [1], [1], [0, 1, 1, 1], [], []>, transpose_lhs_hint = false} : vector<32x1xf32>, vector<32x128xf32>, vector<1x128xf32> -> vector<1x128xf32>
      %swap3A_1037 = arith.constant 77 : index
      %swap3A_1038 = arith.constant 0 : index
      %swap3A_1039 = vector.load %arg12[%swap3A_1037, %swap3A_1038] : memref<96x128xf32, #tpu.memory_space<vmem>>, vector<1x128xf32>
      tpu.vector_store %arg12[%swap3A_1037, %swap3A_1038], %dot_general3A_1036 {strides = array<i32>} : memref<96x128xf32, #tpu.memory_space<vmem>>, vector<1x128xf32>,
      %get3A_1040 = arith.constant 448 : index
      %get3A_1041 = arith.constant 0 : index
      %get3A_1042 = vector.load %arg1[%get3A_1040, %get3A_1041] : memref<1024x128xf32, #tpu.memory_space<vmem>>, vector<32x128xf32>
      %slice3A_1043 = vector.extract_strided_slice %get3A_1042 {offsets = [0, 0], sizes = [1, 128], strides = [1, 1]} : vector<32x128xf32> to vector<1x128xf32>
      %swap3A_1044 = arith.constant 14 : index
      %swap3A_1045 = arith.constant 0 : index
      %swap3A_1046 = vector.load %arg13[%swap3A_1044, %swap3A_1045] : memref<32x128xf32, #tpu.memory_space<vmem>>, vector<1x128xf32>
      tpu.vector_store %arg13[%swap3A_1044, %swap3A_1045], %slice3A_1043 {strides = array<i32>} : memref<32x128xf32, #tpu.memory_space<vmem>>, vector<1x128xf32>,
      %slice3A_1047 = vector.extract_strided_slice %mul3A_690 {offsets = [0, 14], sizes = [32, 1], strides = [1, 1]} : vector<32x96xf32> to vector<32x1xf32>
      %dot_general3A_1048 = arith.constant dense<0.000000e+00> : vector<1x128xf32>
      %dot_general3A_1049 = tpu.matmul %slice3A_1047, %get3A_1042, %dot_general3A_1048 {dimension_numbers = #tpu.dot_dimension_numbers<[0], [0], [1], [1], [0, 1, 1, 1], [], []>, transpose_lhs_hint = false} : vector<32x1xf32>, vector<32x128xf32>, vector<1x128xf32> -> vector<1x128xf32>
      %swap3A_1050 = arith.constant 14 : index
      %swap3A_1051 = arith.constant 0 : index
      %swap3A_1052 = vector.load %arg12[%swap3A_1050, %swap3A_1051] : memref<96x128xf32, #tpu.memory_space<vmem>>, vector<1x128xf32>
      tpu.vector_store %arg12[%swap3A_1050, %swap3A_1051], %dot_general3A_1049 {strides = array<i32>} : memref<96x128xf32, #tpu.memory_space<vmem>>, vector<1x128xf32>,
      %slice3A_1053 = vector.extract_strided_slice %mul3A_690 {offsets = [0, 46], sizes = [32, 1], strides = [1, 1]} : vector<32x96xf32> to vector<32x1xf32>
      %dot_general3A_1054 = arith.constant dense<0.000000e+00> : vector<1x128xf32>
      %dot_general3A_1055 = tpu.matmul %slice3A_1053, %get3A_1042, %dot_general3A_1054 {dimension_numbers = #tpu.dot_dimension_numbers<[0], [0], [1], [1], [0, 1, 1, 1], [], []>, transpose_lhs_hint = false} : vector<32x1xf32>, vector<32x128xf32>, vector<1x128xf32> -> vector<1x128xf32>
      %swap3A_1056 = arith.constant 46 : index
      %swap3A_1057 = arith.constant 0 : index
      %swap3A_1058 = vector.load %arg12[%swap3A_1056, %swap3A_1057] : memref<96x128xf32, #tpu.memory_space<vmem>>, vector<1x128xf32>
      tpu.vector_store %arg12[%swap3A_1056, %swap3A_1057], %dot_general3A_1055 {strides = array<i32>} : memref<96x128xf32, #tpu.memory_space<vmem>>, vector<1x128xf32>,
      %slice3A_1059 = vector.extract_strided_slice %mul3A_690 {offsets = [0, 78], sizes = [32, 1], strides = [1, 1]} : vector<32x96xf32> to vector<32x1xf32>
      %dot_general3A_1060 = arith.constant dense<0.000000e+00> : vector<1x128xf32>
      %dot_general3A_1061 = tpu.matmul %slice3A_1059, %get3A_1042, %dot_general3A_1060 {dimension_numbers = #tpu.dot_dimension_numbers<[0], [0], [1], [1], [0, 1, 1, 1], [], []>, transpose_lhs_hint = false} : vector<32x1xf32>, vector<32x128xf32>, vector<1x128xf32> -> vector<1x128xf32>
      %swap3A_1062 = arith.constant 78 : index
      %swap3A_1063 = arith.constant 0 : index
      %swap3A_1064 = vector.load %arg12[%swap3A_1062, %swap3A_1063] : memref<96x128xf32, #tpu.memory_space<vmem>>, vector<1x128xf32>
      tpu.vector_store %arg12[%swap3A_1062, %swap3A_1063], %dot_general3A_1061 {strides = array<i32>} : memref<96x128xf32, #tpu.memory_space<vmem>>, vector<1x128xf32>,
      %get3A_1065 = arith.constant 480 : index
      %get3A_1066 = arith.constant 0 : index
      %get3A_1067 = vector.load %arg1[%get3A_1065, %get3A_1066] : memref<1024x128xf32, #tpu.memory_space<vmem>>, vector<32x128xf32>
      %slice3A_1068 = vector.extract_strided_slice %get3A_1067 {offsets = [0, 0], sizes = [1, 128], strides = [1, 1]} : vector<32x128xf32> to vector<1x128xf32>
      %swap3A_1069 = arith.constant 15 : index
      %swap3A_1070 = arith.constant 0 : index
      %swap3A_1071 = vector.load %arg13[%swap3A_1069, %swap3A_1070] : memref<32x128xf32, #tpu.memory_space<vmem>>, vector<1x128xf32>
      tpu.vector_store %arg13[%swap3A_1069, %swap3A_1070], %slice3A_1068 {strides = array<i32>} : memref<32x128xf32, #tpu.memory_space<vmem>>, vector<1x128xf32>,
      %slice3A_1072 = vector.extract_strided_slice %mul3A_690 {offsets = [0, 15], sizes = [32, 1], strides = [1, 1]} : vector<32x96xf32> to vector<32x1xf32>
      %dot_general3A_1073 = arith.constant dense<0.000000e+00> : vector<1x128xf32>
      %dot_general3A_1074 = tpu.matmul %slice3A_1072, %get3A_1067, %dot_general3A_1073 {dimension_numbers = #tpu.dot_dimension_numbers<[0], [0], [1], [1], [0, 1, 1, 1], [], []>, transpose_lhs_hint = false} : vector<32x1xf32>, vector<32x128xf32>, vector<1x128xf32> -> vector<1x128xf32>
      %swap3A_1075 = arith.constant 15 : index
      %swap3A_1076 = arith.constant 0 : index
      %swap3A_1077 = vector.load %arg12[%swap3A_1075, %swap3A_1076] : memref<96x128xf32, #tpu.memory_space<vmem>>, vector<1x128xf32>
      tpu.vector_store %arg12[%swap3A_1075, %swap3A_1076], %dot_general3A_1074 {strides = array<i32>} : memref<96x128xf32, #tpu.memory_space<vmem>>, vector<1x128xf32>,
      %slice3A_1078 = vector.extract_strided_slice %mul3A_690 {offsets = [0, 47], sizes = [32, 1], strides = [1, 1]} : vector<32x96xf32> to vector<32x1xf32>
      %dot_general3A_1079 = arith.constant dense<0.000000e+00> : vector<1x128xf32>
      %dot_general3A_1080 = tpu.matmul %slice3A_1078, %get3A_1067, %dot_general3A_1079 {dimension_numbers = #tpu.dot_dimension_numbers<[0], [0], [1], [1], [0, 1, 1, 1], [], []>, transpose_lhs_hint = false} : vector<32x1xf32>, vector<32x128xf32>, vector<1x128xf32> -> vector<1x128xf32>
      %swap3A_1081 = arith.constant 47 : index
      %swap3A_1082 = arith.constant 0 : index
      %swap3A_1083 = vector.load %arg12[%swap3A_1081, %swap3A_1082] : memref<96x128xf32, #tpu.memory_space<vmem>>, vector<1x128xf32>
      tpu.vector_store %arg12[%swap3A_1081, %swap3A_1082], %dot_general3A_1080 {strides = array<i32>} : memref<96x128xf32, #tpu.memory_space<vmem>>, vector<1x128xf32>,
      %slice3A_1084 = vector.extract_strided_slice %mul3A_690 {offsets = [0, 79], sizes = [32, 1], strides = [1, 1]} : vector<32x96xf32> to vector<32x1xf32>
      %dot_general3A_1085 = arith.constant dense<0.000000e+00> : vector<1x128xf32>
      %dot_general3A_1086 = tpu.matmul %slice3A_1084, %get3A_1067, %dot_general3A_1085 {dimension_numbers = #tpu.dot_dimension_numbers<[0], [0], [1], [1], [0, 1, 1, 1], [], []>, transpose_lhs_hint = false} : vector<32x1xf32>, vector<32x128xf32>, vector<1x128xf32> -> vector<1x128xf32>
      %swap3A_1087 = arith.constant 79 : index
      %swap3A_1088 = arith.constant 0 : index
      %swap3A_1089 = vector.load %arg12[%swap3A_1087, %swap3A_1088] : memref<96x128xf32, #tpu.memory_space<vmem>>, vector<1x128xf32>
      tpu.vector_store %arg12[%swap3A_1087, %swap3A_1088], %dot_general3A_1086 {strides = array<i32>} : memref<96x128xf32, #tpu.memory_space<vmem>>, vector<1x128xf32>,
      %get3A_1090 = arith.constant 512 : index
      %get3A_1091 = arith.constant 0 : index
      %get3A_1092 = vector.load %arg1[%get3A_1090, %get3A_1091] : memref<1024x128xf32, #tpu.memory_space<vmem>>, vector<32x128xf32>
      %slice3A_1093 = vector.extract_strided_slice %get3A_1092 {offsets = [0, 0], sizes = [1, 128], strides = [1, 1]} : vector<32x128xf32> to vector<1x128xf32>
      %swap3A_1094 = arith.constant 16 : index
      %swap3A_1095 = arith.constant 0 : index
      %swap3A_1096 = vector.load %arg13[%swap3A_1094, %swap3A_1095] : memref<32x128xf32, #tpu.memory_space<vmem>>, vector<1x128xf32>
      tpu.vector_store %arg13[%swap3A_1094, %swap3A_1095], %slice3A_1093 {strides = array<i32>} : memref<32x128xf32, #tpu.memory_space<vmem>>, vector<1x128xf32>,
      %slice3A_1097 = vector.extract_strided_slice %mul3A_690 {offsets = [0, 16], sizes = [32, 1], strides = [1, 1]} : vector<32x96xf32> to vector<32x1xf32>
      %dot_general3A_1098 = arith.constant dense<0.000000e+00> : vector<1x128xf32>
      %dot_general3A_1099 = tpu.matmul %slice3A_1097, %get3A_1092, %dot_general3A_1098 {dimension_numbers = #tpu.dot_dimension_numbers<[0], [0], [1], [1], [0, 1, 1, 1], [], []>, transpose_lhs_hint = false} : vector<32x1xf32>, vector<32x128xf32>, vector<1x128xf32> -> vector<1x128xf32>
      %swap3A_1100 = arith.constant 16 : index
      %swap3A_1101 = arith.constant 0 : index
      %swap3A_1102 = vector.load %arg12[%swap3A_1100, %swap3A_1101] : memref<96x128xf32, #tpu.memory_space<vmem>>, vector<1x128xf32>
      tpu.vector_store %arg12[%swap3A_1100, %swap3A_1101], %dot_general3A_1099 {strides = array<i32>} : memref<96x128xf32, #tpu.memory_space<vmem>>, vector<1x128xf32>,
      %slice3A_1103 = vector.extract_strided_slice %mul3A_690 {offsets = [0, 48], sizes = [32, 1], strides = [1, 1]} : vector<32x96xf32> to vector<32x1xf32>
      %dot_general3A_1104 = arith.constant dense<0.000000e+00> : vector<1x128xf32>
      %dot_general3A_1105 = tpu.matmul %slice3A_1103, %get3A_1092, %dot_general3A_1104 {dimension_numbers = #tpu.dot_dimension_numbers<[0], [0], [1], [1], [0, 1, 1, 1], [], []>, transpose_lhs_hint = false} : vector<32x1xf32>, vector<32x128xf32>, vector<1x128xf32> -> vector<1x128xf32>
      %swap3A_1106 = arith.constant 48 : index
      %swap3A_1107 = arith.constant 0 : index
      %swap3A_1108 = vector.load %arg12[%swap3A_1106, %swap3A_1107] : memref<96x128xf32, #tpu.memory_space<vmem>>, vector<1x128xf32>
      tpu.vector_store %arg12[%swap3A_1106, %swap3A_1107], %dot_general3A_1105 {strides = array<i32>} : memref<96x128xf32, #tpu.memory_space<vmem>>, vector<1x128xf32>,
      %slice3A_1109 = vector.extract_strided_slice %mul3A_690 {offsets = [0, 80], sizes = [32, 1], strides = [1, 1]} : vector<32x96xf32> to vector<32x1xf32>
      %dot_general3A_1110 = arith.constant dense<0.000000e+00> : vector<1x128xf32>
      %dot_general3A_1111 = tpu.matmul %slice3A_1109, %get3A_1092, %dot_general3A_1110 {dimension_numbers = #tpu.dot_dimension_numbers<[0], [0], [1], [1], [0, 1, 1, 1], [], []>, transpose_lhs_hint = false} : vector<32x1xf32>, vector<32x128xf32>, vector<1x128xf32> -> vector<1x128xf32>
      %swap3A_1112 = arith.constant 80 : index
      %swap3A_1113 = arith.constant 0 : index
      %swap3A_1114 = vector.load %arg12[%swap3A_1112, %swap3A_1113] : memref<96x128xf32, #tpu.memory_space<vmem>>, vector<1x128xf32>
      tpu.vector_store %arg12[%swap3A_1112, %swap3A_1113], %dot_general3A_1111 {strides = array<i32>} : memref<96x128xf32, #tpu.memory_space<vmem>>, vector<1x128xf32>,
      %get3A_1115 = arith.constant 544 : index
      %get3A_1116 = arith.constant 0 : index
      %get3A_1117 = vector.load %arg1[%get3A_1115, %get3A_1116] : memref<1024x128xf32, #tpu.memory_space<vmem>>, vector<32x128xf32>
      %slice3A_1118 = vector.extract_strided_slice %get3A_1117 {offsets = [0, 0], sizes = [1, 128], strides = [1, 1]} : vector<32x128xf32> to vector<1x128xf32>
      %swap3A_1119 = arith.constant 17 : index
      %swap3A_1120 = arith.constant 0 : index
      %swap3A_1121 = vector.load %arg13[%swap3A_1119, %swap3A_1120] : memref<32x128xf32, #tpu.memory_space<vmem>>, vector<1x128xf32>
      tpu.vector_store %arg13[%swap3A_1119, %swap3A_1120], %slice3A_1118 {strides = array<i32>} : memref<32x128xf32, #tpu.memory_space<vmem>>, vector<1x128xf32>,
      %slice3A_1122 = vector.extract_strided_slice %mul3A_690 {offsets = [0, 17], sizes = [32, 1], strides = [1, 1]} : vector<32x96xf32> to vector<32x1xf32>
      %dot_general3A_1123 = arith.constant dense<0.000000e+00> : vector<1x128xf32>
      %dot_general3A_1124 = tpu.matmul %slice3A_1122, %get3A_1117, %dot_general3A_1123 {dimension_numbers = #tpu.dot_dimension_numbers<[0], [0], [1], [1], [0, 1, 1, 1], [], []>, transpose_lhs_hint = false} : vector<32x1xf32>, vector<32x128xf32>, vector<1x128xf32> -> vector<1x128xf32>
      %swap3A_1125 = arith.constant 17 : index
      %swap3A_1126 = arith.constant 0 : index
      %swap3A_1127 = vector.load %arg12[%swap3A_1125, %swap3A_1126] : memref<96x128xf32, #tpu.memory_space<vmem>>, vector<1x128xf32>
      tpu.vector_store %arg12[%swap3A_1125, %swap3A_1126], %dot_general3A_1124 {strides = array<i32>} : memref<96x128xf32, #tpu.memory_space<vmem>>, vector<1x128xf32>,
      %slice3A_1128 = vector.extract_strided_slice %mul3A_690 {offsets = [0, 49], sizes = [32, 1], strides = [1, 1]} : vector<32x96xf32> to vector<32x1xf32>
      %dot_general3A_1129 = arith.constant dense<0.000000e+00> : vector<1x128xf32>
      %dot_general3A_1130 = tpu.matmul %slice3A_1128, %get3A_1117, %dot_general3A_1129 {dimension_numbers = #tpu.dot_dimension_numbers<[0], [0], [1], [1], [0, 1, 1, 1], [], []>, transpose_lhs_hint = false} : vector<32x1xf32>, vector<32x128xf32>, vector<1x128xf32> -> vector<1x128xf32>
      %swap3A_1131 = arith.constant 49 : index
      %swap3A_1132 = arith.constant 0 : index
      %swap3A_1133 = vector.load %arg12[%swap3A_1131, %swap3A_1132] : memref<96x128xf32, #tpu.memory_space<vmem>>, vector<1x128xf32>
      tpu.vector_store %arg12[%swap3A_1131, %swap3A_1132], %dot_general3A_1130 {strides = array<i32>} : memref<96x128xf32, #tpu.memory_space<vmem>>, vector<1x128xf32>,
      %slice3A_1134 = vector.extract_strided_slice %mul3A_690 {offsets = [0, 81], sizes = [32, 1], strides = [1, 1]} : vector<32x96xf32> to vector<32x1xf32>
      %dot_general3A_1135 = arith.constant dense<0.000000e+00> : vector<1x128xf32>
      %dot_general3A_1136 = tpu.matmul %slice3A_1134, %get3A_1117, %dot_general3A_1135 {dimension_numbers = #tpu.dot_dimension_numbers<[0], [0], [1], [1], [0, 1, 1, 1], [], []>, transpose_lhs_hint = false} : vector<32x1xf32>, vector<32x128xf32>, vector<1x128xf32> -> vector<1x128xf32>
      %swap3A_1137 = arith.constant 81 : index
      %swap3A_1138 = arith.constant 0 : index
      %swap3A_1139 = vector.load %arg12[%swap3A_1137, %swap3A_1138] : memref<96x128xf32, #tpu.memory_space<vmem>>, vector<1x128xf32>
      tpu.vector_store %arg12[%swap3A_1137, %swap3A_1138], %dot_general3A_1136 {strides = array<i32>} : memref<96x128xf32, #tpu.memory_space<vmem>>, vector<1x128xf32>,
      %get3A_1140 = arith.constant 576 : index
      %get3A_1141 = arith.constant 0 : index
      %get3A_1142 = vector.load %arg1[%get3A_1140, %get3A_1141] : memref<1024x128xf32, #tpu.memory_space<vmem>>, vector<32x128xf32>
      %slice3A_1143 = vector.extract_strided_slice %get3A_1142 {offsets = [0, 0], sizes = [1, 128], strides = [1, 1]} : vector<32x128xf32> to vector<1x128xf32>
      %swap3A_1144 = arith.constant 18 : index
      %swap3A_1145 = arith.constant 0 : index
      %swap3A_1146 = vector.load %arg13[%swap3A_1144, %swap3A_1145] : memref<32x128xf32, #tpu.memory_space<vmem>>, vector<1x128xf32>
      tpu.vector_store %arg13[%swap3A_1144, %swap3A_1145], %slice3A_1143 {strides = array<i32>} : memref<32x128xf32, #tpu.memory_space<vmem>>, vector<1x128xf32>,
      %slice3A_1147 = vector.extract_strided_slice %mul3A_690 {offsets = [0, 18], sizes = [32, 1], strides = [1, 1]} : vector<32x96xf32> to vector<32x1xf32>
      %dot_general3A_1148 = arith.constant dense<0.000000e+00> : vector<1x128xf32>
      %dot_general3A_1149 = tpu.matmul %slice3A_1147, %get3A_1142, %dot_general3A_1148 {dimension_numbers = #tpu.dot_dimension_numbers<[0], [0], [1], [1], [0, 1, 1, 1], [], []>, transpose_lhs_hint = false} : vector<32x1xf32>, vector<32x128xf32>, vector<1x128xf32> -> vector<1x128xf32>
      %swap3A_1150 = arith.constant 18 : index
      %swap3A_1151 = arith.constant 0 : index
      %swap3A_1152 = vector.load %arg12[%swap3A_1150, %swap3A_1151] : memref<96x128xf32, #tpu.memory_space<vmem>>, vector<1x128xf32>
      tpu.vector_store %arg12[%swap3A_1150, %swap3A_1151], %dot_general3A_1149 {strides = array<i32>} : memref<96x128xf32, #tpu.memory_space<vmem>>, vector<1x128xf32>,
      %slice3A_1153 = vector.extract_strided_slice %mul3A_690 {offsets = [0, 50], sizes = [32, 1], strides = [1, 1]} : vector<32x96xf32> to vector<32x1xf32>
      %dot_general3A_1154 = arith.constant dense<0.000000e+00> : vector<1x128xf32>
      %dot_general3A_1155 = tpu.matmul %slice3A_1153, %get3A_1142, %dot_general3A_1154 {dimension_numbers = #tpu.dot_dimension_numbers<[0], [0], [1], [1], [0, 1, 1, 1], [], []>, transpose_lhs_hint = false} : vector<32x1xf32>, vector<32x128xf32>, vector<1x128xf32> -> vector<1x128xf32>
      %swap3A_1156 = arith.constant 50 : index
      %swap3A_1157 = arith.constant 0 : index
      %swap3A_1158 = vector.load %arg12[%swap3A_1156, %swap3A_1157] : memref<96x128xf32, #tpu.memory_space<vmem>>, vector<1x128xf32>
      tpu.vector_store %arg12[%swap3A_1156, %swap3A_1157], %dot_general3A_1155 {strides = array<i32>} : memref<96x128xf32, #tpu.memory_space<vmem>>, vector<1x128xf32>,
      %slice3A_1159 = vector.extract_strided_slice %mul3A_690 {offsets = [0, 82], sizes = [32, 1], strides = [1, 1]} : vector<32x96xf32> to vector<32x1xf32>
      %dot_general3A_1160 = arith.constant dense<0.000000e+00> : vector<1x128xf32>
      %dot_general3A_1161 = tpu.matmul %slice3A_1159, %get3A_1142, %dot_general3A_1160 {dimension_numbers = #tpu.dot_dimension_numbers<[0], [0], [1], [1], [0, 1, 1, 1], [], []>, transpose_lhs_hint = false} : vector<32x1xf32>, vector<32x128xf32>, vector<1x128xf32> -> vector<1x128xf32>
      %swap3A_1162 = arith.constant 82 : index
      %swap3A_1163 = arith.constant 0 : index
      %swap3A_1164 = vector.load %arg12[%swap3A_1162, %swap3A_1163] : memref<96x128xf32, #tpu.memory_space<vmem>>, vector<1x128xf32>
      tpu.vector_store %arg12[%swap3A_1162, %swap3A_1163], %dot_general3A_1161 {strides = array<i32>} : memref<96x128xf32, #tpu.memory_space<vmem>>, vector<1x128xf32>,
      %get3A_1165 = arith.constant 608 : index
      %get3A_1166 = arith.constant 0 : index
      %get3A_1167 = vector.load %arg1[%get3A_1165, %get3A_1166] : memref<1024x128xf32, #tpu.memory_space<vmem>>, vector<32x128xf32>
      %slice3A_1168 = vector.extract_strided_slice %get3A_1167 {offsets = [0, 0], sizes = [1, 128], strides = [1, 1]} : vector<32x128xf32> to vector<1x128xf32>
      %swap3A_1169 = arith.constant 19 : index
      %swap3A_1170 = arith.constant 0 : index
      %swap3A_1171 = vector.load %arg13[%swap3A_1169, %swap3A_1170] : memref<32x128xf32, #tpu.memory_space<vmem>>, vector<1x128xf32>
      tpu.vector_store %arg13[%swap3A_1169, %swap3A_1170], %slice3A_1168 {strides = array<i32>} : memref<32x128xf32, #tpu.memory_space<vmem>>, vector<1x128xf32>,
      %slice3A_1172 = vector.extract_strided_slice %mul3A_690 {offsets = [0, 19], sizes = [32, 1], strides = [1, 1]} : vector<32x96xf32> to vector<32x1xf32>
      %dot_general3A_1173 = arith.constant dense<0.000000e+00> : vector<1x128xf32>
      %dot_general3A_1174 = tpu.matmul %slice3A_1172, %get3A_1167, %dot_general3A_1173 {dimension_numbers = #tpu.dot_dimension_numbers<[0], [0], [1], [1], [0, 1, 1, 1], [], []>, transpose_lhs_hint = false} : vector<32x1xf32>, vector<32x128xf32>, vector<1x128xf32> -> vector<1x128xf32>
      %swap3A_1175 = arith.constant 19 : index
      %swap3A_1176 = arith.constant 0 : index
      %swap3A_1177 = vector.load %arg12[%swap3A_1175, %swap3A_1176] : memref<96x128xf32, #tpu.memory_space<vmem>>, vector<1x128xf32>
      tpu.vector_store %arg12[%swap3A_1175, %swap3A_1176], %dot_general3A_1174 {strides = array<i32>} : memref<96x128xf32, #tpu.memory_space<vmem>>, vector<1x128xf32>,
      %slice3A_1178 = vector.extract_strided_slice %mul3A_690 {offsets = [0, 51], sizes = [32, 1], strides = [1, 1]} : vector<32x96xf32> to vector<32x1xf32>
      %dot_general3A_1179 = arith.constant dense<0.000000e+00> : vector<1x128xf32>
      %dot_general3A_1180 = tpu.matmul %slice3A_1178, %get3A_1167, %dot_general3A_1179 {dimension_numbers = #tpu.dot_dimension_numbers<[0], [0], [1], [1], [0, 1, 1, 1], [], []>, transpose_lhs_hint = false} : vector<32x1xf32>, vector<32x128xf32>, vector<1x128xf32> -> vector<1x128xf32>
      %swap3A_1181 = arith.constant 51 : index
      %swap3A_1182 = arith.constant 0 : index
      %swap3A_1183 = vector.load %arg12[%swap3A_1181, %swap3A_1182] : memref<96x128xf32, #tpu.memory_space<vmem>>, vector<1x128xf32>
      tpu.vector_store %arg12[%swap3A_1181, %swap3A_1182], %dot_general3A_1180 {strides = array<i32>} : memref<96x128xf32, #tpu.memory_space<vmem>>, vector<1x128xf32>,
      %slice3A_1184 = vector.extract_strided_slice %mul3A_690 {offsets = [0, 83], sizes = [32, 1], strides = [1, 1]} : vector<32x96xf32> to vector<32x1xf32>
      %dot_general3A_1185 = arith.constant dense<0.000000e+00> : vector<1x128xf32>
      %dot_general3A_1186 = tpu.matmul %slice3A_1184, %get3A_1167, %dot_general3A_1185 {dimension_numbers = #tpu.dot_dimension_numbers<[0], [0], [1], [1], [0, 1, 1, 1], [], []>, transpose_lhs_hint = false} : vector<32x1xf32>, vector<32x128xf32>, vector<1x128xf32> -> vector<1x128xf32>
      %swap3A_1187 = arith.constant 83 : index
      %swap3A_1188 = arith.constant 0 : index
      %swap3A_1189 = vector.load %arg12[%swap3A_1187, %swap3A_1188] : memref<96x128xf32, #tpu.memory_space<vmem>>, vector<1x128xf32>
      tpu.vector_store %arg12[%swap3A_1187, %swap3A_1188], %dot_general3A_1186 {strides = array<i32>} : memref<96x128xf32, #tpu.memory_space<vmem>>, vector<1x128xf32>,
      %get3A_1190 = arith.constant 640 : index
      %get3A_1191 = arith.constant 0 : index
      %get3A_1192 = vector.load %arg1[%get3A_1190, %get3A_1191] : memref<1024x128xf32, #tpu.memory_space<vmem>>, vector<32x128xf32>
      %slice3A_1193 = vector.extract_strided_slice %get3A_1192 {offsets = [0, 0], sizes = [1, 128], strides = [1, 1]} : vector<32x128xf32> to vector<1x128xf32>
      %swap3A_1194 = arith.constant 20 : index
      %swap3A_1195 = arith.constant 0 : index
      %swap3A_1196 = vector.load %arg13[%swap3A_1194, %swap3A_1195] : memref<32x128xf32, #tpu.memory_space<vmem>>, vector<1x128xf32>
      tpu.vector_store %arg13[%swap3A_1194, %swap3A_1195], %slice3A_1193 {strides = array<i32>} : memref<32x128xf32, #tpu.memory_space<vmem>>, vector<1x128xf32>,
      %slice3A_1197 = vector.extract_strided_slice %mul3A_690 {offsets = [0, 20], sizes = [32, 1], strides = [1, 1]} : vector<32x96xf32> to vector<32x1xf32>
      %dot_general3A_1198 = arith.constant dense<0.000000e+00> : vector<1x128xf32>
      %dot_general3A_1199 = tpu.matmul %slice3A_1197, %get3A_1192, %dot_general3A_1198 {dimension_numbers = #tpu.dot_dimension_numbers<[0], [0], [1], [1], [0, 1, 1, 1], [], []>, transpose_lhs_hint = false} : vector<32x1xf32>, vector<32x128xf32>, vector<1x128xf32> -> vector<1x128xf32>
      %swap3A_1200 = arith.constant 20 : index
      %swap3A_1201 = arith.constant 0 : index
      %swap3A_1202 = vector.load %arg12[%swap3A_1200, %swap3A_1201] : memref<96x128xf32, #tpu.memory_space<vmem>>, vector<1x128xf32>
      tpu.vector_store %arg12[%swap3A_1200, %swap3A_1201], %dot_general3A_1199 {strides = array<i32>} : memref<96x128xf32, #tpu.memory_space<vmem>>, vector<1x128xf32>,
      %slice3A_1203 = vector.extract_strided_slice %mul3A_690 {offsets = [0, 52], sizes = [32, 1], strides = [1, 1]} : vector<32x96xf32> to vector<32x1xf32>
      %dot_general3A_1204 = arith.constant dense<0.000000e+00> : vector<1x128xf32>
      %dot_general3A_1205 = tpu.matmul %slice3A_1203, %get3A_1192, %dot_general3A_1204 {dimension_numbers = #tpu.dot_dimension_numbers<[0], [0], [1], [1], [0, 1, 1, 1], [], []>, transpose_lhs_hint = false} : vector<32x1xf32>, vector<32x128xf32>, vector<1x128xf32> -> vector<1x128xf32>
      %swap3A_1206 = arith.constant 52 : index
      %swap3A_1207 = arith.constant 0 : index
      %swap3A_1208 = vector.load %arg12[%swap3A_1206, %swap3A_1207] : memref<96x128xf32, #tpu.memory_space<vmem>>, vector<1x128xf32>
      tpu.vector_store %arg12[%swap3A_1206, %swap3A_1207], %dot_general3A_1205 {strides = array<i32>} : memref<96x128xf32, #tpu.memory_space<vmem>>, vector<1x128xf32>,
      %slice3A_1209 = vector.extract_strided_slice %mul3A_690 {offsets = [0, 84], sizes = [32, 1], strides = [1, 1]} : vector<32x96xf32> to vector<32x1xf32>
      %dot_general3A_1210 = arith.constant dense<0.000000e+00> : vector<1x128xf32>
      %dot_general3A_1211 = tpu.matmul %slice3A_1209, %get3A_1192, %dot_general3A_1210 {dimension_numbers = #tpu.dot_dimension_numbers<[0], [0], [1], [1], [0, 1, 1, 1], [], []>, transpose_lhs_hint = false} : vector<32x1xf32>, vector<32x128xf32>, vector<1x128xf32> -> vector<1x128xf32>
      %swap3A_1212 = arith.constant 84 : index
      %swap3A_1213 = arith.constant 0 : index
      %swap3A_1214 = vector.load %arg12[%swap3A_1212, %swap3A_1213] : memref<96x128xf32, #tpu.memory_space<vmem>>, vector<1x128xf32>
      tpu.vector_store %arg12[%swap3A_1212, %swap3A_1213], %dot_general3A_1211 {strides = array<i32>} : memref<96x128xf32, #tpu.memory_space<vmem>>, vector<1x128xf32>,
      %get3A_1215 = arith.constant 672 : index
      %get3A_1216 = arith.constant 0 : index
      %get3A_1217 = vector.load %arg1[%get3A_1215, %get3A_1216] : memref<1024x128xf32, #tpu.memory_space<vmem>>, vector<32x128xf32>
      %slice3A_1218 = vector.extract_strided_slice %get3A_1217 {offsets = [0, 0], sizes = [1, 128], strides = [1, 1]} : vector<32x128xf32> to vector<1x128xf32>
      %swap3A_1219 = arith.constant 21 : index
      %swap3A_1220 = arith.constant 0 : index
      %swap3A_1221 = vector.load %arg13[%swap3A_1219, %swap3A_1220] : memref<32x128xf32, #tpu.memory_space<vmem>>, vector<1x128xf32>
      tpu.vector_store %arg13[%swap3A_1219, %swap3A_1220], %slice3A_1218 {strides = array<i32>} : memref<32x128xf32, #tpu.memory_space<vmem>>, vector<1x128xf32>,
      %slice3A_1222 = vector.extract_strided_slice %mul3A_690 {offsets = [0, 21], sizes = [32, 1], strides = [1, 1]} : vector<32x96xf32> to vector<32x1xf32>
      %dot_general3A_1223 = arith.constant dense<0.000000e+00> : vector<1x128xf32>
      %dot_general3A_1224 = tpu.matmul %slice3A_1222, %get3A_1217, %dot_general3A_1223 {dimension_numbers = #tpu.dot_dimension_numbers<[0], [0], [1], [1], [0, 1, 1, 1], [], []>, transpose_lhs_hint = false} : vector<32x1xf32>, vector<32x128xf32>, vector<1x128xf32> -> vector<1x128xf32>
      %swap3A_1225 = arith.constant 21 : index
      %swap3A_1226 = arith.constant 0 : index
      %swap3A_1227 = vector.load %arg12[%swap3A_1225, %swap3A_1226] : memref<96x128xf32, #tpu.memory_space<vmem>>, vector<1x128xf32>
      tpu.vector_store %arg12[%swap3A_1225, %swap3A_1226], %dot_general3A_1224 {strides = array<i32>} : memref<96x128xf32, #tpu.memory_space<vmem>>, vector<1x128xf32>,
      %slice3A_1228 = vector.extract_strided_slice %mul3A_690 {offsets = [0, 53], sizes = [32, 1], strides = [1, 1]} : vector<32x96xf32> to vector<32x1xf32>
      %dot_general3A_1229 = arith.constant dense<0.000000e+00> : vector<1x128xf32>
      %dot_general3A_1230 = tpu.matmul %slice3A_1228, %get3A_1217, %dot_general3A_1229 {dimension_numbers = #tpu.dot_dimension_numbers<[0], [0], [1], [1], [0, 1, 1, 1], [], []>, transpose_lhs_hint = false} : vector<32x1xf32>, vector<32x128xf32>, vector<1x128xf32> -> vector<1x128xf32>
      %swap3A_1231 = arith.constant 53 : index
      %swap3A_1232 = arith.constant 0 : index
      %swap3A_1233 = vector.load %arg12[%swap3A_1231, %swap3A_1232] : memref<96x128xf32, #tpu.memory_space<vmem>>, vector<1x128xf32>
      tpu.vector_store %arg12[%swap3A_1231, %swap3A_1232], %dot_general3A_1230 {strides = array<i32>} : memref<96x128xf32, #tpu.memory_space<vmem>>, vector<1x128xf32>,
      %slice3A_1234 = vector.extract_strided_slice %mul3A_690 {offsets = [0, 85], sizes = [32, 1], strides = [1, 1]} : vector<32x96xf32> to vector<32x1xf32>
      %dot_general3A_1235 = arith.constant dense<0.000000e+00> : vector<1x128xf32>
      %dot_general3A_1236 = tpu.matmul %slice3A_1234, %get3A_1217, %dot_general3A_1235 {dimension_numbers = #tpu.dot_dimension_numbers<[0], [0], [1], [1], [0, 1, 1, 1], [], []>, transpose_lhs_hint = false} : vector<32x1xf32>, vector<32x128xf32>, vector<1x128xf32> -> vector<1x128xf32>
      %swap3A_1237 = arith.constant 85 : index
      %swap3A_1238 = arith.constant 0 : index
      %swap3A_1239 = vector.load %arg12[%swap3A_1237, %swap3A_1238] : memref<96x128xf32, #tpu.memory_space<vmem>>, vector<1x128xf32>
      tpu.vector_store %arg12[%swap3A_1237, %swap3A_1238], %dot_general3A_1236 {strides = array<i32>} : memref<96x128xf32, #tpu.memory_space<vmem>>, vector<1x128xf32>,
      %get3A_1240 = arith.constant 704 : index
      %get3A_1241 = arith.constant 0 : index
      %get3A_1242 = vector.load %arg1[%get3A_1240, %get3A_1241] : memref<1024x128xf32, #tpu.memory_space<vmem>>, vector<32x128xf32>
      %slice3A_1243 = vector.extract_strided_slice %get3A_1242 {offsets = [0, 0], sizes = [1, 128], strides = [1, 1]} : vector<32x128xf32> to vector<1x128xf32>
      %swap3A_1244 = arith.constant 22 : index
      %swap3A_1245 = arith.constant 0 : index
      %swap3A_1246 = vector.load %arg13[%swap3A_1244, %swap3A_1245] : memref<32x128xf32, #tpu.memory_space<vmem>>, vector<1x128xf32>
      tpu.vector_store %arg13[%swap3A_1244, %swap3A_1245], %slice3A_1243 {strides = array<i32>} : memref<32x128xf32, #tpu.memory_space<vmem>>, vector<1x128xf32>,
      %slice3A_1247 = vector.extract_strided_slice %mul3A_690 {offsets = [0, 22], sizes = [32, 1], strides = [1, 1]} : vector<32x96xf32> to vector<32x1xf32>
      %dot_general3A_1248 = arith.constant dense<0.000000e+00> : vector<1x128xf32>
      %dot_general3A_1249 = tpu.matmul %slice3A_1247, %get3A_1242, %dot_general3A_1248 {dimension_numbers = #tpu.dot_dimension_numbers<[0], [0], [1], [1], [0, 1, 1, 1], [], []>, transpose_lhs_hint = false} : vector<32x1xf32>, vector<32x128xf32>, vector<1x128xf32> -> vector<1x128xf32>
      %swap3A_1250 = arith.constant 22 : index
      %swap3A_1251 = arith.constant 0 : index
      %swap3A_1252 = vector.load %arg12[%swap3A_1250, %swap3A_1251] : memref<96x128xf32, #tpu.memory_space<vmem>>, vector<1x128xf32>
      tpu.vector_store %arg12[%swap3A_1250, %swap3A_1251], %dot_general3A_1249 {strides = array<i32>} : memref<96x128xf32, #tpu.memory_space<vmem>>, vector<1x128xf32>,
      %slice3A_1253 = vector.extract_strided_slice %mul3A_690 {offsets = [0, 54], sizes = [32, 1], strides = [1, 1]} : vector<32x96xf32> to vector<32x1xf32>
      %dot_general3A_1254 = arith.constant dense<0.000000e+00> : vector<1x128xf32>
      %dot_general3A_1255 = tpu.matmul %slice3A_1253, %get3A_1242, %dot_general3A_1254 {dimension_numbers = #tpu.dot_dimension_numbers<[0], [0], [1], [1], [0, 1, 1, 1], [], []>, transpose_lhs_hint = false} : vector<32x1xf32>, vector<32x128xf32>, vector<1x128xf32> -> vector<1x128xf32>
      %swap3A_1256 = arith.constant 54 : index
      %swap3A_1257 = arith.constant 0 : index
      %swap3A_1258 = vector.load %arg12[%swap3A_1256, %swap3A_1257] : memref<96x128xf32, #tpu.memory_space<vmem>>, vector<1x128xf32>
      tpu.vector_store %arg12[%swap3A_1256, %swap3A_1257], %dot_general3A_1255 {strides = array<i32>} : memref<96x128xf32, #tpu.memory_space<vmem>>, vector<1x128xf32>,
      %slice3A_1259 = vector.extract_strided_slice %mul3A_690 {offsets = [0, 86], sizes = [32, 1], strides = [1, 1]} : vector<32x96xf32> to vector<32x1xf32>
      %dot_general3A_1260 = arith.constant dense<0.000000e+00> : vector<1x128xf32>
      %dot_general3A_1261 = tpu.matmul %slice3A_1259, %get3A_1242, %dot_general3A_1260 {dimension_numbers = #tpu.dot_dimension_numbers<[0], [0], [1], [1], [0, 1, 1, 1], [], []>, transpose_lhs_hint = false} : vector<32x1xf32>, vector<32x128xf32>, vector<1x128xf32> -> vector<1x128xf32>
      %swap3A_1262 = arith.constant 86 : index
      %swap3A_1263 = arith.constant 0 : index
      %swap3A_1264 = vector.load %arg12[%swap3A_1262, %swap3A_1263] : memref<96x128xf32, #tpu.memory_space<vmem>>, vector<1x128xf32>
      tpu.vector_store %arg12[%swap3A_1262, %swap3A_1263], %dot_general3A_1261 {strides = array<i32>} : memref<96x128xf32, #tpu.memory_space<vmem>>, vector<1x128xf32>,
      %get3A_1265 = arith.constant 736 : index
      %get3A_1266 = arith.constant 0 : index
      %get3A_1267 = vector.load %arg1[%get3A_1265, %get3A_1266] : memref<1024x128xf32, #tpu.memory_space<vmem>>, vector<32x128xf32>
      %slice3A_1268 = vector.extract_strided_slice %get3A_1267 {offsets = [0, 0], sizes = [1, 128], strides = [1, 1]} : vector<32x128xf32> to vector<1x128xf32>
      %swap3A_1269 = arith.constant 23 : index
      %swap3A_1270 = arith.constant 0 : index
      %swap3A_1271 = vector.load %arg13[%swap3A_1269, %swap3A_1270] : memref<32x128xf32, #tpu.memory_space<vmem>>, vector<1x128xf32>
      tpu.vector_store %arg13[%swap3A_1269, %swap3A_1270], %slice3A_1268 {strides = array<i32>} : memref<32x128xf32, #tpu.memory_space<vmem>>, vector<1x128xf32>,
      %slice3A_1272 = vector.extract_strided_slice %mul3A_690 {offsets = [0, 23], sizes = [32, 1], strides = [1, 1]} : vector<32x96xf32> to vector<32x1xf32>
      %dot_general3A_1273 = arith.constant dense<0.000000e+00> : vector<1x128xf32>
      %dot_general3A_1274 = tpu.matmul %slice3A_1272, %get3A_1267, %dot_general3A_1273 {dimension_numbers = #tpu.dot_dimension_numbers<[0], [0], [1], [1], [0, 1, 1, 1], [], []>, transpose_lhs_hint = false} : vector<32x1xf32>, vector<32x128xf32>, vector<1x128xf32> -> vector<1x128xf32>
      %swap3A_1275 = arith.constant 23 : index
      %swap3A_1276 = arith.constant 0 : index
      %swap3A_1277 = vector.load %arg12[%swap3A_1275, %swap3A_1276] : memref<96x128xf32, #tpu.memory_space<vmem>>, vector<1x128xf32>
      tpu.vector_store %arg12[%swap3A_1275, %swap3A_1276], %dot_general3A_1274 {strides = array<i32>} : memref<96x128xf32, #tpu.memory_space<vmem>>, vector<1x128xf32>,
      %slice3A_1278 = vector.extract_strided_slice %mul3A_690 {offsets = [0, 55], sizes = [32, 1], strides = [1, 1]} : vector<32x96xf32> to vector<32x1xf32>
      %dot_general3A_1279 = arith.constant dense<0.000000e+00> : vector<1x128xf32>
      %dot_general3A_1280 = tpu.matmul %slice3A_1278, %get3A_1267, %dot_general3A_1279 {dimension_numbers = #tpu.dot_dimension_numbers<[0], [0], [1], [1], [0, 1, 1, 1], [], []>, transpose_lhs_hint = false} : vector<32x1xf32>, vector<32x128xf32>, vector<1x128xf32> -> vector<1x128xf32>
      %swap3A_1281 = arith.constant 55 : index
      %swap3A_1282 = arith.constant 0 : index
      %swap3A_1283 = vector.load %arg12[%swap3A_1281, %swap3A_1282] : memref<96x128xf32, #tpu.memory_space<vmem>>, vector<1x128xf32>
      tpu.vector_store %arg12[%swap3A_1281, %swap3A_1282], %dot_general3A_1280 {strides = array<i32>} : memref<96x128xf32, #tpu.memory_space<vmem>>, vector<1x128xf32>,
      %slice3A_1284 = vector.extract_strided_slice %mul3A_690 {offsets = [0, 87], sizes = [32, 1], strides = [1, 1]} : vector<32x96xf32> to vector<32x1xf32>
      %dot_general3A_1285 = arith.constant dense<0.000000e+00> : vector<1x128xf32>
      %dot_general3A_1286 = tpu.matmul %slice3A_1284, %get3A_1267, %dot_general3A_1285 {dimension_numbers = #tpu.dot_dimension_numbers<[0], [0], [1], [1], [0, 1, 1, 1], [], []>, transpose_lhs_hint = false} : vector<32x1xf32>, vector<32x128xf32>, vector<1x128xf32> -> vector<1x128xf32>
      %swap3A_1287 = arith.constant 87 : index
      %swap3A_1288 = arith.constant 0 : index
      %swap3A_1289 = vector.load %arg12[%swap3A_1287, %swap3A_1288] : memref<96x128xf32, #tpu.memory_space<vmem>>, vector<1x128xf32>
      tpu.vector_store %arg12[%swap3A_1287, %swap3A_1288], %dot_general3A_1286 {strides = array<i32>} : memref<96x128xf32, #tpu.memory_space<vmem>>, vector<1x128xf32>,
      %get3A_1290 = arith.constant 768 : index
      %get3A_1291 = arith.constant 0 : index
      %get3A_1292 = vector.load %arg1[%get3A_1290, %get3A_1291] : memref<1024x128xf32, #tpu.memory_space<vmem>>, vector<32x128xf32>
      %slice3A_1293 = vector.extract_strided_slice %get3A_1292 {offsets = [0, 0], sizes = [1, 128], strides = [1, 1]} : vector<32x128xf32> to vector<1x128xf32>
      %swap3A_1294 = arith.constant 24 : index
      %swap3A_1295 = arith.constant 0 : index
      %swap3A_1296 = vector.load %arg13[%swap3A_1294, %swap3A_1295] : memref<32x128xf32, #tpu.memory_space<vmem>>, vector<1x128xf32>
      tpu.vector_store %arg13[%swap3A_1294, %swap3A_1295], %slice3A_1293 {strides = array<i32>} : memref<32x128xf32, #tpu.memory_space<vmem>>, vector<1x128xf32>,
      %slice3A_1297 = vector.extract_strided_slice %mul3A_690 {offsets = [0, 24], sizes = [32, 1], strides = [1, 1]} : vector<32x96xf32> to vector<32x1xf32>
      %dot_general3A_1298 = arith.constant dense<0.000000e+00> : vector<1x128xf32>
      %dot_general3A_1299 = tpu.matmul %slice3A_1297, %get3A_1292, %dot_general3A_1298 {dimension_numbers = #tpu.dot_dimension_numbers<[0], [0], [1], [1], [0, 1, 1, 1], [], []>, transpose_lhs_hint = false} : vector<32x1xf32>, vector<32x128xf32>, vector<1x128xf32> -> vector<1x128xf32>
      %swap3A_1300 = arith.constant 24 : index
      %swap3A_1301 = arith.constant 0 : index
      %swap3A_1302 = vector.load %arg12[%swap3A_1300, %swap3A_1301] : memref<96x128xf32, #tpu.memory_space<vmem>>, vector<1x128xf32>
      tpu.vector_store %arg12[%swap3A_1300, %swap3A_1301], %dot_general3A_1299 {strides = array<i32>} : memref<96x128xf32, #tpu.memory_space<vmem>>, vector<1x128xf32>,
      %slice3A_1303 = vector.extract_strided_slice %mul3A_690 {offsets = [0, 56], sizes = [32, 1], strides = [1, 1]} : vector<32x96xf32> to vector<32x1xf32>
      %dot_general3A_1304 = arith.constant dense<0.000000e+00> : vector<1x128xf32>
      %dot_general3A_1305 = tpu.matmul %slice3A_1303, %get3A_1292, %dot_general3A_1304 {dimension_numbers = #tpu.dot_dimension_numbers<[0], [0], [1], [1], [0, 1, 1, 1], [], []>, transpose_lhs_hint = false} : vector<32x1xf32>, vector<32x128xf32>, vector<1x128xf32> -> vector<1x128xf32>
      %swap3A_1306 = arith.constant 56 : index
      %swap3A_1307 = arith.constant 0 : index
      %swap3A_1308 = vector.load %arg12[%swap3A_1306, %swap3A_1307] : memref<96x128xf32, #tpu.memory_space<vmem>>, vector<1x128xf32>
      tpu.vector_store %arg12[%swap3A_1306, %swap3A_1307], %dot_general3A_1305 {strides = array<i32>} : memref<96x128xf32, #tpu.memory_space<vmem>>, vector<1x128xf32>,
      %slice3A_1309 = vector.extract_strided_slice %mul3A_690 {offsets = [0, 88], sizes = [32, 1], strides = [1, 1]} : vector<32x96xf32> to vector<32x1xf32>
      %dot_general3A_1310 = arith.constant dense<0.000000e+00> : vector<1x128xf32>
      %dot_general3A_1311 = tpu.matmul %slice3A_1309, %get3A_1292, %dot_general3A_1310 {dimension_numbers = #tpu.dot_dimension_numbers<[0], [0], [1], [1], [0, 1, 1, 1], [], []>, transpose_lhs_hint = false} : vector<32x1xf32>, vector<32x128xf32>, vector<1x128xf32> -> vector<1x128xf32>
      %swap3A_1312 = arith.constant 88 : index
      %swap3A_1313 = arith.constant 0 : index
      %swap3A_1314 = vector.load %arg12[%swap3A_1312, %swap3A_1313] : memref<96x128xf32, #tpu.memory_space<vmem>>, vector<1x128xf32>
      tpu.vector_store %arg12[%swap3A_1312, %swap3A_1313], %dot_general3A_1311 {strides = array<i32>} : memref<96x128xf32, #tpu.memory_space<vmem>>, vector<1x128xf32>,
      %get3A_1315 = arith.constant 800 : index
      %get3A_1316 = arith.constant 0 : index
      %get3A_1317 = vector.load %arg1[%get3A_1315, %get3A_1316] : memref<1024x128xf32, #tpu.memory_space<vmem>>, vector<32x128xf32>
      %slice3A_1318 = vector.extract_strided_slice %get3A_1317 {offsets = [0, 0], sizes = [1, 128], strides = [1, 1]} : vector<32x128xf32> to vector<1x128xf32>
      %swap3A_1319 = arith.constant 25 : index
      %swap3A_1320 = arith.constant 0 : index
      %swap3A_1321 = vector.load %arg13[%swap3A_1319, %swap3A_1320] : memref<32x128xf32, #tpu.memory_space<vmem>>, vector<1x128xf32>
      tpu.vector_store %arg13[%swap3A_1319, %swap3A_1320], %slice3A_1318 {strides = array<i32>} : memref<32x128xf32, #tpu.memory_space<vmem>>, vector<1x128xf32>,
      %slice3A_1322 = vector.extract_strided_slice %mul3A_690 {offsets = [0, 25], sizes = [32, 1], strides = [1, 1]} : vector<32x96xf32> to vector<32x1xf32>
      %dot_general3A_1323 = arith.constant dense<0.000000e+00> : vector<1x128xf32>
      %dot_general3A_1324 = tpu.matmul %slice3A_1322, %get3A_1317, %dot_general3A_1323 {dimension_numbers = #tpu.dot_dimension_numbers<[0], [0], [1], [1], [0, 1, 1, 1], [], []>, transpose_lhs_hint = false} : vector<32x1xf32>, vector<32x128xf32>, vector<1x128xf32> -> vector<1x128xf32>
      %swap3A_1325 = arith.constant 25 : index
      %swap3A_1326 = arith.constant 0 : index
      %swap3A_1327 = vector.load %arg12[%swap3A_1325, %swap3A_1326] : memref<96x128xf32, #tpu.memory_space<vmem>>, vector<1x128xf32>
      tpu.vector_store %arg12[%swap3A_1325, %swap3A_1326], %dot_general3A_1324 {strides = array<i32>} : memref<96x128xf32, #tpu.memory_space<vmem>>, vector<1x128xf32>,
      %slice3A_1328 = vector.extract_strided_slice %mul3A_690 {offsets = [0, 57], sizes = [32, 1], strides = [1, 1]} : vector<32x96xf32> to vector<32x1xf32>
      %dot_general3A_1329 = arith.constant dense<0.000000e+00> : vector<1x128xf32>
      %dot_general3A_1330 = tpu.matmul %slice3A_1328, %get3A_1317, %dot_general3A_1329 {dimension_numbers = #tpu.dot_dimension_numbers<[0], [0], [1], [1], [0, 1, 1, 1], [], []>, transpose_lhs_hint = false} : vector<32x1xf32>, vector<32x128xf32>, vector<1x128xf32> -> vector<1x128xf32>
      %swap3A_1331 = arith.constant 57 : index
      %swap3A_1332 = arith.constant 0 : index
      %swap3A_1333 = vector.load %arg12[%swap3A_1331, %swap3A_1332] : memref<96x128xf32, #tpu.memory_space<vmem>>, vector<1x128xf32>
      tpu.vector_store %arg12[%swap3A_1331, %swap3A_1332], %dot_general3A_1330 {strides = array<i32>} : memref<96x128xf32, #tpu.memory_space<vmem>>, vector<1x128xf32>,
      %slice3A_1334 = vector.extract_strided_slice %mul3A_690 {offsets = [0, 89], sizes = [32, 1], strides = [1, 1]} : vector<32x96xf32> to vector<32x1xf32>
      %dot_general3A_1335 = arith.constant dense<0.000000e+00> : vector<1x128xf32>
      %dot_general3A_1336 = tpu.matmul %slice3A_1334, %get3A_1317, %dot_general3A_1335 {dimension_numbers = #tpu.dot_dimension_numbers<[0], [0], [1], [1], [0, 1, 1, 1], [], []>, transpose_lhs_hint = false} : vector<32x1xf32>, vector<32x128xf32>, vector<1x128xf32> -> vector<1x128xf32>
      %swap3A_1337 = arith.constant 89 : index
      %swap3A_1338 = arith.constant 0 : index
      %swap3A_1339 = vector.load %arg12[%swap3A_1337, %swap3A_1338] : memref<96x128xf32, #tpu.memory_space<vmem>>, vector<1x128xf32>
      tpu.vector_store %arg12[%swap3A_1337, %swap3A_1338], %dot_general3A_1336 {strides = array<i32>} : memref<96x128xf32, #tpu.memory_space<vmem>>, vector<1x128xf32>,
      %get3A_1340 = arith.constant 832 : index
      %get3A_1341 = arith.constant 0 : index
      %get3A_1342 = vector.load %arg1[%get3A_1340, %get3A_1341] : memref<1024x128xf32, #tpu.memory_space<vmem>>, vector<32x128xf32>
      %slice3A_1343 = vector.extract_strided_slice %get3A_1342 {offsets = [0, 0], sizes = [1, 128], strides = [1, 1]} : vector<32x128xf32> to vector<1x128xf32>
      %swap3A_1344 = arith.constant 26 : index
      %swap3A_1345 = arith.constant 0 : index
      %swap3A_1346 = vector.load %arg13[%swap3A_1344, %swap3A_1345] : memref<32x128xf32, #tpu.memory_space<vmem>>, vector<1x128xf32>
      tpu.vector_store %arg13[%swap3A_1344, %swap3A_1345], %slice3A_1343 {strides = array<i32>} : memref<32x128xf32, #tpu.memory_space<vmem>>, vector<1x128xf32>,
      %slice3A_1347 = vector.extract_strided_slice %mul3A_690 {offsets = [0, 26], sizes = [32, 1], strides = [1, 1]} : vector<32x96xf32> to vector<32x1xf32>
      %dot_general3A_1348 = arith.constant dense<0.000000e+00> : vector<1x128xf32>
      %dot_general3A_1349 = tpu.matmul %slice3A_1347, %get3A_1342, %dot_general3A_1348 {dimension_numbers = #tpu.dot_dimension_numbers<[0], [0], [1], [1], [0, 1, 1, 1], [], []>, transpose_lhs_hint = false} : vector<32x1xf32>, vector<32x128xf32>, vector<1x128xf32> -> vector<1x128xf32>
      %swap3A_1350 = arith.constant 26 : index
      %swap3A_1351 = arith.constant 0 : index
      %swap3A_1352 = vector.load %arg12[%swap3A_1350, %swap3A_1351] : memref<96x128xf32, #tpu.memory_space<vmem>>, vector<1x128xf32>
      tpu.vector_store %arg12[%swap3A_1350, %swap3A_1351], %dot_general3A_1349 {strides = array<i32>} : memref<96x128xf32, #tpu.memory_space<vmem>>, vector<1x128xf32>,
      %slice3A_1353 = vector.extract_strided_slice %mul3A_690 {offsets = [0, 58], sizes = [32, 1], strides = [1, 1]} : vector<32x96xf32> to vector<32x1xf32>
      %dot_general3A_1354 = arith.constant dense<0.000000e+00> : vector<1x128xf32>
      %dot_general3A_1355 = tpu.matmul %slice3A_1353, %get3A_1342, %dot_general3A_1354 {dimension_numbers = #tpu.dot_dimension_numbers<[0], [0], [1], [1], [0, 1, 1, 1], [], []>, transpose_lhs_hint = false} : vector<32x1xf32>, vector<32x128xf32>, vector<1x128xf32> -> vector<1x128xf32>
      %swap3A_1356 = arith.constant 58 : index
      %swap3A_1357 = arith.constant 0 : index
      %swap3A_1358 = vector.load %arg12[%swap3A_1356, %swap3A_1357] : memref<96x128xf32, #tpu.memory_space<vmem>>, vector<1x128xf32>
      tpu.vector_store %arg12[%swap3A_1356, %swap3A_1357], %dot_general3A_1355 {strides = array<i32>} : memref<96x128xf32, #tpu.memory_space<vmem>>, vector<1x128xf32>,
      %slice3A_1359 = vector.extract_strided_slice %mul3A_690 {offsets = [0, 90], sizes = [32, 1], strides = [1, 1]} : vector<32x96xf32> to vector<32x1xf32>
      %dot_general3A_1360 = arith.constant dense<0.000000e+00> : vector<1x128xf32>
      %dot_general3A_1361 = tpu.matmul %slice3A_1359, %get3A_1342, %dot_general3A_1360 {dimension_numbers = #tpu.dot_dimension_numbers<[0], [0], [1], [1], [0, 1, 1, 1], [], []>, transpose_lhs_hint = false} : vector<32x1xf32>, vector<32x128xf32>, vector<1x128xf32> -> vector<1x128xf32>
      %swap3A_1362 = arith.constant 90 : index
      %swap3A_1363 = arith.constant 0 : index
      %swap3A_1364 = vector.load %arg12[%swap3A_1362, %swap3A_1363] : memref<96x128xf32, #tpu.memory_space<vmem>>, vector<1x128xf32>
      tpu.vector_store %arg12[%swap3A_1362, %swap3A_1363], %dot_general3A_1361 {strides = array<i32>} : memref<96x128xf32, #tpu.memory_space<vmem>>, vector<1x128xf32>,
      %get3A_1365 = arith.constant 864 : index
      %get3A_1366 = arith.constant 0 : index
      %get3A_1367 = vector.load %arg1[%get3A_1365, %get3A_1366] : memref<1024x128xf32, #tpu.memory_space<vmem>>, vector<32x128xf32>
      %slice3A_1368 = vector.extract_strided_slice %get3A_1367 {offsets = [0, 0], sizes = [1, 128], strides = [1, 1]} : vector<32x128xf32> to vector<1x128xf32>
      %swap3A_1369 = arith.constant 27 : index
      %swap3A_1370 = arith.constant 0 : index
      %swap3A_1371 = vector.load %arg13[%swap3A_1369, %swap3A_1370] : memref<32x128xf32, #tpu.memory_space<vmem>>, vector<1x128xf32>
      tpu.vector_store %arg13[%swap3A_1369, %swap3A_1370], %slice3A_1368 {strides = array<i32>} : memref<32x128xf32, #tpu.memory_space<vmem>>, vector<1x128xf32>,
      %slice3A_1372 = vector.extract_strided_slice %mul3A_690 {offsets = [0, 27], sizes = [32, 1], strides = [1, 1]} : vector<32x96xf32> to vector<32x1xf32>
      %dot_general3A_1373 = arith.constant dense<0.000000e+00> : vector<1x128xf32>
      %dot_general3A_1374 = tpu.matmul %slice3A_1372, %get3A_1367, %dot_general3A_1373 {dimension_numbers = #tpu.dot_dimension_numbers<[0], [0], [1], [1], [0, 1, 1, 1], [], []>, transpose_lhs_hint = false} : vector<32x1xf32>, vector<32x128xf32>, vector<1x128xf32> -> vector<1x128xf32>
      %swap3A_1375 = arith.constant 27 : index
      %swap3A_1376 = arith.constant 0 : index
      %swap3A_1377 = vector.load %arg12[%swap3A_1375, %swap3A_1376] : memref<96x128xf32, #tpu.memory_space<vmem>>, vector<1x128xf32>
      tpu.vector_store %arg12[%swap3A_1375, %swap3A_1376], %dot_general3A_1374 {strides = array<i32>} : memref<96x128xf32, #tpu.memory_space<vmem>>, vector<1x128xf32>,
      %slice3A_1378 = vector.extract_strided_slice %mul3A_690 {offsets = [0, 59], sizes = [32, 1], strides = [1, 1]} : vector<32x96xf32> to vector<32x1xf32>
      %dot_general3A_1379 = arith.constant dense<0.000000e+00> : vector<1x128xf32>
      %dot_general3A_1380 = tpu.matmul %slice3A_1378, %get3A_1367, %dot_general3A_1379 {dimension_numbers = #tpu.dot_dimension_numbers<[0], [0], [1], [1], [0, 1, 1, 1], [], []>, transpose_lhs_hint = false} : vector<32x1xf32>, vector<32x128xf32>, vector<1x128xf32> -> vector<1x128xf32>
      %swap3A_1381 = arith.constant 59 : index
      %swap3A_1382 = arith.constant 0 : index
      %swap3A_1383 = vector.load %arg12[%swap3A_1381, %swap3A_1382] : memref<96x128xf32, #tpu.memory_space<vmem>>, vector<1x128xf32>
      tpu.vector_store %arg12[%swap3A_1381, %swap3A_1382], %dot_general3A_1380 {strides = array<i32>} : memref<96x128xf32, #tpu.memory_space<vmem>>, vector<1x128xf32>,
      %slice3A_1384 = vector.extract_strided_slice %mul3A_690 {offsets = [0, 91], sizes = [32, 1], strides = [1, 1]} : vector<32x96xf32> to vector<32x1xf32>
      %dot_general3A_1385 = arith.constant dense<0.000000e+00> : vector<1x128xf32>
      %dot_general3A_1386 = tpu.matmul %slice3A_1384, %get3A_1367, %dot_general3A_1385 {dimension_numbers = #tpu.dot_dimension_numbers<[0], [0], [1], [1], [0, 1, 1, 1], [], []>, transpose_lhs_hint = false} : vector<32x1xf32>, vector<32x128xf32>, vector<1x128xf32> -> vector<1x128xf32>
      %swap3A_1387 = arith.constant 91 : index
      %swap3A_1388 = arith.constant 0 : index
      %swap3A_1389 = vector.load %arg12[%swap3A_1387, %swap3A_1388] : memref<96x128xf32, #tpu.memory_space<vmem>>, vector<1x128xf32>
      tpu.vector_store %arg12[%swap3A_1387, %swap3A_1388], %dot_general3A_1386 {strides = array<i32>} : memref<96x128xf32, #tpu.memory_space<vmem>>, vector<1x128xf32>,
      %get3A_1390 = arith.constant 896 : index
      %get3A_1391 = arith.constant 0 : index
      %get3A_1392 = vector.load %arg1[%get3A_1390, %get3A_1391] : memref<1024x128xf32, #tpu.memory_space<vmem>>, vector<32x128xf32>
      %slice3A_1393 = vector.extract_strided_slice %get3A_1392 {offsets = [0, 0], sizes = [1, 128], strides = [1, 1]} : vector<32x128xf32> to vector<1x128xf32>
      %swap3A_1394 = arith.constant 28 : index
      %swap3A_1395 = arith.constant 0 : index
      %swap3A_1396 = vector.load %arg13[%swap3A_1394, %swap3A_1395] : memref<32x128xf32, #tpu.memory_space<vmem>>, vector<1x128xf32>
      tpu.vector_store %arg13[%swap3A_1394, %swap3A_1395], %slice3A_1393 {strides = array<i32>} : memref<32x128xf32, #tpu.memory_space<vmem>>, vector<1x128xf32>,
      %slice3A_1397 = vector.extract_strided_slice %mul3A_690 {offsets = [0, 28], sizes = [32, 1], strides = [1, 1]} : vector<32x96xf32> to vector<32x1xf32>
      %dot_general3A_1398 = arith.constant dense<0.000000e+00> : vector<1x128xf32>
      %dot_general3A_1399 = tpu.matmul %slice3A_1397, %get3A_1392, %dot_general3A_1398 {dimension_numbers = #tpu.dot_dimension_numbers<[0], [0], [1], [1], [0, 1, 1, 1], [], []>, transpose_lhs_hint = false} : vector<32x1xf32>, vector<32x128xf32>, vector<1x128xf32> -> vector<1x128xf32>
      %swap3A_1400 = arith.constant 28 : index
      %swap3A_1401 = arith.constant 0 : index
      %swap3A_1402 = vector.load %arg12[%swap3A_1400, %swap3A_1401] : memref<96x128xf32, #tpu.memory_space<vmem>>, vector<1x128xf32>
      tpu.vector_store %arg12[%swap3A_1400, %swap3A_1401], %dot_general3A_1399 {strides = array<i32>} : memref<96x128xf32, #tpu.memory_space<vmem>>, vector<1x128xf32>,
      %slice3A_1403 = vector.extract_strided_slice %mul3A_690 {offsets = [0, 60], sizes = [32, 1], strides = [1, 1]} : vector<32x96xf32> to vector<32x1xf32>
      %dot_general3A_1404 = arith.constant dense<0.000000e+00> : vector<1x128xf32>
      %dot_general3A_1405 = tpu.matmul %slice3A_1403, %get3A_1392, %dot_general3A_1404 {dimension_numbers = #tpu.dot_dimension_numbers<[0], [0], [1], [1], [0, 1, 1, 1], [], []>, transpose_lhs_hint = false} : vector<32x1xf32>, vector<32x128xf32>, vector<1x128xf32> -> vector<1x128xf32>
      %swap3A_1406 = arith.constant 60 : index
      %swap3A_1407 = arith.constant 0 : index
      %swap3A_1408 = vector.load %arg12[%swap3A_1406, %swap3A_1407] : memref<96x128xf32, #tpu.memory_space<vmem>>, vector<1x128xf32>
      tpu.vector_store %arg12[%swap3A_1406, %swap3A_1407], %dot_general3A_1405 {strides = array<i32>} : memref<96x128xf32, #tpu.memory_space<vmem>>, vector<1x128xf32>,
      %slice3A_1409 = vector.extract_strided_slice %mul3A_690 {offsets = [0, 92], sizes = [32, 1], strides = [1, 1]} : vector<32x96xf32> to vector<32x1xf32>
      %dot_general3A_1410 = arith.constant dense<0.000000e+00> : vector<1x128xf32>
      %dot_general3A_1411 = tpu.matmul %slice3A_1409, %get3A_1392, %dot_general3A_1410 {dimension_numbers = #tpu.dot_dimension_numbers<[0], [0], [1], [1], [0, 1, 1, 1], [], []>, transpose_lhs_hint = false} : vector<32x1xf32>, vector<32x128xf32>, vector<1x128xf32> -> vector<1x128xf32>
      %swap3A_1412 = arith.constant 92 : index
      %swap3A_1413 = arith.constant 0 : index
      %swap3A_1414 = vector.load %arg12[%swap3A_1412, %swap3A_1413] : memref<96x128xf32, #tpu.memory_space<vmem>>, vector<1x128xf32>
      tpu.vector_store %arg12[%swap3A_1412, %swap3A_1413], %dot_general3A_1411 {strides = array<i32>} : memref<96x128xf32, #tpu.memory_space<vmem>>, vector<1x128xf32>,
      %get3A_1415 = arith.constant 928 : index
      %get3A_1416 = arith.constant 0 : index
      %get3A_1417 = vector.load %arg1[%get3A_1415, %get3A_1416] : memref<1024x128xf32, #tpu.memory_space<vmem>>, vector<32x128xf32>
      %slice3A_1418 = vector.extract_strided_slice %get3A_1417 {offsets = [0, 0], sizes = [1, 128], strides = [1, 1]} : vector<32x128xf32> to vector<1x128xf32>
      %swap3A_1419 = arith.constant 29 : index
      %swap3A_1420 = arith.constant 0 : index
      %swap3A_1421 = vector.load %arg13[%swap3A_1419, %swap3A_1420] : memref<32x128xf32, #tpu.memory_space<vmem>>, vector<1x128xf32>
      tpu.vector_store %arg13[%swap3A_1419, %swap3A_1420], %slice3A_1418 {strides = array<i32>} : memref<32x128xf32, #tpu.memory_space<vmem>>, vector<1x128xf32>,
      %slice3A_1422 = vector.extract_strided_slice %mul3A_690 {offsets = [0, 29], sizes = [32, 1], strides = [1, 1]} : vector<32x96xf32> to vector<32x1xf32>
      %dot_general3A_1423 = arith.constant dense<0.000000e+00> : vector<1x128xf32>
      %dot_general3A_1424 = tpu.matmul %slice3A_1422, %get3A_1417, %dot_general3A_1423 {dimension_numbers = #tpu.dot_dimension_numbers<[0], [0], [1], [1], [0, 1, 1, 1], [], []>, transpose_lhs_hint = false} : vector<32x1xf32>, vector<32x128xf32>, vector<1x128xf32> -> vector<1x128xf32>
      %swap3A_1425 = arith.constant 29 : index
      %swap3A_1426 = arith.constant 0 : index
      %swap3A_1427 = vector.load %arg12[%swap3A_1425, %swap3A_1426] : memref<96x128xf32, #tpu.memory_space<vmem>>, vector<1x128xf32>
      tpu.vector_store %arg12[%swap3A_1425, %swap3A_1426], %dot_general3A_1424 {strides = array<i32>} : memref<96x128xf32, #tpu.memory_space<vmem>>, vector<1x128xf32>,
      %slice3A_1428 = vector.extract_strided_slice %mul3A_690 {offsets = [0, 61], sizes = [32, 1], strides = [1, 1]} : vector<32x96xf32> to vector<32x1xf32>
      %dot_general3A_1429 = arith.constant dense<0.000000e+00> : vector<1x128xf32>
      %dot_general3A_1430 = tpu.matmul %slice3A_1428, %get3A_1417, %dot_general3A_1429 {dimension_numbers = #tpu.dot_dimension_numbers<[0], [0], [1], [1], [0, 1, 1, 1], [], []>, transpose_lhs_hint = false} : vector<32x1xf32>, vector<32x128xf32>, vector<1x128xf32> -> vector<1x128xf32>
      %swap3A_1431 = arith.constant 61 : index
      %swap3A_1432 = arith.constant 0 : index
      %swap3A_1433 = vector.load %arg12[%swap3A_1431, %swap3A_1432] : memref<96x128xf32, #tpu.memory_space<vmem>>, vector<1x128xf32>
      tpu.vector_store %arg12[%swap3A_1431, %swap3A_1432], %dot_general3A_1430 {strides = array<i32>} : memref<96x128xf32, #tpu.memory_space<vmem>>, vector<1x128xf32>,
      %slice3A_1434 = vector.extract_strided_slice %mul3A_690 {offsets = [0, 93], sizes = [32, 1], strides = [1, 1]} : vector<32x96xf32> to vector<32x1xf32>
      %dot_general3A_1435 = arith.constant dense<0.000000e+00> : vector<1x128xf32>
      %dot_general3A_1436 = tpu.matmul %slice3A_1434, %get3A_1417, %dot_general3A_1435 {dimension_numbers = #tpu.dot_dimension_numbers<[0], [0], [1], [1], [0, 1, 1, 1], [], []>, transpose_lhs_hint = false} : vector<32x1xf32>, vector<32x128xf32>, vector<1x128xf32> -> vector<1x128xf32>
      %swap3A_1437 = arith.constant 93 : index
      %swap3A_1438 = arith.constant 0 : index
      %swap3A_1439 = vector.load %arg12[%swap3A_1437, %swap3A_1438] : memref<96x128xf32, #tpu.memory_space<vmem>>, vector<1x128xf32>
      tpu.vector_store %arg12[%swap3A_1437, %swap3A_1438], %dot_general3A_1436 {strides = array<i32>} : memref<96x128xf32, #tpu.memory_space<vmem>>, vector<1x128xf32>,
      %get3A_1440 = arith.constant 960 : index
      %get3A_1441 = arith.constant 0 : index
      %get3A_1442 = vector.load %arg1[%get3A_1440, %get3A_1441] : memref<1024x128xf32, #tpu.memory_space<vmem>>, vector<32x128xf32>
      %slice3A_1443 = vector.extract_strided_slice %get3A_1442 {offsets = [0, 0], sizes = [1, 128], strides = [1, 1]} : vector<32x128xf32> to vector<1x128xf32>
      %swap3A_1444 = arith.constant 30 : index
      %swap3A_1445 = arith.constant 0 : index
      %swap3A_1446 = vector.load %arg13[%swap3A_1444, %swap3A_1445] : memref<32x128xf32, #tpu.memory_space<vmem>>, vector<1x128xf32>
      tpu.vector_store %arg13[%swap3A_1444, %swap3A_1445], %slice3A_1443 {strides = array<i32>} : memref<32x128xf32, #tpu.memory_space<vmem>>, vector<1x128xf32>,
      %slice3A_1447 = vector.extract_strided_slice %mul3A_690 {offsets = [0, 30], sizes = [32, 1], strides = [1, 1]} : vector<32x96xf32> to vector<32x1xf32>
      %dot_general3A_1448 = arith.constant dense<0.000000e+00> : vector<1x128xf32>
      %dot_general3A_1449 = tpu.matmul %slice3A_1447, %get3A_1442, %dot_general3A_1448 {dimension_numbers = #tpu.dot_dimension_numbers<[0], [0], [1], [1], [0, 1, 1, 1], [], []>, transpose_lhs_hint = false} : vector<32x1xf32>, vector<32x128xf32>, vector<1x128xf32> -> vector<1x128xf32>
      %swap3A_1450 = arith.constant 30 : index
      %swap3A_1451 = arith.constant 0 : index
      %swap3A_1452 = vector.load %arg12[%swap3A_1450, %swap3A_1451] : memref<96x128xf32, #tpu.memory_space<vmem>>, vector<1x128xf32>
      tpu.vector_store %arg12[%swap3A_1450, %swap3A_1451], %dot_general3A_1449 {strides = array<i32>} : memref<96x128xf32, #tpu.memory_space<vmem>>, vector<1x128xf32>,
      %slice3A_1453 = vector.extract_strided_slice %mul3A_690 {offsets = [0, 62], sizes = [32, 1], strides = [1, 1]} : vector<32x96xf32> to vector<32x1xf32>
      %dot_general3A_1454 = arith.constant dense<0.000000e+00> : vector<1x128xf32>
      %dot_general3A_1455 = tpu.matmul %slice3A_1453, %get3A_1442, %dot_general3A_1454 {dimension_numbers = #tpu.dot_dimension_numbers<[0], [0], [1], [1], [0, 1, 1, 1], [], []>, transpose_lhs_hint = false} : vector<32x1xf32>, vector<32x128xf32>, vector<1x128xf32> -> vector<1x128xf32>
      %swap3A_1456 = arith.constant 62 : index
      %swap3A_1457 = arith.constant 0 : index
      %swap3A_1458 = vector.load %arg12[%swap3A_1456, %swap3A_1457] : memref<96x128xf32, #tpu.memory_space<vmem>>, vector<1x128xf32>
      tpu.vector_store %arg12[%swap3A_1456, %swap3A_1457], %dot_general3A_1455 {strides = array<i32>} : memref<96x128xf32, #tpu.memory_space<vmem>>, vector<1x128xf32>,
      %slice3A_1459 = vector.extract_strided_slice %mul3A_690 {offsets = [0, 94], sizes = [32, 1], strides = [1, 1]} : vector<32x96xf32> to vector<32x1xf32>
      %dot_general3A_1460 = arith.constant dense<0.000000e+00> : vector<1x128xf32>
      %dot_general3A_1461 = tpu.matmul %slice3A_1459, %get3A_1442, %dot_general3A_1460 {dimension_numbers = #tpu.dot_dimension_numbers<[0], [0], [1], [1], [0, 1, 1, 1], [], []>, transpose_lhs_hint = false} : vector<32x1xf32>, vector<32x128xf32>, vector<1x128xf32> -> vector<1x128xf32>
      %swap3A_1462 = arith.constant 94 : index
      %swap3A_1463 = arith.constant 0 : index
      %swap3A_1464 = vector.load %arg12[%swap3A_1462, %swap3A_1463] : memref<96x128xf32, #tpu.memory_space<vmem>>, vector<1x128xf32>
      tpu.vector_store %arg12[%swap3A_1462, %swap3A_1463], %dot_general3A_1461 {strides = array<i32>} : memref<96x128xf32, #tpu.memory_space<vmem>>, vector<1x128xf32>,
      %get3A_1465 = arith.constant 992 : index
      %get3A_1466 = arith.constant 0 : index
      %get3A_1467 = vector.load %arg1[%get3A_1465, %get3A_1466] : memref<1024x128xf32, #tpu.memory_space<vmem>>, vector<32x128xf32>
      %slice3A_1468 = vector.extract_strided_slice %get3A_1467 {offsets = [0, 0], sizes = [1, 128], strides = [1, 1]} : vector<32x128xf32> to vector<1x128xf32>
      %swap3A_1469 = arith.constant 31 : index
      %swap3A_1470 = arith.constant 0 : index
      %swap3A_1471 = vector.load %arg13[%swap3A_1469, %swap3A_1470] : memref<32x128xf32, #tpu.memory_space<vmem>>, vector<1x128xf32>
      tpu.vector_store %arg13[%swap3A_1469, %swap3A_1470], %slice3A_1468 {strides = array<i32>} : memref<32x128xf32, #tpu.memory_space<vmem>>, vector<1x128xf32>,
      %slice3A_1472 = vector.extract_strided_slice %mul3A_690 {offsets = [0, 31], sizes = [32, 1], strides = [1, 1]} : vector<32x96xf32> to vector<32x1xf32>
      %dot_general3A_1473 = arith.constant dense<0.000000e+00> : vector<1x128xf32>
      %dot_general3A_1474 = tpu.matmul %slice3A_1472, %get3A_1467, %dot_general3A_1473 {dimension_numbers = #tpu.dot_dimension_numbers<[0], [0], [1], [1], [0, 1, 1, 1], [], []>, transpose_lhs_hint = false} : vector<32x1xf32>, vector<32x128xf32>, vector<1x128xf32> -> vector<1x128xf32>
      %swap3A_1475 = arith.constant 31 : index
      %swap3A_1476 = arith.constant 0 : index
      %swap3A_1477 = vector.load %arg12[%swap3A_1475, %swap3A_1476] : memref<96x128xf32, #tpu.memory_space<vmem>>, vector<1x128xf32>
      tpu.vector_store %arg12[%swap3A_1475, %swap3A_1476], %dot_general3A_1474 {strides = array<i32>} : memref<96x128xf32, #tpu.memory_space<vmem>>, vector<1x128xf32>,
      %slice3A_1478 = vector.extract_strided_slice %mul3A_690 {offsets = [0, 63], sizes = [32, 1], strides = [1, 1]} : vector<32x96xf32> to vector<32x1xf32>
      %dot_general3A_1479 = arith.constant dense<0.000000e+00> : vector<1x128xf32>
      %dot_general3A_1480 = tpu.matmul %slice3A_1478, %get3A_1467, %dot_general3A_1479 {dimension_numbers = #tpu.dot_dimension_numbers<[0], [0], [1], [1], [0, 1, 1, 1], [], []>, transpose_lhs_hint = false} : vector<32x1xf32>, vector<32x128xf32>, vector<1x128xf32> -> vector<1x128xf32>
      %swap3A_1481 = arith.constant 63 : index
      %swap3A_1482 = arith.constant 0 : index
      %swap3A_1483 = vector.load %arg12[%swap3A_1481, %swap3A_1482] : memref<96x128xf32, #tpu.memory_space<vmem>>, vector<1x128xf32>
      tpu.vector_store %arg12[%swap3A_1481, %swap3A_1482], %dot_general3A_1480 {strides = array<i32>} : memref<96x128xf32, #tpu.memory_space<vmem>>, vector<1x128xf32>,
      %slice3A_1484 = vector.extract_strided_slice %mul3A_690 {offsets = [0, 95], sizes = [32, 1], strides = [1, 1]} : vector<32x96xf32> to vector<32x1xf32>
      %dot_general3A_1485 = arith.constant dense<0.000000e+00> : vector<1x128xf32>
      %dot_general3A_1486 = tpu.matmul %slice3A_1484, %get3A_1467, %dot_general3A_1485 {dimension_numbers = #tpu.dot_dimension_numbers<[0], [0], [1], [1], [0, 1, 1, 1], [], []>, transpose_lhs_hint = false} : vector<32x1xf32>, vector<32x128xf32>, vector<1x128xf32> -> vector<1x128xf32>
      %swap3A_1487 = arith.constant 95 : index
      %swap3A_1488 = arith.constant 0 : index
      %swap3A_1489 = vector.load %arg12[%swap3A_1487, %swap3A_1488] : memref<96x128xf32, #tpu.memory_space<vmem>>, vector<1x128xf32>
      tpu.vector_store %arg12[%swap3A_1487, %swap3A_1488], %dot_general3A_1486 {strides = array<i32>} : memref<96x128xf32, #tpu.memory_space<vmem>>, vector<1x128xf32>,
      %get3A_1490 = arith.constant 0 : index
      %get3A_1491 = arith.constant 0 : index
      %get3A_1492 = vector.load %arg12[%get3A_1490, %get3A_1491] : memref<96x128xf32, #tpu.memory_space<vmem>>, vector<32x128xf32>
      %get3A_1493 = arith.constant 0 : index
      %get3A_1494 = arith.constant 0 : index
      %get3A_1495 = arith.constant 0 : index
      %get3A_1496 = vector.load %arg4[%get3A_1493, %get3A_1494, %get3A_1495] : memref<3x128x128xf32, #tpu.memory_space<vmem>>, vector<1x128x128xf32>
      %get3A_1497 = vector.shape_cast %get3A_1496 : vector<1x128x128xf32> to vector<128x128xf32>
      %dot_general3A_1498 = arith.constant dense<0.000000e+00> : vector<32x128xf32>
      %dot_general3A_1499 = tpu.matmul %get3A_1492, %get3A_1497, %dot_general3A_1498 {dimension_numbers = #tpu.dot_dimension_numbers<[1], [0], [0], [1], [0, 0, 1, 1], [], []>, transpose_lhs_hint = false} : vector<32x128xf32>, vector<128x128xf32>, vector<32x128xf32> -> vector<32x128xf32>
      %get3A_1500 = arith.constant 32 : index
      %get3A_1501 = arith.constant 0 : index
      %get3A_1502 = vector.load %arg12[%get3A_1500, %get3A_1501] : memref<96x128xf32, #tpu.memory_space<vmem>>, vector<32x128xf32>
      %get3A_1503 = arith.constant 1 : index
      %get3A_1504 = arith.constant 0 : index
      %get3A_1505 = arith.constant 0 : index
      %get3A_1506 = vector.load %arg4[%get3A_1503, %get3A_1504, %get3A_1505] : memref<3x128x128xf32, #tpu.memory_space<vmem>>, vector<1x128x128xf32>
      %get3A_1507 = vector.shape_cast %get3A_1506 : vector<1x128x128xf32> to vector<128x128xf32>
      %dot_general3A_1508 = arith.constant dense<0.000000e+00> : vector<32x128xf32>
      %dot_general3A_1509 = tpu.matmul %get3A_1502, %get3A_1507, %dot_general3A_1508 {dimension_numbers = #tpu.dot_dimension_numbers<[1], [0], [0], [1], [0, 0, 1, 1], [], []>, transpose_lhs_hint = false} : vector<32x128xf32>, vector<128x128xf32>, vector<32x128xf32> -> vector<32x128xf32>
      %add3A_1510 = arith.addf %dot_general3A_1499, %dot_general3A_1509 : vector<32x128xf32>
      %get3A_1511 = arith.constant 64 : index
      %get3A_1512 = arith.constant 0 : index
      %get3A_1513 = vector.load %arg12[%get3A_1511, %get3A_1512] : memref<96x128xf32, #tpu.memory_space<vmem>>, vector<32x128xf32>
      %get3A_1514 = arith.constant 2 : index
      %get3A_1515 = arith.constant 0 : index
      %get3A_1516 = arith.constant 0 : index
      %get3A_1517 = vector.load %arg4[%get3A_1514, %get3A_1515, %get3A_1516] : memref<3x128x128xf32, #tpu.memory_space<vmem>>, vector<1x128x128xf32>
      %get3A_1518 = vector.shape_cast %get3A_1517 : vector<1x128x128xf32> to vector<128x128xf32>
      %dot_general3A_1519 = arith.constant dense<0.000000e+00> : vector<32x128xf32>
      %dot_general3A_1520 = tpu.matmul %get3A_1513, %get3A_1518, %dot_general3A_1519 {dimension_numbers = #tpu.dot_dimension_numbers<[1], [0], [0], [1], [0, 0, 1, 1], [], []>, transpose_lhs_hint = false} : vector<32x128xf32>, vector<128x128xf32>, vector<32x128xf32> -> vector<32x128xf32>
      %add3A_1521 = arith.addf %add3A_1510, %dot_general3A_1520 : vector<32x128xf32>
      %get3A_1522 = arith.constant 0 : index
      %get3A_1523 = arith.constant 0 : index
      %get3A_1524 = vector.load %arg13[%get3A_1522, %get3A_1523] : memref<32x128xf32, #tpu.memory_space<vmem>>, vector<32x128xf32>
      %get3A_1525 = arith.constant 0 : index
      %get3A_1526 = arith.constant 0 : index
      %get3A_1527 = vector.load %arg5[%get3A_1525, %get3A_1526] : memref<128x128xf32, #tpu.memory_space<vmem>>, vector<128x128xf32>
      %dot_general3A_1528 = arith.constant dense<0.000000e+00> : vector<32x128xf32>
      %dot_general3A_1529 = tpu.matmul %get3A_1524, %get3A_1527, %dot_general3A_1528 {dimension_numbers = #tpu.dot_dimension_numbers<[1], [0], [0], [1], [0, 0, 1, 1], [], []>, transpose_lhs_hint = false} : vector<32x128xf32>, vector<128x128xf32>, vector<32x128xf32> -> vector<32x128xf32>
      %add3A_1530 = arith.addf %add3A_1521, %dot_general3A_1529 : vector<32x128xf32>
      %get3A_1531 = arith.constant 0 : index
      %get3A_1532 = arith.constant 0 : index
      %get3A_1533 = vector.load %arg6[%get3A_1531, %get3A_1532] : memref<32x4096xf32, #tpu.memory_space<vmem>>, vector<32x4096xf32>
      %get3A_1534 = arith.constant 0 : index
      %get3A_1535 = arith.constant 0 : index
      %get3A_1536 = vector.load %arg7[%get3A_1534, %get3A_1535] : memref<4096x128xf32, #tpu.memory_space<vmem>>, vector<4096x128xf32>
      %dot_general3A_1537 = arith.constant dense<0.000000e+00> : vector<32x128xf32>
      %dot_general3A_1538 = tpu.matmul %get3A_1533, %get3A_1536, %dot_general3A_1537 {dimension_numbers = #tpu.dot_dimension_numbers<[1], [0], [0], [1], [0, 0, 1, 1], [], []>, transpose_lhs_hint = false} : vector<32x4096xf32>, vector<4096x128xf32>, vector<32x128xf32> -> vector<32x128xf32>
      %broadcast_in_dim3A_1539 = arith.constant 0.000000e+00 : f32
      %broadcast_in_dim3A_1540 = vector.broadcast %broadcast_in_dim3A_1539 : f32 to vector<1x128xf32>
      %get3A_1541 = arith.constant 0 : index
      %get3A_1542 = arith.constant 0 : index
      %get3A_1543 = vector.load %arg8[%get3A_1541, %get3A_1542] : memref<128x128xf32, #tpu.memory_space<vmem>>, vector<128x128xf32>
      %dot_general3A_1544 = arith.constant dense<0.000000e+00> : vector<1x128xf32>
      %dot_general3A_1545 = tpu.matmul %broadcast_in_dim3A_1540, %get3A_1543, %dot_general3A_1544 {dimension_numbers = #tpu.dot_dimension_numbers<[1], [0], [0], [1], [0, 0, 1, 1], [], []>, transpose_lhs_hint = false} : vector<1x128xf32>, vector<128x128xf32>, vector<1x128xf32> -> vector<1x128xf32>
      %slice3A_1546 = vector.extract_strided_slice %dot_general3A_1538 {offsets = [0, 0], sizes = [1, 128], strides = [1, 1]} : vector<32x128xf32> to vector<1x128xf32>
      %add3A_1547 = arith.addf %slice3A_1546, %dot_general3A_1545 : vector<1x128xf32>
      %logistic3A = arith.negf %add3A_1547 : vector<1x128xf32>
      %logistic3A_1548 = math.exp %logistic3A : vector<1x128xf32>
      %logistic3A_1549 = arith.constant 1.000000e+00 : f32
      %logistic3A_1550 = vector.broadcast %logistic3A_1549 : f32 to vector<1x128xf32>
      %logistic3A_1551 = arith.addf %logistic3A_1550, %logistic3A_1548 : vector<1x128xf32>
      %logistic3A_1552 = arith.divf %logistic3A_1550, %logistic3A_1551 : vector<1x128xf32>
      %slice3A_1553 = vector.extract_strided_slice %add3A_1530 {offsets = [0, 0], sizes = [1, 128], strides = [1, 1]} : vector<32x128xf32> to vector<1x128xf32>
      %mul3A_1554 = arith.mulf %logistic3A_1552, %slice3A_1553 : vector<1x128xf32>
      %sub3A = arith.constant 1.000000e+00 : f32
      %sub3A_1555 = vector.broadcast %sub3A : f32 to vector<1x128xf32>
      %sub3A_1556 = arith.subf %sub3A_1555, %logistic3A_1552 : vector<1x128xf32>
      %mul3A_1557 = arith.mulf %sub3A_1556, %broadcast_in_dim3A_1540 : vector<1x128xf32>
      %add3A_1558 = arith.addf %mul3A_1554, %mul3A_1557 : vector<1x128xf32>
      %ge3A = arith.constant 0.000000e+00 : f32
      %ge3A_1559 = vector.broadcast %ge3A : f32 to vector<1x128xf32>
      %ge3A_1560 = arith.cmpf oge, %add3A_1558, %ge3A_1559 : vector<1x128xf32>
      %mul3A_1561 = arith.constant 0.00999999977 : f32
      %mul3A_1562 = vector.broadcast %mul3A_1561 : f32 to vector<1x128xf32>
      %mul3A_1563 = arith.mulf %mul3A_1562, %add3A_1558 : vector<1x128xf32>
      %select_n3A_1564 = arith.select %ge3A_1560, %add3A_1558, %mul3A_1563 : vector<1x128xi1>, vector<1x128xf32>
      %swap3A_1565 = arith.constant 0 : index
      %swap3A_1566 = arith.constant 0 : index
      %swap3A_1567 = vector.load %arg14[%swap3A_1565, %swap3A_1566] : memref<32x128xf32, #tpu.memory_space<vmem>>, vector<1x128xf32>
      tpu.vector_store %arg14[%swap3A_1565, %swap3A_1566], %select_n3A_1564 {strides = array<i32>} : memref<32x128xf32, #tpu.memory_space<vmem>>, vector<1x128xf32>,
      %get3A_1568 = arith.constant 0 : index
      %get3A_1569 = arith.constant 0 : index
      %get3A_1570 = vector.load %arg8[%get3A_1568, %get3A_1569] : memref<128x128xf32, #tpu.memory_space<vmem>>, vector<128x128xf32>
      %dot_general3A_1571 = arith.constant dense<0.000000e+00> : vector<1x128xf32>
      %dot_general3A_1572 = tpu.matmul %add3A_1558, %get3A_1570, %dot_general3A_1571 {dimension_numbers = #tpu.dot_dimension_numbers<[1], [0], [0], [1], [0, 0, 1, 1], [], []>, transpose_lhs_hint = false} : vector<1x128xf32>, vector<128x128xf32>, vector<1x128xf32> -> vector<1x128xf32>
      %slice3A_1573 = vector.extract_strided_slice %dot_general3A_1538 {offsets = [1, 0], sizes = [1, 128], strides = [1, 1]} : vector<32x128xf32> to vector<1x128xf32>
      %add3A_1574 = arith.addf %slice3A_1573, %dot_general3A_1572 : vector<1x128xf32>
      %logistic3A_1575 = arith.negf %add3A_1574 : vector<1x128xf32>
      %logistic3A_1576 = math.exp %logistic3A_1575 : vector<1x128xf32>
      %logistic3A_1577 = arith.constant 1.000000e+00 : f32
      %logistic3A_1578 = vector.broadcast %logistic3A_1577 : f32 to vector<1x128xf32>
      %logistic3A_1579 = arith.addf %logistic3A_1578, %logistic3A_1576 : vector<1x128xf32>
      %logistic3A_1580 = arith.divf %logistic3A_1578, %logistic3A_1579 : vector<1x128xf32>
      %slice3A_1581 = vector.extract_strided_slice %add3A_1530 {offsets = [1, 0], sizes = [1, 128], strides = [1, 1]} : vector<32x128xf32> to vector<1x128xf32>
      %mul3A_1582 = arith.mulf %logistic3A_1580, %slice3A_1581 : vector<1x128xf32>
      %sub3A_1583 = arith.constant 1.000000e+00 : f32
      %sub3A_1584 = vector.broadcast %sub3A_1583 : f32 to vector<1x128xf32>
      %sub3A_1585 = arith.subf %sub3A_1584, %logistic3A_1580 : vector<1x128xf32>
      %mul3A_1586 = arith.mulf %sub3A_1585, %add3A_1558 : vector<1x128xf32>
      %add3A_1587 = arith.addf %mul3A_1582, %mul3A_1586 : vector<1x128xf32>
      %ge3A_1588 = arith.constant 0.000000e+00 : f32
      %ge3A_1589 = vector.broadcast %ge3A_1588 : f32 to vector<1x128xf32>
      %ge3A_1590 = arith.cmpf oge, %add3A_1587, %ge3A_1589 : vector<1x128xf32>
      %mul3A_1591 = arith.constant 0.00999999977 : f32
      %mul3A_1592 = vector.broadcast %mul3A_1591 : f32 to vector<1x128xf32>
      %mul3A_1593 = arith.mulf %mul3A_1592, %add3A_1587 : vector<1x128xf32>
      %select_n3A_1594 = arith.select %ge3A_1590, %add3A_1587, %mul3A_1593 : vector<1x128xi1>, vector<1x128xf32>
      %swap3A_1595 = arith.constant 1 : index
      %swap3A_1596 = arith.constant 0 : index
      %swap3A_1597 = vector.load %arg14[%swap3A_1595, %swap3A_1596] : memref<32x128xf32, #tpu.memory_space<vmem>>, vector<1x128xf32>
      tpu.vector_store %arg14[%swap3A_1595, %swap3A_1596], %select_n3A_1594 {strides = array<i32>} : memref<32x128xf32, #tpu.memory_space<vmem>>, vector<1x128xf32>,
      %get3A_1598 = arith.constant 0 : index
      %get3A_1599 = arith.constant 0 : index
      %get3A_1600 = vector.load %arg8[%get3A_1598, %get3A_1599] : memref<128x128xf32, #tpu.memory_space<vmem>>, vector<128x128xf32>
      %dot_general3A_1601 = arith.constant dense<0.000000e+00> : vector<1x128xf32>
      %dot_general3A_1602 = tpu.matmul %add3A_1587, %get3A_1600, %dot_general3A_1601 {dimension_numbers = #tpu.dot_dimension_numbers<[1], [0], [0], [1], [0, 0, 1, 1], [], []>, transpose_lhs_hint = false} : vector<1x128xf32>, vector<128x128xf32>, vector<1x128xf32> -> vector<1x128xf32>
      %slice3A_1603 = vector.extract_strided_slice %dot_general3A_1538 {offsets = [2, 0], sizes = [1, 128], strides = [1, 1]} : vector<32x128xf32> to vector<1x128xf32>
      %add3A_1604 = arith.addf %slice3A_1603, %dot_general3A_1602 : vector<1x128xf32>
      %logistic3A_1605 = arith.negf %add3A_1604 : vector<1x128xf32>
      %logistic3A_1606 = math.exp %logistic3A_1605 : vector<1x128xf32>
      %logistic3A_1607 = arith.constant 1.000000e+00 : f32
      %logistic3A_1608 = vector.broadcast %logistic3A_1607 : f32 to vector<1x128xf32>
      %logistic3A_1609 = arith.addf %logistic3A_1608, %logistic3A_1606 : vector<1x128xf32>
      %logistic3A_1610 = arith.divf %logistic3A_1608, %logistic3A_1609 : vector<1x128xf32>
      %slice3A_1611 = vector.extract_strided_slice %add3A_1530 {offsets = [2, 0], sizes = [1, 128], strides = [1, 1]} : vector<32x128xf32> to vector<1x128xf32>
      %mul3A_1612 = arith.mulf %logistic3A_1610, %slice3A_1611 : vector<1x128xf32>
      %sub3A_1613 = arith.constant 1.000000e+00 : f32
      %sub3A_1614 = vector.broadcast %sub3A_1613 : f32 to vector<1x128xf32>
      %sub3A_1615 = arith.subf %sub3A_1614, %logistic3A_1610 : vector<1x128xf32>
      %mul3A_1616 = arith.mulf %sub3A_1615, %add3A_1587 : vector<1x128xf32>
      %add3A_1617 = arith.addf %mul3A_1612, %mul3A_1616 : vector<1x128xf32>
      %ge3A_1618 = arith.constant 0.000000e+00 : f32
      %ge3A_1619 = vector.broadcast %ge3A_1618 : f32 to vector<1x128xf32>
      %ge3A_1620 = arith.cmpf oge, %add3A_1617, %ge3A_1619 : vector<1x128xf32>
      %mul3A_1621 = arith.constant 0.00999999977 : f32
      %mul3A_1622 = vector.broadcast %mul3A_1621 : f32 to vector<1x128xf32>
      %mul3A_1623 = arith.mulf %mul3A_1622, %add3A_1617 : vector<1x128xf32>
      %select_n3A_1624 = arith.select %ge3A_1620, %add3A_1617, %mul3A_1623 : vector<1x128xi1>, vector<1x128xf32>
      %swap3A_1625 = arith.constant 2 : index
      %swap3A_1626 = arith.constant 0 : index
      %swap3A_1627 = vector.load %arg14[%swap3A_1625, %swap3A_1626] : memref<32x128xf32, #tpu.memory_space<vmem>>, vector<1x128xf32>
      tpu.vector_store %arg14[%swap3A_1625, %swap3A_1626], %select_n3A_1624 {strides = array<i32>} : memref<32x128xf32, #tpu.memory_space<vmem>>, vector<1x128xf32>,
      %get3A_1628 = arith.constant 0 : index
      %get3A_1629 = arith.constant 0 : index
      %get3A_1630 = vector.load %arg8[%get3A_1628, %get3A_1629] : memref<128x128xf32, #tpu.memory_space<vmem>>, vector<128x128xf32>
      %dot_general3A_1631 = arith.constant dense<0.000000e+00> : vector<1x128xf32>
      %dot_general3A_1632 = tpu.matmul %add3A_1617, %get3A_1630, %dot_general3A_1631 {dimension_numbers = #tpu.dot_dimension_numbers<[1], [0], [0], [1], [0, 0, 1, 1], [], []>, transpose_lhs_hint = false} : vector<1x128xf32>, vector<128x128xf32>, vector<1x128xf32> -> vector<1x128xf32>
      %slice3A_1633 = vector.extract_strided_slice %dot_general3A_1538 {offsets = [3, 0], sizes = [1, 128], strides = [1, 1]} : vector<32x128xf32> to vector<1x128xf32>
      %add3A_1634 = arith.addf %slice3A_1633, %dot_general3A_1632 : vector<1x128xf32>
      %logistic3A_1635 = arith.negf %add3A_1634 : vector<1x128xf32>
      %logistic3A_1636 = math.exp %logistic3A_1635 : vector<1x128xf32>
      %logistic3A_1637 = arith.constant 1.000000e+00 : f32
      %logistic3A_1638 = vector.broadcast %logistic3A_1637 : f32 to vector<1x128xf32>
      %logistic3A_1639 = arith.addf %logistic3A_1638, %logistic3A_1636 : vector<1x128xf32>
      %logistic3A_1640 = arith.divf %logistic3A_1638, %logistic3A_1639 : vector<1x128xf32>
      %slice3A_1641 = vector.extract_strided_slice %add3A_1530 {offsets = [3, 0], sizes = [1, 128], strides = [1, 1]} : vector<32x128xf32> to vector<1x128xf32>
      %mul3A_1642 = arith.mulf %logistic3A_1640, %slice3A_1641 : vector<1x128xf32>
      %sub3A_1643 = arith.constant 1.000000e+00 : f32
      %sub3A_1644 = vector.broadcast %sub3A_1643 : f32 to vector<1x128xf32>
      %sub3A_1645 = arith.subf %sub3A_1644, %logistic3A_1640 : vector<1x128xf32>
      %mul3A_1646 = arith.mulf %sub3A_1645, %add3A_1617 : vector<1x128xf32>
      %add3A_1647 = arith.addf %mul3A_1642, %mul3A_1646 : vector<1x128xf32>
      %ge3A_1648 = arith.constant 0.000000e+00 : f32
      %ge3A_1649 = vector.broadcast %ge3A_1648 : f32 to vector<1x128xf32>
      %ge3A_1650 = arith.cmpf oge, %add3A_1647, %ge3A_1649 : vector<1x128xf32>
      %mul3A_1651 = arith.constant 0.00999999977 : f32
      %mul3A_1652 = vector.broadcast %mul3A_1651 : f32 to vector<1x128xf32>
      %mul3A_1653 = arith.mulf %mul3A_1652, %add3A_1647 : vector<1x128xf32>
      %select_n3A_1654 = arith.select %ge3A_1650, %add3A_1647, %mul3A_1653 : vector<1x128xi1>, vector<1x128xf32>
      %swap3A_1655 = arith.constant 3 : index
      %swap3A_1656 = arith.constant 0 : index
      %swap3A_1657 = vector.load %arg14[%swap3A_1655, %swap3A_1656] : memref<32x128xf32, #tpu.memory_space<vmem>>, vector<1x128xf32>
      tpu.vector_store %arg14[%swap3A_1655, %swap3A_1656], %select_n3A_1654 {strides = array<i32>} : memref<32x128xf32, #tpu.memory_space<vmem>>, vector<1x128xf32>,
      %get3A_1658 = arith.constant 0 : index
      %get3A_1659 = arith.constant 0 : index
      %get3A_1660 = vector.load %arg8[%get3A_1658, %get3A_1659] : memref<128x128xf32, #tpu.memory_space<vmem>>, vector<128x128xf32>
      %dot_general3A_1661 = arith.constant dense<0.000000e+00> : vector<1x128xf32>
      %dot_general3A_1662 = tpu.matmul %add3A_1647, %get3A_1660, %dot_general3A_1661 {dimension_numbers = #tpu.dot_dimension_numbers<[1], [0], [0], [1], [0, 0, 1, 1], [], []>, transpose_lhs_hint = false} : vector<1x128xf32>, vector<128x128xf32>, vector<1x128xf32> -> vector<1x128xf32>
      %slice3A_1663 = vector.extract_strided_slice %dot_general3A_1538 {offsets = [4, 0], sizes = [1, 128], strides = [1, 1]} : vector<32x128xf32> to vector<1x128xf32>
      %add3A_1664 = arith.addf %slice3A_1663, %dot_general3A_1662 : vector<1x128xf32>
      %logistic3A_1665 = arith.negf %add3A_1664 : vector<1x128xf32>
      %logistic3A_1666 = math.exp %logistic3A_1665 : vector<1x128xf32>
      %logistic3A_1667 = arith.constant 1.000000e+00 : f32
      %logistic3A_1668 = vector.broadcast %logistic3A_1667 : f32 to vector<1x128xf32>
      %logistic3A_1669 = arith.addf %logistic3A_1668, %logistic3A_1666 : vector<1x128xf32>
      %logistic3A_1670 = arith.divf %logistic3A_1668, %logistic3A_1669 : vector<1x128xf32>
      %slice3A_1671 = vector.extract_strided_slice %add3A_1530 {offsets = [4, 0], sizes = [1, 128], strides = [1, 1]} : vector<32x128xf32> to vector<1x128xf32>
      %mul3A_1672 = arith.mulf %logistic3A_1670, %slice3A_1671 : vector<1x128xf32>
      %sub3A_1673 = arith.constant 1.000000e+00 : f32
      %sub3A_1674 = vector.broadcast %sub3A_1673 : f32 to vector<1x128xf32>
      %sub3A_1675 = arith.subf %sub3A_1674, %logistic3A_1670 : vector<1x128xf32>
      %mul3A_1676 = arith.mulf %sub3A_1675, %add3A_1647 : vector<1x128xf32>
      %add3A_1677 = arith.addf %mul3A_1672, %mul3A_1676 : vector<1x128xf32>
      %ge3A_1678 = arith.constant 0.000000e+00 : f32
      %ge3A_1679 = vector.broadcast %ge3A_1678 : f32 to vector<1x128xf32>
      %ge3A_1680 = arith.cmpf oge, %add3A_1677, %ge3A_1679 : vector<1x128xf32>
      %mul3A_1681 = arith.constant 0.00999999977 : f32
      %mul3A_1682 = vector.broadcast %mul3A_1681 : f32 to vector<1x128xf32>
      %mul3A_1683 = arith.mulf %mul3A_1682, %add3A_1677 : vector<1x128xf32>
      %select_n3A_1684 = arith.select %ge3A_1680, %add3A_1677, %mul3A_1683 : vector<1x128xi1>, vector<1x128xf32>
      %swap3A_1685 = arith.constant 4 : index
      %swap3A_1686 = arith.constant 0 : index
      %swap3A_1687 = vector.load %arg14[%swap3A_1685, %swap3A_1686] : memref<32x128xf32, #tpu.memory_space<vmem>>, vector<1x128xf32>
      tpu.vector_store %arg14[%swap3A_1685, %swap3A_1686], %select_n3A_1684 {strides = array<i32>} : memref<32x128xf32, #tpu.memory_space<vmem>>, vector<1x128xf32>,
      %get3A_1688 = arith.constant 0 : index
      %get3A_1689 = arith.constant 0 : index
      %get3A_1690 = vector.load %arg8[%get3A_1688, %get3A_1689] : memref<128x128xf32, #tpu.memory_space<vmem>>, vector<128x128xf32>
      %dot_general3A_1691 = arith.constant dense<0.000000e+00> : vector<1x128xf32>
      %dot_general3A_1692 = tpu.matmul %add3A_1677, %get3A_1690, %dot_general3A_1691 {dimension_numbers = #tpu.dot_dimension_numbers<[1], [0], [0], [1], [0, 0, 1, 1], [], []>, transpose_lhs_hint = false} : vector<1x128xf32>, vector<128x128xf32>, vector<1x128xf32> -> vector<1x128xf32>
      %slice3A_1693 = vector.extract_strided_slice %dot_general3A_1538 {offsets = [5, 0], sizes = [1, 128], strides = [1, 1]} : vector<32x128xf32> to vector<1x128xf32>
      %add3A_1694 = arith.addf %slice3A_1693, %dot_general3A_1692 : vector<1x128xf32>
      %logistic3A_1695 = arith.negf %add3A_1694 : vector<1x128xf32>
      %logistic3A_1696 = math.exp %logistic3A_1695 : vector<1x128xf32>
      %logistic3A_1697 = arith.constant 1.000000e+00 : f32
      %logistic3A_1698 = vector.broadcast %logistic3A_1697 : f32 to vector<1x128xf32>
      %logistic3A_1699 = arith.addf %logistic3A_1698, %logistic3A_1696 : vector<1x128xf32>
      %logistic3A_1700 = arith.divf %logistic3A_1698, %logistic3A_1699 : vector<1x128xf32>
      %slice3A_1701 = vector.extract_strided_slice %add3A_1530 {offsets = [5, 0], sizes = [1, 128], strides = [1, 1]} : vector<32x128xf32> to vector<1x128xf32>
      %mul3A_1702 = arith.mulf %logistic3A_1700, %slice3A_1701 : vector<1x128xf32>
      %sub3A_1703 = arith.constant 1.000000e+00 : f32
      %sub3A_1704 = vector.broadcast %sub3A_1703 : f32 to vector<1x128xf32>
      %sub3A_1705 = arith.subf %sub3A_1704, %logistic3A_1700 : vector<1x128xf32>
      %mul3A_1706 = arith.mulf %sub3A_1705, %add3A_1677 : vector<1x128xf32>
      %add3A_1707 = arith.addf %mul3A_1702, %mul3A_1706 : vector<1x128xf32>
      %ge3A_1708 = arith.constant 0.000000e+00 : f32
      %ge3A_1709 = vector.broadcast %ge3A_1708 : f32 to vector<1x128xf32>
      %ge3A_1710 = arith.cmpf oge, %add3A_1707, %ge3A_1709 : vector<1x128xf32>
      %mul3A_1711 = arith.constant 0.00999999977 : f32
      %mul3A_1712 = vector.broadcast %mul3A_1711 : f32 to vector<1x128xf32>
      %mul3A_1713 = arith.mulf %mul3A_1712, %add3A_1707 : vector<1x128xf32>
      %select_n3A_1714 = arith.select %ge3A_1710, %add3A_1707, %mul3A_1713 : vector<1x128xi1>, vector<1x128xf32>
      %swap3A_1715 = arith.constant 5 : index
      %swap3A_1716 = arith.constant 0 : index
      %swap3A_1717 = vector.load %arg14[%swap3A_1715, %swap3A_1716] : memref<32x128xf32, #tpu.memory_space<vmem>>, vector<1x128xf32>
      tpu.vector_store %arg14[%swap3A_1715, %swap3A_1716], %select_n3A_1714 {strides = array<i32>} : memref<32x128xf32, #tpu.memory_space<vmem>>, vector<1x128xf32>,
      %get3A_1718 = arith.constant 0 : index
      %get3A_1719 = arith.constant 0 : index
      %get3A_1720 = vector.load %arg8[%get3A_1718, %get3A_1719] : memref<128x128xf32, #tpu.memory_space<vmem>>, vector<128x128xf32>
      %dot_general3A_1721 = arith.constant dense<0.000000e+00> : vector<1x128xf32>
      %dot_general3A_1722 = tpu.matmul %add3A_1707, %get3A_1720, %dot_general3A_1721 {dimension_numbers = #tpu.dot_dimension_numbers<[1], [0], [0], [1], [0, 0, 1, 1], [], []>, transpose_lhs_hint = false} : vector<1x128xf32>, vector<128x128xf32>, vector<1x128xf32> -> vector<1x128xf32>
      %slice3A_1723 = vector.extract_strided_slice %dot_general3A_1538 {offsets = [6, 0], sizes = [1, 128], strides = [1, 1]} : vector<32x128xf32> to vector<1x128xf32>
      %add3A_1724 = arith.addf %slice3A_1723, %dot_general3A_1722 : vector<1x128xf32>
      %logistic3A_1725 = arith.negf %add3A_1724 : vector<1x128xf32>
      %logistic3A_1726 = math.exp %logistic3A_1725 : vector<1x128xf32>
      %logistic3A_1727 = arith.constant 1.000000e+00 : f32
      %logistic3A_1728 = vector.broadcast %logistic3A_1727 : f32 to vector<1x128xf32>
      %logistic3A_1729 = arith.addf %logistic3A_1728, %logistic3A_1726 : vector<1x128xf32>
      %logistic3A_1730 = arith.divf %logistic3A_1728, %logistic3A_1729 : vector<1x128xf32>
      %slice3A_1731 = vector.extract_strided_slice %add3A_1530 {offsets = [6, 0], sizes = [1, 128], strides = [1, 1]} : vector<32x128xf32> to vector<1x128xf32>
      %mul3A_1732 = arith.mulf %logistic3A_1730, %slice3A_1731 : vector<1x128xf32>
      %sub3A_1733 = arith.constant 1.000000e+00 : f32
      %sub3A_1734 = vector.broadcast %sub3A_1733 : f32 to vector<1x128xf32>
      %sub3A_1735 = arith.subf %sub3A_1734, %logistic3A_1730 : vector<1x128xf32>
      %mul3A_1736 = arith.mulf %sub3A_1735, %add3A_1707 : vector<1x128xf32>
      %add3A_1737 = arith.addf %mul3A_1732, %mul3A_1736 : vector<1x128xf32>
      %ge3A_1738 = arith.constant 0.000000e+00 : f32
      %ge3A_1739 = vector.broadcast %ge3A_1738 : f32 to vector<1x128xf32>
      %ge3A_1740 = arith.cmpf oge, %add3A_1737, %ge3A_1739 : vector<1x128xf32>
      %mul3A_1741 = arith.constant 0.00999999977 : f32
      %mul3A_1742 = vector.broadcast %mul3A_1741 : f32 to vector<1x128xf32>
      %mul3A_1743 = arith.mulf %mul3A_1742, %add3A_1737 : vector<1x128xf32>
      %select_n3A_1744 = arith.select %ge3A_1740, %add3A_1737, %mul3A_1743 : vector<1x128xi1>, vector<1x128xf32>
      %swap3A_1745 = arith.constant 6 : index
      %swap3A_1746 = arith.constant 0 : index
      %swap3A_1747 = vector.load %arg14[%swap3A_1745, %swap3A_1746] : memref<32x128xf32, #tpu.memory_space<vmem>>, vector<1x128xf32>
      tpu.vector_store %arg14[%swap3A_1745, %swap3A_1746], %select_n3A_1744 {strides = array<i32>} : memref<32x128xf32, #tpu.memory_space<vmem>>, vector<1x128xf32>,
      %get3A_1748 = arith.constant 0 : index
      %get3A_1749 = arith.constant 0 : index
      %get3A_1750 = vector.load %arg8[%get3A_1748, %get3A_1749] : memref<128x128xf32, #tpu.memory_space<vmem>>, vector<128x128xf32>
      %dot_general3A_1751 = arith.constant dense<0.000000e+00> : vector<1x128xf32>
      %dot_general3A_1752 = tpu.matmul %add3A_1737, %get3A_1750, %dot_general3A_1751 {dimension_numbers = #tpu.dot_dimension_numbers<[1], [0], [0], [1], [0, 0, 1, 1], [], []>, transpose_lhs_hint = false} : vector<1x128xf32>, vector<128x128xf32>, vector<1x128xf32> -> vector<1x128xf32>
      %slice3A_1753 = vector.extract_strided_slice %dot_general3A_1538 {offsets = [7, 0], sizes = [1, 128], strides = [1, 1]} : vector<32x128xf32> to vector<1x128xf32>
      %add3A_1754 = arith.addf %slice3A_1753, %dot_general3A_1752 : vector<1x128xf32>
      %logistic3A_1755 = arith.negf %add3A_1754 : vector<1x128xf32>
      %logistic3A_1756 = math.exp %logistic3A_1755 : vector<1x128xf32>
      %logistic3A_1757 = arith.constant 1.000000e+00 : f32
      %logistic3A_1758 = vector.broadcast %logistic3A_1757 : f32 to vector<1x128xf32>
      %logistic3A_1759 = arith.addf %logistic3A_1758, %logistic3A_1756 : vector<1x128xf32>
      %logistic3A_1760 = arith.divf %logistic3A_1758, %logistic3A_1759 : vector<1x128xf32>
      %slice3A_1761 = vector.extract_strided_slice %add3A_1530 {offsets = [7, 0], sizes = [1, 128], strides = [1, 1]} : vector<32x128xf32> to vector<1x128xf32>
      %mul3A_1762 = arith.mulf %logistic3A_1760, %slice3A_1761 : vector<1x128xf32>
      %sub3A_1763 = arith.constant 1.000000e+00 : f32
      %sub3A_1764 = vector.broadcast %sub3A_1763 : f32 to vector<1x128xf32>
      %sub3A_1765 = arith.subf %sub3A_1764, %logistic3A_1760 : vector<1x128xf32>
      %mul3A_1766 = arith.mulf %sub3A_1765, %add3A_1737 : vector<1x128xf32>
      %add3A_1767 = arith.addf %mul3A_1762, %mul3A_1766 : vector<1x128xf32>
      %ge3A_1768 = arith.constant 0.000000e+00 : f32
      %ge3A_1769 = vector.broadcast %ge3A_1768 : f32 to vector<1x128xf32>
      %ge3A_1770 = arith.cmpf oge, %add3A_1767, %ge3A_1769 : vector<1x128xf32>
      %mul3A_1771 = arith.constant 0.00999999977 : f32
      %mul3A_1772 = vector.broadcast %mul3A_1771 : f32 to vector<1x128xf32>
      %mul3A_1773 = arith.mulf %mul3A_1772, %add3A_1767 : vector<1x128xf32>
      %select_n3A_1774 = arith.select %ge3A_1770, %add3A_1767, %mul3A_1773 : vector<1x128xi1>, vector<1x128xf32>
      %swap3A_1775 = arith.constant 7 : index
      %swap3A_1776 = arith.constant 0 : index
      %swap3A_1777 = vector.load %arg14[%swap3A_1775, %swap3A_1776] : memref<32x128xf32, #tpu.memory_space<vmem>>, vector<1x128xf32>
      tpu.vector_store %arg14[%swap3A_1775, %swap3A_1776], %select_n3A_1774 {strides = array<i32>} : memref<32x128xf32, #tpu.memory_space<vmem>>, vector<1x128xf32>,
      %get3A_1778 = arith.constant 0 : index
      %get3A_1779 = arith.constant 0 : index
      %get3A_1780 = vector.load %arg8[%get3A_1778, %get3A_1779] : memref<128x128xf32, #tpu.memory_space<vmem>>, vector<128x128xf32>
      %dot_general3A_1781 = arith.constant dense<0.000000e+00> : vector<1x128xf32>
      %dot_general3A_1782 = tpu.matmul %add3A_1767, %get3A_1780, %dot_general3A_1781 {dimension_numbers = #tpu.dot_dimension_numbers<[1], [0], [0], [1], [0, 0, 1, 1], [], []>, transpose_lhs_hint = false} : vector<1x128xf32>, vector<128x128xf32>, vector<1x128xf32> -> vector<1x128xf32>
      %slice3A_1783 = vector.extract_strided_slice %dot_general3A_1538 {offsets = [8, 0], sizes = [1, 128], strides = [1, 1]} : vector<32x128xf32> to vector<1x128xf32>
      %add3A_1784 = arith.addf %slice3A_1783, %dot_general3A_1782 : vector<1x128xf32>
      %logistic3A_1785 = arith.negf %add3A_1784 : vector<1x128xf32>
      %logistic3A_1786 = math.exp %logistic3A_1785 : vector<1x128xf32>
      %logistic3A_1787 = arith.constant 1.000000e+00 : f32
      %logistic3A_1788 = vector.broadcast %logistic3A_1787 : f32 to vector<1x128xf32>
      %logistic3A_1789 = arith.addf %logistic3A_1788, %logistic3A_1786 : vector<1x128xf32>
      %logistic3A_1790 = arith.divf %logistic3A_1788, %logistic3A_1789 : vector<1x128xf32>
      %slice3A_1791 = vector.extract_strided_slice %add3A_1530 {offsets = [8, 0], sizes = [1, 128], strides = [1, 1]} : vector<32x128xf32> to vector<1x128xf32>
      %mul3A_1792 = arith.mulf %logistic3A_1790, %slice3A_1791 : vector<1x128xf32>
      %sub3A_1793 = arith.constant 1.000000e+00 : f32
      %sub3A_1794 = vector.broadcast %sub3A_1793 : f32 to vector<1x128xf32>
      %sub3A_1795 = arith.subf %sub3A_1794, %logistic3A_1790 : vector<1x128xf32>
      %mul3A_1796 = arith.mulf %sub3A_1795, %add3A_1767 : vector<1x128xf32>
      %add3A_1797 = arith.addf %mul3A_1792, %mul3A_1796 : vector<1x128xf32>
      %ge3A_1798 = arith.constant 0.000000e+00 : f32
      %ge3A_1799 = vector.broadcast %ge3A_1798 : f32 to vector<1x128xf32>
      %ge3A_1800 = arith.cmpf oge, %add3A_1797, %ge3A_1799 : vector<1x128xf32>
      %mul3A_1801 = arith.constant 0.00999999977 : f32
      %mul3A_1802 = vector.broadcast %mul3A_1801 : f32 to vector<1x128xf32>
      %mul3A_1803 = arith.mulf %mul3A_1802, %add3A_1797 : vector<1x128xf32>
      %select_n3A_1804 = arith.select %ge3A_1800, %add3A_1797, %mul3A_1803 : vector<1x128xi1>, vector<1x128xf32>
      %swap3A_1805 = arith.constant 8 : index
      %swap3A_1806 = arith.constant 0 : index
      %swap3A_1807 = vector.load %arg14[%swap3A_1805, %swap3A_1806] : memref<32x128xf32, #tpu.memory_space<vmem>>, vector<1x128xf32>
      tpu.vector_store %arg14[%swap3A_1805, %swap3A_1806], %select_n3A_1804 {strides = array<i32>} : memref<32x128xf32, #tpu.memory_space<vmem>>, vector<1x128xf32>,
      %get3A_1808 = arith.constant 0 : index
      %get3A_1809 = arith.constant 0 : index
      %get3A_1810 = vector.load %arg8[%get3A_1808, %get3A_1809] : memref<128x128xf32, #tpu.memory_space<vmem>>, vector<128x128xf32>
      %dot_general3A_1811 = arith.constant dense<0.000000e+00> : vector<1x128xf32>
      %dot_general3A_1812 = tpu.matmul %add3A_1797, %get3A_1810, %dot_general3A_1811 {dimension_numbers = #tpu.dot_dimension_numbers<[1], [0], [0], [1], [0, 0, 1, 1], [], []>, transpose_lhs_hint = false} : vector<1x128xf32>, vector<128x128xf32>, vector<1x128xf32> -> vector<1x128xf32>
      %slice3A_1813 = vector.extract_strided_slice %dot_general3A_1538 {offsets = [9, 0], sizes = [1, 128], strides = [1, 1]} : vector<32x128xf32> to vector<1x128xf32>
      %add3A_1814 = arith.addf %slice3A_1813, %dot_general3A_1812 : vector<1x128xf32>
      %logistic3A_1815 = arith.negf %add3A_1814 : vector<1x128xf32>
      %logistic3A_1816 = math.exp %logistic3A_1815 : vector<1x128xf32>
      %logistic3A_1817 = arith.constant 1.000000e+00 : f32
      %logistic3A_1818 = vector.broadcast %logistic3A_1817 : f32 to vector<1x128xf32>
      %logistic3A_1819 = arith.addf %logistic3A_1818, %logistic3A_1816 : vector<1x128xf32>
      %logistic3A_1820 = arith.divf %logistic3A_1818, %logistic3A_1819 : vector<1x128xf32>
      %slice3A_1821 = vector.extract_strided_slice %add3A_1530 {offsets = [9, 0], sizes = [1, 128], strides = [1, 1]} : vector<32x128xf32> to vector<1x128xf32>
      %mul3A_1822 = arith.mulf %logistic3A_1820, %slice3A_1821 : vector<1x128xf32>
      %sub3A_1823 = arith.constant 1.000000e+00 : f32
      %sub3A_1824 = vector.broadcast %sub3A_1823 : f32 to vector<1x128xf32>
      %sub3A_1825 = arith.subf %sub3A_1824, %logistic3A_1820 : vector<1x128xf32>
      %mul3A_1826 = arith.mulf %sub3A_1825, %add3A_1797 : vector<1x128xf32>
      %add3A_1827 = arith.addf %mul3A_1822, %mul3A_1826 : vector<1x128xf32>
      %ge3A_1828 = arith.constant 0.000000e+00 : f32
      %ge3A_1829 = vector.broadcast %ge3A_1828 : f32 to vector<1x128xf32>
      %ge3A_1830 = arith.cmpf oge, %add3A_1827, %ge3A_1829 : vector<1x128xf32>
      %mul3A_1831 = arith.constant 0.00999999977 : f32
      %mul3A_1832 = vector.broadcast %mul3A_1831 : f32 to vector<1x128xf32>
      %mul3A_1833 = arith.mulf %mul3A_1832, %add3A_1827 : vector<1x128xf32>
      %select_n3A_1834 = arith.select %ge3A_1830, %add3A_1827, %mul3A_1833 : vector<1x128xi1>, vector<1x128xf32>
      %swap3A_1835 = arith.constant 9 : index
      %swap3A_1836 = arith.constant 0 : index
      %swap3A_1837 = vector.load %arg14[%swap3A_1835, %swap3A_1836] : memref<32x128xf32, #tpu.memory_space<vmem>>, vector<1x128xf32>
      tpu.vector_store %arg14[%swap3A_1835, %swap3A_1836], %select_n3A_1834 {strides = array<i32>} : memref<32x128xf32, #tpu.memory_space<vmem>>, vector<1x128xf32>,
      %get3A_1838 = arith.constant 0 : index
      %get3A_1839 = arith.constant 0 : index
      %get3A_1840 = vector.load %arg8[%get3A_1838, %get3A_1839] : memref<128x128xf32, #tpu.memory_space<vmem>>, vector<128x128xf32>
      %dot_general3A_1841 = arith.constant dense<0.000000e+00> : vector<1x128xf32>
      %dot_general3A_1842 = tpu.matmul %add3A_1827, %get3A_1840, %dot_general3A_1841 {dimension_numbers = #tpu.dot_dimension_numbers<[1], [0], [0], [1], [0, 0, 1, 1], [], []>, transpose_lhs_hint = false} : vector<1x128xf32>, vector<128x128xf32>, vector<1x128xf32> -> vector<1x128xf32>
      %slice3A_1843 = vector.extract_strided_slice %dot_general3A_1538 {offsets = [10, 0], sizes = [1, 128], strides = [1, 1]} : vector<32x128xf32> to vector<1x128xf32>
      %add3A_1844 = arith.addf %slice3A_1843, %dot_general3A_1842 : vector<1x128xf32>
      %logistic3A_1845 = arith.negf %add3A_1844 : vector<1x128xf32>
      %logistic3A_1846 = math.exp %logistic3A_1845 : vector<1x128xf32>
      %logistic3A_1847 = arith.constant 1.000000e+00 : f32
      %logistic3A_1848 = vector.broadcast %logistic3A_1847 : f32 to vector<1x128xf32>
      %logistic3A_1849 = arith.addf %logistic3A_1848, %logistic3A_1846 : vector<1x128xf32>
      %logistic3A_1850 = arith.divf %logistic3A_1848, %logistic3A_1849 : vector<1x128xf32>
      %slice3A_1851 = vector.extract_strided_slice %add3A_1530 {offsets = [10, 0], sizes = [1, 128], strides = [1, 1]} : vector<32x128xf32> to vector<1x128xf32>
      %mul3A_1852 = arith.mulf %logistic3A_1850, %slice3A_1851 : vector<1x128xf32>
      %sub3A_1853 = arith.constant 1.000000e+00 : f32
      %sub3A_1854 = vector.broadcast %sub3A_1853 : f32 to vector<1x128xf32>
      %sub3A_1855 = arith.subf %sub3A_1854, %logistic3A_1850 : vector<1x128xf32>
      %mul3A_1856 = arith.mulf %sub3A_1855, %add3A_1827 : vector<1x128xf32>
      %add3A_1857 = arith.addf %mul3A_1852, %mul3A_1856 : vector<1x128xf32>
      %ge3A_1858 = arith.constant 0.000000e+00 : f32
      %ge3A_1859 = vector.broadcast %ge3A_1858 : f32 to vector<1x128xf32>
      %ge3A_1860 = arith.cmpf oge, %add3A_1857, %ge3A_1859 : vector<1x128xf32>
      %mul3A_1861 = arith.constant 0.00999999977 : f32
      %mul3A_1862 = vector.broadcast %mul3A_1861 : f32 to vector<1x128xf32>
      %mul3A_1863 = arith.mulf %mul3A_1862, %add3A_1857 : vector<1x128xf32>
      %select_n3A_1864 = arith.select %ge3A_1860, %add3A_1857, %mul3A_1863 : vector<1x128xi1>, vector<1x128xf32>
      %swap3A_1865 = arith.constant 10 : index
      %swap3A_1866 = arith.constant 0 : index
      %swap3A_1867 = vector.load %arg14[%swap3A_1865, %swap3A_1866] : memref<32x128xf32, #tpu.memory_space<vmem>>, vector<1x128xf32>
      tpu.vector_store %arg14[%swap3A_1865, %swap3A_1866], %select_n3A_1864 {strides = array<i32>} : memref<32x128xf32, #tpu.memory_space<vmem>>, vector<1x128xf32>,
      %get3A_1868 = arith.constant 0 : index
      %get3A_1869 = arith.constant 0 : index
      %get3A_1870 = vector.load %arg8[%get3A_1868, %get3A_1869] : memref<128x128xf32, #tpu.memory_space<vmem>>, vector<128x128xf32>
      %dot_general3A_1871 = arith.constant dense<0.000000e+00> : vector<1x128xf32>
      %dot_general3A_1872 = tpu.matmul %add3A_1857, %get3A_1870, %dot_general3A_1871 {dimension_numbers = #tpu.dot_dimension_numbers<[1], [0], [0], [1], [0, 0, 1, 1], [], []>, transpose_lhs_hint = false} : vector<1x128xf32>, vector<128x128xf32>, vector<1x128xf32> -> vector<1x128xf32>
      %slice3A_1873 = vector.extract_strided_slice %dot_general3A_1538 {offsets = [11, 0], sizes = [1, 128], strides = [1, 1]} : vector<32x128xf32> to vector<1x128xf32>
      %add3A_1874 = arith.addf %slice3A_1873, %dot_general3A_1872 : vector<1x128xf32>
      %logistic3A_1875 = arith.negf %add3A_1874 : vector<1x128xf32>
      %logistic3A_1876 = math.exp %logistic3A_1875 : vector<1x128xf32>
      %logistic3A_1877 = arith.constant 1.000000e+00 : f32
      %logistic3A_1878 = vector.broadcast %logistic3A_1877 : f32 to vector<1x128xf32>
      %logistic3A_1879 = arith.addf %logistic3A_1878, %logistic3A_1876 : vector<1x128xf32>
      %logistic3A_1880 = arith.divf %logistic3A_1878, %logistic3A_1879 : vector<1x128xf32>
      %slice3A_1881 = vector.extract_strided_slice %add3A_1530 {offsets = [11, 0], sizes = [1, 128], strides = [1, 1]} : vector<32x128xf32> to vector<1x128xf32>
      %mul3A_1882 = arith.mulf %logistic3A_1880, %slice3A_1881 : vector<1x128xf32>
      %sub3A_1883 = arith.constant 1.000000e+00 : f32
      %sub3A_1884 = vector.broadcast %sub3A_1883 : f32 to vector<1x128xf32>
      %sub3A_1885 = arith.subf %sub3A_1884, %logistic3A_1880 : vector<1x128xf32>
      %mul3A_1886 = arith.mulf %sub3A_1885, %add3A_1857 : vector<1x128xf32>
      %add3A_1887 = arith.addf %mul3A_1882, %mul3A_1886 : vector<1x128xf32>
      %ge3A_1888 = arith.constant 0.000000e+00 : f32
      %ge3A_1889 = vector.broadcast %ge3A_1888 : f32 to vector<1x128xf32>
      %ge3A_1890 = arith.cmpf oge, %add3A_1887, %ge3A_1889 : vector<1x128xf32>
      %mul3A_1891 = arith.constant 0.00999999977 : f32
      %mul3A_1892 = vector.broadcast %mul3A_1891 : f32 to vector<1x128xf32>
      %mul3A_1893 = arith.mulf %mul3A_1892, %add3A_1887 : vector<1x128xf32>
      %select_n3A_1894 = arith.select %ge3A_1890, %add3A_1887, %mul3A_1893 : vector<1x128xi1>, vector<1x128xf32>
      %swap3A_1895 = arith.constant 11 : index
      %swap3A_1896 = arith.constant 0 : index
      %swap3A_1897 = vector.load %arg14[%swap3A_1895, %swap3A_1896] : memref<32x128xf32, #tpu.memory_space<vmem>>, vector<1x128xf32>
      tpu.vector_store %arg14[%swap3A_1895, %swap3A_1896], %select_n3A_1894 {strides = array<i32>} : memref<32x128xf32, #tpu.memory_space<vmem>>, vector<1x128xf32>,
      %get3A_1898 = arith.constant 0 : index
      %get3A_1899 = arith.constant 0 : index
      %get3A_1900 = vector.load %arg8[%get3A_1898, %get3A_1899] : memref<128x128xf32, #tpu.memory_space<vmem>>, vector<128x128xf32>
      %dot_general3A_1901 = arith.constant dense<0.000000e+00> : vector<1x128xf32>
      %dot_general3A_1902 = tpu.matmul %add3A_1887, %get3A_1900, %dot_general3A_1901 {dimension_numbers = #tpu.dot_dimension_numbers<[1], [0], [0], [1], [0, 0, 1, 1], [], []>, transpose_lhs_hint = false} : vector<1x128xf32>, vector<128x128xf32>, vector<1x128xf32> -> vector<1x128xf32>
      %slice3A_1903 = vector.extract_strided_slice %dot_general3A_1538 {offsets = [12, 0], sizes = [1, 128], strides = [1, 1]} : vector<32x128xf32> to vector<1x128xf32>
      %add3A_1904 = arith.addf %slice3A_1903, %dot_general3A_1902 : vector<1x128xf32>
      %logistic3A_1905 = arith.negf %add3A_1904 : vector<1x128xf32>
      %logistic3A_1906 = math.exp %logistic3A_1905 : vector<1x128xf32>
      %logistic3A_1907 = arith.constant 1.000000e+00 : f32
      %logistic3A_1908 = vector.broadcast %logistic3A_1907 : f32 to vector<1x128xf32>
      %logistic3A_1909 = arith.addf %logistic3A_1908, %logistic3A_1906 : vector<1x128xf32>
      %logistic3A_1910 = arith.divf %logistic3A_1908, %logistic3A_1909 : vector<1x128xf32>
      %slice3A_1911 = vector.extract_strided_slice %add3A_1530 {offsets = [12, 0], sizes = [1, 128], strides = [1, 1]} : vector<32x128xf32> to vector<1x128xf32>
      %mul3A_1912 = arith.mulf %logistic3A_1910, %slice3A_1911 : vector<1x128xf32>
      %sub3A_1913 = arith.constant 1.000000e+00 : f32
      %sub3A_1914 = vector.broadcast %sub3A_1913 : f32 to vector<1x128xf32>
      %sub3A_1915 = arith.subf %sub3A_1914, %logistic3A_1910 : vector<1x128xf32>
      %mul3A_1916 = arith.mulf %sub3A_1915, %add3A_1887 : vector<1x128xf32>
      %add3A_1917 = arith.addf %mul3A_1912, %mul3A_1916 : vector<1x128xf32>
      %ge3A_1918 = arith.constant 0.000000e+00 : f32
      %ge3A_1919 = vector.broadcast %ge3A_1918 : f32 to vector<1x128xf32>
      %ge3A_1920 = arith.cmpf oge, %add3A_1917, %ge3A_1919 : vector<1x128xf32>
      %mul3A_1921 = arith.constant 0.00999999977 : f32
      %mul3A_1922 = vector.broadcast %mul3A_1921 : f32 to vector<1x128xf32>
      %mul3A_1923 = arith.mulf %mul3A_1922, %add3A_1917 : vector<1x128xf32>
      %select_n3A_1924 = arith.select %ge3A_1920, %add3A_1917, %mul3A_1923 : vector<1x128xi1>, vector<1x128xf32>
      %swap3A_1925 = arith.constant 12 : index
      %swap3A_1926 = arith.constant 0 : index
      %swap3A_1927 = vector.load %arg14[%swap3A_1925, %swap3A_1926] : memref<32x128xf32, #tpu.memory_space<vmem>>, vector<1x128xf32>
      tpu.vector_store %arg14[%swap3A_1925, %swap3A_1926], %select_n3A_1924 {strides = array<i32>} : memref<32x128xf32, #tpu.memory_space<vmem>>, vector<1x128xf32>,
      %get3A_1928 = arith.constant 0 : index
      %get3A_1929 = arith.constant 0 : index
      %get3A_1930 = vector.load %arg8[%get3A_1928, %get3A_1929] : memref<128x128xf32, #tpu.memory_space<vmem>>, vector<128x128xf32>
      %dot_general3A_1931 = arith.constant dense<0.000000e+00> : vector<1x128xf32>
      %dot_general3A_1932 = tpu.matmul %add3A_1917, %get3A_1930, %dot_general3A_1931 {dimension_numbers = #tpu.dot_dimension_numbers<[1], [0], [0], [1], [0, 0, 1, 1], [], []>, transpose_lhs_hint = false} : vector<1x128xf32>, vector<128x128xf32>, vector<1x128xf32> -> vector<1x128xf32>
      %slice3A_1933 = vector.extract_strided_slice %dot_general3A_1538 {offsets = [13, 0], sizes = [1, 128], strides = [1, 1]} : vector<32x128xf32> to vector<1x128xf32>
      %add3A_1934 = arith.addf %slice3A_1933, %dot_general3A_1932 : vector<1x128xf32>
      %logistic3A_1935 = arith.negf %add3A_1934 : vector<1x128xf32>
      %logistic3A_1936 = math.exp %logistic3A_1935 : vector<1x128xf32>
      %logistic3A_1937 = arith.constant 1.000000e+00 : f32
      %logistic3A_1938 = vector.broadcast %logistic3A_1937 : f32 to vector<1x128xf32>
      %logistic3A_1939 = arith.addf %logistic3A_1938, %logistic3A_1936 : vector<1x128xf32>
      %logistic3A_1940 = arith.divf %logistic3A_1938, %logistic3A_1939 : vector<1x128xf32>
      %slice3A_1941 = vector.extract_strided_slice %add3A_1530 {offsets = [13, 0], sizes = [1, 128], strides = [1, 1]} : vector<32x128xf32> to vector<1x128xf32>
      %mul3A_1942 = arith.mulf %logistic3A_1940, %slice3A_1941 : vector<1x128xf32>
      %sub3A_1943 = arith.constant 1.000000e+00 : f32
      %sub3A_1944 = vector.broadcast %sub3A_1943 : f32 to vector<1x128xf32>
      %sub3A_1945 = arith.subf %sub3A_1944, %logistic3A_1940 : vector<1x128xf32>
      %mul3A_1946 = arith.mulf %sub3A_1945, %add3A_1917 : vector<1x128xf32>
      %add3A_1947 = arith.addf %mul3A_1942, %mul3A_1946 : vector<1x128xf32>
      %ge3A_1948 = arith.constant 0.000000e+00 : f32
      %ge3A_1949 = vector.broadcast %ge3A_1948 : f32 to vector<1x128xf32>
      %ge3A_1950 = arith.cmpf oge, %add3A_1947, %ge3A_1949 : vector<1x128xf32>
      %mul3A_1951 = arith.constant 0.00999999977 : f32
      %mul3A_1952 = vector.broadcast %mul3A_1951 : f32 to vector<1x128xf32>
      %mul3A_1953 = arith.mulf %mul3A_1952, %add3A_1947 : vector<1x128xf32>
      %select_n3A_1954 = arith.select %ge3A_1950, %add3A_1947, %mul3A_1953 : vector<1x128xi1>, vector<1x128xf32>
      %swap3A_1955 = arith.constant 13 : index
      %swap3A_1956 = arith.constant 0 : index
      %swap3A_1957 = vector.load %arg14[%swap3A_1955, %swap3A_1956] : memref<32x128xf32, #tpu.memory_space<vmem>>, vector<1x128xf32>
      tpu.vector_store %arg14[%swap3A_1955, %swap3A_1956], %select_n3A_1954 {strides = array<i32>} : memref<32x128xf32, #tpu.memory_space<vmem>>, vector<1x128xf32>,
      %get3A_1958 = arith.constant 0 : index
      %get3A_1959 = arith.constant 0 : index
      %get3A_1960 = vector.load %arg8[%get3A_1958, %get3A_1959] : memref<128x128xf32, #tpu.memory_space<vmem>>, vector<128x128xf32>
      %dot_general3A_1961 = arith.constant dense<0.000000e+00> : vector<1x128xf32>
      %dot_general3A_1962 = tpu.matmul %add3A_1947, %get3A_1960, %dot_general3A_1961 {dimension_numbers = #tpu.dot_dimension_numbers<[1], [0], [0], [1], [0, 0, 1, 1], [], []>, transpose_lhs_hint = false} : vector<1x128xf32>, vector<128x128xf32>, vector<1x128xf32> -> vector<1x128xf32>
      %slice3A_1963 = vector.extract_strided_slice %dot_general3A_1538 {offsets = [14, 0], sizes = [1, 128], strides = [1, 1]} : vector<32x128xf32> to vector<1x128xf32>
      %add3A_1964 = arith.addf %slice3A_1963, %dot_general3A_1962 : vector<1x128xf32>
      %logistic3A_1965 = arith.negf %add3A_1964 : vector<1x128xf32>
      %logistic3A_1966 = math.exp %logistic3A_1965 : vector<1x128xf32>
      %logistic3A_1967 = arith.constant 1.000000e+00 : f32
      %logistic3A_1968 = vector.broadcast %logistic3A_1967 : f32 to vector<1x128xf32>
      %logistic3A_1969 = arith.addf %logistic3A_1968, %logistic3A_1966 : vector<1x128xf32>
      %logistic3A_1970 = arith.divf %logistic3A_1968, %logistic3A_1969 : vector<1x128xf32>
      %slice3A_1971 = vector.extract_strided_slice %add3A_1530 {offsets = [14, 0], sizes = [1, 128], strides = [1, 1]} : vector<32x128xf32> to vector<1x128xf32>
      %mul3A_1972 = arith.mulf %logistic3A_1970, %slice3A_1971 : vector<1x128xf32>
      %sub3A_1973 = arith.constant 1.000000e+00 : f32
      %sub3A_1974 = vector.broadcast %sub3A_1973 : f32 to vector<1x128xf32>
      %sub3A_1975 = arith.subf %sub3A_1974, %logistic3A_1970 : vector<1x128xf32>
      %mul3A_1976 = arith.mulf %sub3A_1975, %add3A_1947 : vector<1x128xf32>
      %add3A_1977 = arith.addf %mul3A_1972, %mul3A_1976 : vector<1x128xf32>
      %ge3A_1978 = arith.constant 0.000000e+00 : f32
      %ge3A_1979 = vector.broadcast %ge3A_1978 : f32 to vector<1x128xf32>
      %ge3A_1980 = arith.cmpf oge, %add3A_1977, %ge3A_1979 : vector<1x128xf32>
      %mul3A_1981 = arith.constant 0.00999999977 : f32
      %mul3A_1982 = vector.broadcast %mul3A_1981 : f32 to vector<1x128xf32>
      %mul3A_1983 = arith.mulf %mul3A_1982, %add3A_1977 : vector<1x128xf32>
      %select_n3A_1984 = arith.select %ge3A_1980, %add3A_1977, %mul3A_1983 : vector<1x128xi1>, vector<1x128xf32>
      %swap3A_1985 = arith.constant 14 : index
      %swap3A_1986 = arith.constant 0 : index
      %swap3A_1987 = vector.load %arg14[%swap3A_1985, %swap3A_1986] : memref<32x128xf32, #tpu.memory_space<vmem>>, vector<1x128xf32>
      tpu.vector_store %arg14[%swap3A_1985, %swap3A_1986], %select_n3A_1984 {strides = array<i32>} : memref<32x128xf32, #tpu.memory_space<vmem>>, vector<1x128xf32>,
      %get3A_1988 = arith.constant 0 : index
      %get3A_1989 = arith.constant 0 : index
      %get3A_1990 = vector.load %arg8[%get3A_1988, %get3A_1989] : memref<128x128xf32, #tpu.memory_space<vmem>>, vector<128x128xf32>
      %dot_general3A_1991 = arith.constant dense<0.000000e+00> : vector<1x128xf32>
      %dot_general3A_1992 = tpu.matmul %add3A_1977, %get3A_1990, %dot_general3A_1991 {dimension_numbers = #tpu.dot_dimension_numbers<[1], [0], [0], [1], [0, 0, 1, 1], [], []>, transpose_lhs_hint = false} : vector<1x128xf32>, vector<128x128xf32>, vector<1x128xf32> -> vector<1x128xf32>
      %slice3A_1993 = vector.extract_strided_slice %dot_general3A_1538 {offsets = [15, 0], sizes = [1, 128], strides = [1, 1]} : vector<32x128xf32> to vector<1x128xf32>
      %add3A_1994 = arith.addf %slice3A_1993, %dot_general3A_1992 : vector<1x128xf32>
      %logistic3A_1995 = arith.negf %add3A_1994 : vector<1x128xf32>
      %logistic3A_1996 = math.exp %logistic3A_1995 : vector<1x128xf32>
      %logistic3A_1997 = arith.constant 1.000000e+00 : f32
      %logistic3A_1998 = vector.broadcast %logistic3A_1997 : f32 to vector<1x128xf32>
      %logistic3A_1999 = arith.addf %logistic3A_1998, %logistic3A_1996 : vector<1x128xf32>
      %logistic3A_2000 = arith.divf %logistic3A_1998, %logistic3A_1999 : vector<1x128xf32>
      %slice3A_2001 = vector.extract_strided_slice %add3A_1530 {offsets = [15, 0], sizes = [1, 128], strides = [1, 1]} : vector<32x128xf32> to vector<1x128xf32>
      %mul3A_2002 = arith.mulf %logistic3A_2000, %slice3A_2001 : vector<1x128xf32>
      %sub3A_2003 = arith.constant 1.000000e+00 : f32
      %sub3A_2004 = vector.broadcast %sub3A_2003 : f32 to vector<1x128xf32>
      %sub3A_2005 = arith.subf %sub3A_2004, %logistic3A_2000 : vector<1x128xf32>
      %mul3A_2006 = arith.mulf %sub3A_2005, %add3A_1977 : vector<1x128xf32>
      %add3A_2007 = arith.addf %mul3A_2002, %mul3A_2006 : vector<1x128xf32>
      %ge3A_2008 = arith.constant 0.000000e+00 : f32
      %ge3A_2009 = vector.broadcast %ge3A_2008 : f32 to vector<1x128xf32>
      %ge3A_2010 = arith.cmpf oge, %add3A_2007, %ge3A_2009 : vector<1x128xf32>
      %mul3A_2011 = arith.constant 0.00999999977 : f32
      %mul3A_2012 = vector.broadcast %mul3A_2011 : f32 to vector<1x128xf32>
      %mul3A_2013 = arith.mulf %mul3A_2012, %add3A_2007 : vector<1x128xf32>
      %select_n3A_2014 = arith.select %ge3A_2010, %add3A_2007, %mul3A_2013 : vector<1x128xi1>, vector<1x128xf32>
      %swap3A_2015 = arith.constant 15 : index
      %swap3A_2016 = arith.constant 0 : index
      %swap3A_2017 = vector.load %arg14[%swap3A_2015, %swap3A_2016] : memref<32x128xf32, #tpu.memory_space<vmem>>, vector<1x128xf32>
      tpu.vector_store %arg14[%swap3A_2015, %swap3A_2016], %select_n3A_2014 {strides = array<i32>} : memref<32x128xf32, #tpu.memory_space<vmem>>, vector<1x128xf32>,
      %get3A_2018 = arith.constant 0 : index
      %get3A_2019 = arith.constant 0 : index
      %get3A_2020 = vector.load %arg8[%get3A_2018, %get3A_2019] : memref<128x128xf32, #tpu.memory_space<vmem>>, vector<128x128xf32>
      %dot_general3A_2021 = arith.constant dense<0.000000e+00> : vector<1x128xf32>
      %dot_general3A_2022 = tpu.matmul %add3A_2007, %get3A_2020, %dot_general3A_2021 {dimension_numbers = #tpu.dot_dimension_numbers<[1], [0], [0], [1], [0, 0, 1, 1], [], []>, transpose_lhs_hint = false} : vector<1x128xf32>, vector<128x128xf32>, vector<1x128xf32> -> vector<1x128xf32>
      %slice3A_2023 = vector.extract_strided_slice %dot_general3A_1538 {offsets = [16, 0], sizes = [1, 128], strides = [1, 1]} : vector<32x128xf32> to vector<1x128xf32>
      %add3A_2024 = arith.addf %slice3A_2023, %dot_general3A_2022 : vector<1x128xf32>
      %logistic3A_2025 = arith.negf %add3A_2024 : vector<1x128xf32>
      %logistic3A_2026 = math.exp %logistic3A_2025 : vector<1x128xf32>
      %logistic3A_2027 = arith.constant 1.000000e+00 : f32
      %logistic3A_2028 = vector.broadcast %logistic3A_2027 : f32 to vector<1x128xf32>
      %logistic3A_2029 = arith.addf %logistic3A_2028, %logistic3A_2026 : vector<1x128xf32>
      %logistic3A_2030 = arith.divf %logistic3A_2028, %logistic3A_2029 : vector<1x128xf32>
      %slice3A_2031 = vector.extract_strided_slice %add3A_1530 {offsets = [16, 0], sizes = [1, 128], strides = [1, 1]} : vector<32x128xf32> to vector<1x128xf32>
      %mul3A_2032 = arith.mulf %logistic3A_2030, %slice3A_2031 : vector<1x128xf32>
      %sub3A_2033 = arith.constant 1.000000e+00 : f32
      %sub3A_2034 = vector.broadcast %sub3A_2033 : f32 to vector<1x128xf32>
      %sub3A_2035 = arith.subf %sub3A_2034, %logistic3A_2030 : vector<1x128xf32>
      %mul3A_2036 = arith.mulf %sub3A_2035, %add3A_2007 : vector<1x128xf32>
      %add3A_2037 = arith.addf %mul3A_2032, %mul3A_2036 : vector<1x128xf32>
      %ge3A_2038 = arith.constant 0.000000e+00 : f32
      %ge3A_2039 = vector.broadcast %ge3A_2038 : f32 to vector<1x128xf32>
      %ge3A_2040 = arith.cmpf oge, %add3A_2037, %ge3A_2039 : vector<1x128xf32>
      %mul3A_2041 = arith.constant 0.00999999977 : f32
      %mul3A_2042 = vector.broadcast %mul3A_2041 : f32 to vector<1x128xf32>
      %mul3A_2043 = arith.mulf %mul3A_2042, %add3A_2037 : vector<1x128xf32>
      %select_n3A_2044 = arith.select %ge3A_2040, %add3A_2037, %mul3A_2043 : vector<1x128xi1>, vector<1x128xf32>
      %swap3A_2045 = arith.constant 16 : index
      %swap3A_2046 = arith.constant 0 : index
      %swap3A_2047 = vector.load %arg14[%swap3A_2045, %swap3A_2046] : memref<32x128xf32, #tpu.memory_space<vmem>>, vector<1x128xf32>
      tpu.vector_store %arg14[%swap3A_2045, %swap3A_2046], %select_n3A_2044 {strides = array<i32>} : memref<32x128xf32, #tpu.memory_space<vmem>>, vector<1x128xf32>,
      %get3A_2048 = arith.constant 0 : index
      %get3A_2049 = arith.constant 0 : index
      %get3A_2050 = vector.load %arg8[%get3A_2048, %get3A_2049] : memref<128x128xf32, #tpu.memory_space<vmem>>, vector<128x128xf32>
      %dot_general3A_2051 = arith.constant dense<0.000000e+00> : vector<1x128xf32>
      %dot_general3A_2052 = tpu.matmul %add3A_2037, %get3A_2050, %dot_general3A_2051 {dimension_numbers = #tpu.dot_dimension_numbers<[1], [0], [0], [1], [0, 0, 1, 1], [], []>, transpose_lhs_hint = false} : vector<1x128xf32>, vector<128x128xf32>, vector<1x128xf32> -> vector<1x128xf32>
      %slice3A_2053 = vector.extract_strided_slice %dot_general3A_1538 {offsets = [17, 0], sizes = [1, 128], strides = [1, 1]} : vector<32x128xf32> to vector<1x128xf32>
      %add3A_2054 = arith.addf %slice3A_2053, %dot_general3A_2052 : vector<1x128xf32>
      %logistic3A_2055 = arith.negf %add3A_2054 : vector<1x128xf32>
      %logistic3A_2056 = math.exp %logistic3A_2055 : vector<1x128xf32>
      %logistic3A_2057 = arith.constant 1.000000e+00 : f32
      %logistic3A_2058 = vector.broadcast %logistic3A_2057 : f32 to vector<1x128xf32>
      %logistic3A_2059 = arith.addf %logistic3A_2058, %logistic3A_2056 : vector<1x128xf32>
      %logistic3A_2060 = arith.divf %logistic3A_2058, %logistic3A_2059 : vector<1x128xf32>
      %slice3A_2061 = vector.extract_strided_slice %add3A_1530 {offsets = [17, 0], sizes = [1, 128], strides = [1, 1]} : vector<32x128xf32> to vector<1x128xf32>
      %mul3A_2062 = arith.mulf %logistic3A_2060, %slice3A_2061 : vector<1x128xf32>
      %sub3A_2063 = arith.constant 1.000000e+00 : f32
      %sub3A_2064 = vector.broadcast %sub3A_2063 : f32 to vector<1x128xf32>
      %sub3A_2065 = arith.subf %sub3A_2064, %logistic3A_2060 : vector<1x128xf32>
      %mul3A_2066 = arith.mulf %sub3A_2065, %add3A_2037 : vector<1x128xf32>
      %add3A_2067 = arith.addf %mul3A_2062, %mul3A_2066 : vector<1x128xf32>
      %ge3A_2068 = arith.constant 0.000000e+00 : f32
      %ge3A_2069 = vector.broadcast %ge3A_2068 : f32 to vector<1x128xf32>
      %ge3A_2070 = arith.cmpf oge, %add3A_2067, %ge3A_2069 : vector<1x128xf32>
      %mul3A_2071 = arith.constant 0.00999999977 : f32
      %mul3A_2072 = vector.broadcast %mul3A_2071 : f32 to vector<1x128xf32>
      %mul3A_2073 = arith.mulf %mul3A_2072, %add3A_2067 : vector<1x128xf32>
      %select_n3A_2074 = arith.select %ge3A_2070, %add3A_2067, %mul3A_2073 : vector<1x128xi1>, vector<1x128xf32>
      %swap3A_2075 = arith.constant 17 : index
      %swap3A_2076 = arith.constant 0 : index
      %swap3A_2077 = vector.load %arg14[%swap3A_2075, %swap3A_2076] : memref<32x128xf32, #tpu.memory_space<vmem>>, vector<1x128xf32>
      tpu.vector_store %arg14[%swap3A_2075, %swap3A_2076], %select_n3A_2074 {strides = array<i32>} : memref<32x128xf32, #tpu.memory_space<vmem>>, vector<1x128xf32>,
      %get3A_2078 = arith.constant 0 : index
      %get3A_2079 = arith.constant 0 : index
      %get3A_2080 = vector.load %arg8[%get3A_2078, %get3A_2079] : memref<128x128xf32, #tpu.memory_space<vmem>>, vector<128x128xf32>
      %dot_general3A_2081 = arith.constant dense<0.000000e+00> : vector<1x128xf32>
      %dot_general3A_2082 = tpu.matmul %add3A_2067, %get3A_2080, %dot_general3A_2081 {dimension_numbers = #tpu.dot_dimension_numbers<[1], [0], [0], [1], [0, 0, 1, 1], [], []>, transpose_lhs_hint = false} : vector<1x128xf32>, vector<128x128xf32>, vector<1x128xf32> -> vector<1x128xf32>
      %slice3A_2083 = vector.extract_strided_slice %dot_general3A_1538 {offsets = [18, 0], sizes = [1, 128], strides = [1, 1]} : vector<32x128xf32> to vector<1x128xf32>
      %add3A_2084 = arith.addf %slice3A_2083, %dot_general3A_2082 : vector<1x128xf32>
      %logistic3A_2085 = arith.negf %add3A_2084 : vector<1x128xf32>
      %logistic3A_2086 = math.exp %logistic3A_2085 : vector<1x128xf32>
      %logistic3A_2087 = arith.constant 1.000000e+00 : f32
      %logistic3A_2088 = vector.broadcast %logistic3A_2087 : f32 to vector<1x128xf32>
      %logistic3A_2089 = arith.addf %logistic3A_2088, %logistic3A_2086 : vector<1x128xf32>
      %logistic3A_2090 = arith.divf %logistic3A_2088, %logistic3A_2089 : vector<1x128xf32>
      %slice3A_2091 = vector.extract_strided_slice %add3A_1530 {offsets = [18, 0], sizes = [1, 128], strides = [1, 1]} : vector<32x128xf32> to vector<1x128xf32>
      %mul3A_2092 = arith.mulf %logistic3A_2090, %slice3A_2091 : vector<1x128xf32>
      %sub3A_2093 = arith.constant 1.000000e+00 : f32
      %sub3A_2094 = vector.broadcast %sub3A_2093 : f32 to vector<1x128xf32>
      %sub3A_2095 = arith.subf %sub3A_2094, %logistic3A_2090 : vector<1x128xf32>
      %mul3A_2096 = arith.mulf %sub3A_2095, %add3A_2067 : vector<1x128xf32>
      %add3A_2097 = arith.addf %mul3A_2092, %mul3A_2096 : vector<1x128xf32>
      %ge3A_2098 = arith.constant 0.000000e+00 : f32
      %ge3A_2099 = vector.broadcast %ge3A_2098 : f32 to vector<1x128xf32>
      %ge3A_2100 = arith.cmpf oge, %add3A_2097, %ge3A_2099 : vector<1x128xf32>
      %mul3A_2101 = arith.constant 0.00999999977 : f32
      %mul3A_2102 = vector.broadcast %mul3A_2101 : f32 to vector<1x128xf32>
      %mul3A_2103 = arith.mulf %mul3A_2102, %add3A_2097 : vector<1x128xf32>
      %select_n3A_2104 = arith.select %ge3A_2100, %add3A_2097, %mul3A_2103 : vector<1x128xi1>, vector<1x128xf32>
      %swap3A_2105 = arith.constant 18 : index
      %swap3A_2106 = arith.constant 0 : index
      %swap3A_2107 = vector.load %arg14[%swap3A_2105, %swap3A_2106] : memref<32x128xf32, #tpu.memory_space<vmem>>, vector<1x128xf32>
      tpu.vector_store %arg14[%swap3A_2105, %swap3A_2106], %select_n3A_2104 {strides = array<i32>} : memref<32x128xf32, #tpu.memory_space<vmem>>, vector<1x128xf32>,
      %get3A_2108 = arith.constant 0 : index
      %get3A_2109 = arith.constant 0 : index
      %get3A_2110 = vector.load %arg8[%get3A_2108, %get3A_2109] : memref<128x128xf32, #tpu.memory_space<vmem>>, vector<128x128xf32>
      %dot_general3A_2111 = arith.constant dense<0.000000e+00> : vector<1x128xf32>
      %dot_general3A_2112 = tpu.matmul %add3A_2097, %get3A_2110, %dot_general3A_2111 {dimension_numbers = #tpu.dot_dimension_numbers<[1], [0], [0], [1], [0, 0, 1, 1], [], []>, transpose_lhs_hint = false} : vector<1x128xf32>, vector<128x128xf32>, vector<1x128xf32> -> vector<1x128xf32>
      %slice3A_2113 = vector.extract_strided_slice %dot_general3A_1538 {offsets = [19, 0], sizes = [1, 128], strides = [1, 1]} : vector<32x128xf32> to vector<1x128xf32>
      %add3A_2114 = arith.addf %slice3A_2113, %dot_general3A_2112 : vector<1x128xf32>
      %logistic3A_2115 = arith.negf %add3A_2114 : vector<1x128xf32>
      %logistic3A_2116 = math.exp %logistic3A_2115 : vector<1x128xf32>
      %logistic3A_2117 = arith.constant 1.000000e+00 : f32
      %logistic3A_2118 = vector.broadcast %logistic3A_2117 : f32 to vector<1x128xf32>
      %logistic3A_2119 = arith.addf %logistic3A_2118, %logistic3A_2116 : vector<1x128xf32>
      %logistic3A_2120 = arith.divf %logistic3A_2118, %logistic3A_2119 : vector<1x128xf32>
      %slice3A_2121 = vector.extract_strided_slice %add3A_1530 {offsets = [19, 0], sizes = [1, 128], strides = [1, 1]} : vector<32x128xf32> to vector<1x128xf32>
      %mul3A_2122 = arith.mulf %logistic3A_2120, %slice3A_2121 : vector<1x128xf32>
      %sub3A_2123 = arith.constant 1.000000e+00 : f32
      %sub3A_2124 = vector.broadcast %sub3A_2123 : f32 to vector<1x128xf32>
      %sub3A_2125 = arith.subf %sub3A_2124, %logistic3A_2120 : vector<1x128xf32>
      %mul3A_2126 = arith.mulf %sub3A_2125, %add3A_2097 : vector<1x128xf32>
      %add3A_2127 = arith.addf %mul3A_2122, %mul3A_2126 : vector<1x128xf32>
      %ge3A_2128 = arith.constant 0.000000e+00 : f32
      %ge3A_2129 = vector.broadcast %ge3A_2128 : f32 to vector<1x128xf32>
      %ge3A_2130 = arith.cmpf oge, %add3A_2127, %ge3A_2129 : vector<1x128xf32>
      %mul3A_2131 = arith.constant 0.00999999977 : f32
      %mul3A_2132 = vector.broadcast %mul3A_2131 : f32 to vector<1x128xf32>
      %mul3A_2133 = arith.mulf %mul3A_2132, %add3A_2127 : vector<1x128xf32>
      %select_n3A_2134 = arith.select %ge3A_2130, %add3A_2127, %mul3A_2133 : vector<1x128xi1>, vector<1x128xf32>
      %swap3A_2135 = arith.constant 19 : index
      %swap3A_2136 = arith.constant 0 : index
      %swap3A_2137 = vector.load %arg14[%swap3A_2135, %swap3A_2136] : memref<32x128xf32, #tpu.memory_space<vmem>>, vector<1x128xf32>
      tpu.vector_store %arg14[%swap3A_2135, %swap3A_2136], %select_n3A_2134 {strides = array<i32>} : memref<32x128xf32, #tpu.memory_space<vmem>>, vector<1x128xf32>,
      %get3A_2138 = arith.constant 0 : index
      %get3A_2139 = arith.constant 0 : index
      %get3A_2140 = vector.load %arg8[%get3A_2138, %get3A_2139] : memref<128x128xf32, #tpu.memory_space<vmem>>, vector<128x128xf32>
      %dot_general3A_2141 = arith.constant dense<0.000000e+00> : vector<1x128xf32>
      %dot_general3A_2142 = tpu.matmul %add3A_2127, %get3A_2140, %dot_general3A_2141 {dimension_numbers = #tpu.dot_dimension_numbers<[1], [0], [0], [1], [0, 0, 1, 1], [], []>, transpose_lhs_hint = false} : vector<1x128xf32>, vector<128x128xf32>, vector<1x128xf32> -> vector<1x128xf32>
      %slice3A_2143 = vector.extract_strided_slice %dot_general3A_1538 {offsets = [20, 0], sizes = [1, 128], strides = [1, 1]} : vector<32x128xf32> to vector<1x128xf32>
      %add3A_2144 = arith.addf %slice3A_2143, %dot_general3A_2142 : vector<1x128xf32>
      %logistic3A_2145 = arith.negf %add3A_2144 : vector<1x128xf32>
      %logistic3A_2146 = math.exp %logistic3A_2145 : vector<1x128xf32>
      %logistic3A_2147 = arith.constant 1.000000e+00 : f32
      %logistic3A_2148 = vector.broadcast %logistic3A_2147 : f32 to vector<1x128xf32>
      %logistic3A_2149 = arith.addf %logistic3A_2148, %logistic3A_2146 : vector<1x128xf32>
      %logistic3A_2150 = arith.divf %logistic3A_2148, %logistic3A_2149 : vector<1x128xf32>
      %slice3A_2151 = vector.extract_strided_slice %add3A_1530 {offsets = [20, 0], sizes = [1, 128], strides = [1, 1]} : vector<32x128xf32> to vector<1x128xf32>
      %mul3A_2152 = arith.mulf %logistic3A_2150, %slice3A_2151 : vector<1x128xf32>
      %sub3A_2153 = arith.constant 1.000000e+00 : f32
      %sub3A_2154 = vector.broadcast %sub3A_2153 : f32 to vector<1x128xf32>
      %sub3A_2155 = arith.subf %sub3A_2154, %logistic3A_2150 : vector<1x128xf32>
      %mul3A_2156 = arith.mulf %sub3A_2155, %add3A_2127 : vector<1x128xf32>
      %add3A_2157 = arith.addf %mul3A_2152, %mul3A_2156 : vector<1x128xf32>
      %ge3A_2158 = arith.constant 0.000000e+00 : f32
      %ge3A_2159 = vector.broadcast %ge3A_2158 : f32 to vector<1x128xf32>
      %ge3A_2160 = arith.cmpf oge, %add3A_2157, %ge3A_2159 : vector<1x128xf32>
      %mul3A_2161 = arith.constant 0.00999999977 : f32
      %mul3A_2162 = vector.broadcast %mul3A_2161 : f32 to vector<1x128xf32>
      %mul3A_2163 = arith.mulf %mul3A_2162, %add3A_2157 : vector<1x128xf32>
      %select_n3A_2164 = arith.select %ge3A_2160, %add3A_2157, %mul3A_2163 : vector<1x128xi1>, vector<1x128xf32>
      %swap3A_2165 = arith.constant 20 : index
      %swap3A_2166 = arith.constant 0 : index
      %swap3A_2167 = vector.load %arg14[%swap3A_2165, %swap3A_2166] : memref<32x128xf32, #tpu.memory_space<vmem>>, vector<1x128xf32>
      tpu.vector_store %arg14[%swap3A_2165, %swap3A_2166], %select_n3A_2164 {strides = array<i32>} : memref<32x128xf32, #tpu.memory_space<vmem>>, vector<1x128xf32>,
      %get3A_2168 = arith.constant 0 : index
      %get3A_2169 = arith.constant 0 : index
      %get3A_2170 = vector.load %arg8[%get3A_2168, %get3A_2169] : memref<128x128xf32, #tpu.memory_space<vmem>>, vector<128x128xf32>
      %dot_general3A_2171 = arith.constant dense<0.000000e+00> : vector<1x128xf32>
      %dot_general3A_2172 = tpu.matmul %add3A_2157, %get3A_2170, %dot_general3A_2171 {dimension_numbers = #tpu.dot_dimension_numbers<[1], [0], [0], [1], [0, 0, 1, 1], [], []>, transpose_lhs_hint = false} : vector<1x128xf32>, vector<128x128xf32>, vector<1x128xf32> -> vector<1x128xf32>
      %slice3A_2173 = vector.extract_strided_slice %dot_general3A_1538 {offsets = [21, 0], sizes = [1, 128], strides = [1, 1]} : vector<32x128xf32> to vector<1x128xf32>
      %add3A_2174 = arith.addf %slice3A_2173, %dot_general3A_2172 : vector<1x128xf32>
      %logistic3A_2175 = arith.negf %add3A_2174 : vector<1x128xf32>
      %logistic3A_2176 = math.exp %logistic3A_2175 : vector<1x128xf32>
      %logistic3A_2177 = arith.constant 1.000000e+00 : f32
      %logistic3A_2178 = vector.broadcast %logistic3A_2177 : f32 to vector<1x128xf32>
      %logistic3A_2179 = arith.addf %logistic3A_2178, %logistic3A_2176 : vector<1x128xf32>
      %logistic3A_2180 = arith.divf %logistic3A_2178, %logistic3A_2179 : vector<1x128xf32>
      %slice3A_2181 = vector.extract_strided_slice %add3A_1530 {offsets = [21, 0], sizes = [1, 128], strides = [1, 1]} : vector<32x128xf32> to vector<1x128xf32>
      %mul3A_2182 = arith.mulf %logistic3A_2180, %slice3A_2181 : vector<1x128xf32>
      %sub3A_2183 = arith.constant 1.000000e+00 : f32
      %sub3A_2184 = vector.broadcast %sub3A_2183 : f32 to vector<1x128xf32>
      %sub3A_2185 = arith.subf %sub3A_2184, %logistic3A_2180 : vector<1x128xf32>
      %mul3A_2186 = arith.mulf %sub3A_2185, %add3A_2157 : vector<1x128xf32>
      %add3A_2187 = arith.addf %mul3A_2182, %mul3A_2186 : vector<1x128xf32>
      %ge3A_2188 = arith.constant 0.000000e+00 : f32
      %ge3A_2189 = vector.broadcast %ge3A_2188 : f32 to vector<1x128xf32>
      %ge3A_2190 = arith.cmpf oge, %add3A_2187, %ge3A_2189 : vector<1x128xf32>
      %mul3A_2191 = arith.constant 0.00999999977 : f32
      %mul3A_2192 = vector.broadcast %mul3A_2191 : f32 to vector<1x128xf32>
      %mul3A_2193 = arith.mulf %mul3A_2192, %add3A_2187 : vector<1x128xf32>
      %select_n3A_2194 = arith.select %ge3A_2190, %add3A_2187, %mul3A_2193 : vector<1x128xi1>, vector<1x128xf32>
      %swap3A_2195 = arith.constant 21 : index
      %swap3A_2196 = arith.constant 0 : index
      %swap3A_2197 = vector.load %arg14[%swap3A_2195, %swap3A_2196] : memref<32x128xf32, #tpu.memory_space<vmem>>, vector<1x128xf32>
      tpu.vector_store %arg14[%swap3A_2195, %swap3A_2196], %select_n3A_2194 {strides = array<i32>} : memref<32x128xf32, #tpu.memory_space<vmem>>, vector<1x128xf32>,
      %get3A_2198 = arith.constant 0 : index
      %get3A_2199 = arith.constant 0 : index
      %get3A_2200 = vector.load %arg8[%get3A_2198, %get3A_2199] : memref<128x128xf32, #tpu.memory_space<vmem>>, vector<128x128xf32>
      %dot_general3A_2201 = arith.constant dense<0.000000e+00> : vector<1x128xf32>
      %dot_general3A_2202 = tpu.matmul %add3A_2187, %get3A_2200, %dot_general3A_2201 {dimension_numbers = #tpu.dot_dimension_numbers<[1], [0], [0], [1], [0, 0, 1, 1], [], []>, transpose_lhs_hint = false} : vector<1x128xf32>, vector<128x128xf32>, vector<1x128xf32> -> vector<1x128xf32>
      %slice3A_2203 = vector.extract_strided_slice %dot_general3A_1538 {offsets = [22, 0], sizes = [1, 128], strides = [1, 1]} : vector<32x128xf32> to vector<1x128xf32>
      %add3A_2204 = arith.addf %slice3A_2203, %dot_general3A_2202 : vector<1x128xf32>
      %logistic3A_2205 = arith.negf %add3A_2204 : vector<1x128xf32>
      %logistic3A_2206 = math.exp %logistic3A_2205 : vector<1x128xf32>
      %logistic3A_2207 = arith.constant 1.000000e+00 : f32
      %logistic3A_2208 = vector.broadcast %logistic3A_2207 : f32 to vector<1x128xf32>
      %logistic3A_2209 = arith.addf %logistic3A_2208, %logistic3A_2206 : vector<1x128xf32>
      %logistic3A_2210 = arith.divf %logistic3A_2208, %logistic3A_2209 : vector<1x128xf32>
      %slice3A_2211 = vector.extract_strided_slice %add3A_1530 {offsets = [22, 0], sizes = [1, 128], strides = [1, 1]} : vector<32x128xf32> to vector<1x128xf32>
      %mul3A_2212 = arith.mulf %logistic3A_2210, %slice3A_2211 : vector<1x128xf32>
      %sub3A_2213 = arith.constant 1.000000e+00 : f32
      %sub3A_2214 = vector.broadcast %sub3A_2213 : f32 to vector<1x128xf32>
      %sub3A_2215 = arith.subf %sub3A_2214, %logistic3A_2210 : vector<1x128xf32>
      %mul3A_2216 = arith.mulf %sub3A_2215, %add3A_2187 : vector<1x128xf32>
      %add3A_2217 = arith.addf %mul3A_2212, %mul3A_2216 : vector<1x128xf32>
      %ge3A_2218 = arith.constant 0.000000e+00 : f32
      %ge3A_2219 = vector.broadcast %ge3A_2218 : f32 to vector<1x128xf32>
      %ge3A_2220 = arith.cmpf oge, %add3A_2217, %ge3A_2219 : vector<1x128xf32>
      %mul3A_2221 = arith.constant 0.00999999977 : f32
      %mul3A_2222 = vector.broadcast %mul3A_2221 : f32 to vector<1x128xf32>
      %mul3A_2223 = arith.mulf %mul3A_2222, %add3A_2217 : vector<1x128xf32>
      %select_n3A_2224 = arith.select %ge3A_2220, %add3A_2217, %mul3A_2223 : vector<1x128xi1>, vector<1x128xf32>
      %swap3A_2225 = arith.constant 22 : index
      %swap3A_2226 = arith.constant 0 : index
      %swap3A_2227 = vector.load %arg14[%swap3A_2225, %swap3A_2226] : memref<32x128xf32, #tpu.memory_space<vmem>>, vector<1x128xf32>
      tpu.vector_store %arg14[%swap3A_2225, %swap3A_2226], %select_n3A_2224 {strides = array<i32>} : memref<32x128xf32, #tpu.memory_space<vmem>>, vector<1x128xf32>,
      %get3A_2228 = arith.constant 0 : index
      %get3A_2229 = arith.constant 0 : index
      %get3A_2230 = vector.load %arg8[%get3A_2228, %get3A_2229] : memref<128x128xf32, #tpu.memory_space<vmem>>, vector<128x128xf32>
      %dot_general3A_2231 = arith.constant dense<0.000000e+00> : vector<1x128xf32>
      %dot_general3A_2232 = tpu.matmul %add3A_2217, %get3A_2230, %dot_general3A_2231 {dimension_numbers = #tpu.dot_dimension_numbers<[1], [0], [0], [1], [0, 0, 1, 1], [], []>, transpose_lhs_hint = false} : vector<1x128xf32>, vector<128x128xf32>, vector<1x128xf32> -> vector<1x128xf32>
      %slice3A_2233 = vector.extract_strided_slice %dot_general3A_1538 {offsets = [23, 0], sizes = [1, 128], strides = [1, 1]} : vector<32x128xf32> to vector<1x128xf32>
      %add3A_2234 = arith.addf %slice3A_2233, %dot_general3A_2232 : vector<1x128xf32>
      %logistic3A_2235 = arith.negf %add3A_2234 : vector<1x128xf32>
      %logistic3A_2236 = math.exp %logistic3A_2235 : vector<1x128xf32>
      %logistic3A_2237 = arith.constant 1.000000e+00 : f32
      %logistic3A_2238 = vector.broadcast %logistic3A_2237 : f32 to vector<1x128xf32>
      %logistic3A_2239 = arith.addf %logistic3A_2238, %logistic3A_2236 : vector<1x128xf32>
      %logistic3A_2240 = arith.divf %logistic3A_2238, %logistic3A_2239 : vector<1x128xf32>
      %slice3A_2241 = vector.extract_strided_slice %add3A_1530 {offsets = [23, 0], sizes = [1, 128], strides = [1, 1]} : vector<32x128xf32> to vector<1x128xf32>
      %mul3A_2242 = arith.mulf %logistic3A_2240, %slice3A_2241 : vector<1x128xf32>
      %sub3A_2243 = arith.constant 1.000000e+00 : f32
      %sub3A_2244 = vector.broadcast %sub3A_2243 : f32 to vector<1x128xf32>
      %sub3A_2245 = arith.subf %sub3A_2244, %logistic3A_2240 : vector<1x128xf32>
      %mul3A_2246 = arith.mulf %sub3A_2245, %add3A_2217 : vector<1x128xf32>
      %add3A_2247 = arith.addf %mul3A_2242, %mul3A_2246 : vector<1x128xf32>
      %ge3A_2248 = arith.constant 0.000000e+00 : f32
      %ge3A_2249 = vector.broadcast %ge3A_2248 : f32 to vector<1x128xf32>
      %ge3A_2250 = arith.cmpf oge, %add3A_2247, %ge3A_2249 : vector<1x128xf32>
      %mul3A_2251 = arith.constant 0.00999999977 : f32
      %mul3A_2252 = vector.broadcast %mul3A_2251 : f32 to vector<1x128xf32>
      %mul3A_2253 = arith.mulf %mul3A_2252, %add3A_2247 : vector<1x128xf32>
      %select_n3A_2254 = arith.select %ge3A_2250, %add3A_2247, %mul3A_2253 : vector<1x128xi1>, vector<1x128xf32>
      %swap3A_2255 = arith.constant 23 : index
      %swap3A_2256 = arith.constant 0 : index
      %swap3A_2257 = vector.load %arg14[%swap3A_2255, %swap3A_2256] : memref<32x128xf32, #tpu.memory_space<vmem>>, vector<1x128xf32>
      tpu.vector_store %arg14[%swap3A_2255, %swap3A_2256], %select_n3A_2254 {strides = array<i32>} : memref<32x128xf32, #tpu.memory_space<vmem>>, vector<1x128xf32>,
      %get3A_2258 = arith.constant 0 : index
      %get3A_2259 = arith.constant 0 : index
      %get3A_2260 = vector.load %arg8[%get3A_2258, %get3A_2259] : memref<128x128xf32, #tpu.memory_space<vmem>>, vector<128x128xf32>
      %dot_general3A_2261 = arith.constant dense<0.000000e+00> : vector<1x128xf32>
      %dot_general3A_2262 = tpu.matmul %add3A_2247, %get3A_2260, %dot_general3A_2261 {dimension_numbers = #tpu.dot_dimension_numbers<[1], [0], [0], [1], [0, 0, 1, 1], [], []>, transpose_lhs_hint = false} : vector<1x128xf32>, vector<128x128xf32>, vector<1x128xf32> -> vector<1x128xf32>
      %slice3A_2263 = vector.extract_strided_slice %dot_general3A_1538 {offsets = [24, 0], sizes = [1, 128], strides = [1, 1]} : vector<32x128xf32> to vector<1x128xf32>
      %add3A_2264 = arith.addf %slice3A_2263, %dot_general3A_2262 : vector<1x128xf32>
      %logistic3A_2265 = arith.negf %add3A_2264 : vector<1x128xf32>
      %logistic3A_2266 = math.exp %logistic3A_2265 : vector<1x128xf32>
      %logistic3A_2267 = arith.constant 1.000000e+00 : f32
      %logistic3A_2268 = vector.broadcast %logistic3A_2267 : f32 to vector<1x128xf32>
      %logistic3A_2269 = arith.addf %logistic3A_2268, %logistic3A_2266 : vector<1x128xf32>
      %logistic3A_2270 = arith.divf %logistic3A_2268, %logistic3A_2269 : vector<1x128xf32>
      %slice3A_2271 = vector.extract_strided_slice %add3A_1530 {offsets = [24, 0], sizes = [1, 128], strides = [1, 1]} : vector<32x128xf32> to vector<1x128xf32>
      %mul3A_2272 = arith.mulf %logistic3A_2270, %slice3A_2271 : vector<1x128xf32>
      %sub3A_2273 = arith.constant 1.000000e+00 : f32
      %sub3A_2274 = vector.broadcast %sub3A_2273 : f32 to vector<1x128xf32>
      %sub3A_2275 = arith.subf %sub3A_2274, %logistic3A_2270 : vector<1x128xf32>
      %mul3A_2276 = arith.mulf %sub3A_2275, %add3A_2247 : vector<1x128xf32>
      %add3A_2277 = arith.addf %mul3A_2272, %mul3A_2276 : vector<1x128xf32>
      %ge3A_2278 = arith.constant 0.000000e+00 : f32
      %ge3A_2279 = vector.broadcast %ge3A_2278 : f32 to vector<1x128xf32>
      %ge3A_2280 = arith.cmpf oge, %add3A_2277, %ge3A_2279 : vector<1x128xf32>
      %mul3A_2281 = arith.constant 0.00999999977 : f32
      %mul3A_2282 = vector.broadcast %mul3A_2281 : f32 to vector<1x128xf32>
      %mul3A_2283 = arith.mulf %mul3A_2282, %add3A_2277 : vector<1x128xf32>
      %select_n3A_2284 = arith.select %ge3A_2280, %add3A_2277, %mul3A_2283 : vector<1x128xi1>, vector<1x128xf32>
      %swap3A_2285 = arith.constant 24 : index
      %swap3A_2286 = arith.constant 0 : index
      %swap3A_2287 = vector.load %arg14[%swap3A_2285, %swap3A_2286] : memref<32x128xf32, #tpu.memory_space<vmem>>, vector<1x128xf32>
      tpu.vector_store %arg14[%swap3A_2285, %swap3A_2286], %select_n3A_2284 {strides = array<i32>} : memref<32x128xf32, #tpu.memory_space<vmem>>, vector<1x128xf32>,
      %get3A_2288 = arith.constant 0 : index
      %get3A_2289 = arith.constant 0 : index
      %get3A_2290 = vector.load %arg8[%get3A_2288, %get3A_2289] : memref<128x128xf32, #tpu.memory_space<vmem>>, vector<128x128xf32>
      %dot_general3A_2291 = arith.constant dense<0.000000e+00> : vector<1x128xf32>
      %dot_general3A_2292 = tpu.matmul %add3A_2277, %get3A_2290, %dot_general3A_2291 {dimension_numbers = #tpu.dot_dimension_numbers<[1], [0], [0], [1], [0, 0, 1, 1], [], []>, transpose_lhs_hint = false} : vector<1x128xf32>, vector<128x128xf32>, vector<1x128xf32> -> vector<1x128xf32>
      %slice3A_2293 = vector.extract_strided_slice %dot_general3A_1538 {offsets = [25, 0], sizes = [1, 128], strides = [1, 1]} : vector<32x128xf32> to vector<1x128xf32>
      %add3A_2294 = arith.addf %slice3A_2293, %dot_general3A_2292 : vector<1x128xf32>
      %logistic3A_2295 = arith.negf %add3A_2294 : vector<1x128xf32>
      %logistic3A_2296 = math.exp %logistic3A_2295 : vector<1x128xf32>
      %logistic3A_2297 = arith.constant 1.000000e+00 : f32
      %logistic3A_2298 = vector.broadcast %logistic3A_2297 : f32 to vector<1x128xf32>
      %logistic3A_2299 = arith.addf %logistic3A_2298, %logistic3A_2296 : vector<1x128xf32>
      %logistic3A_2300 = arith.divf %logistic3A_2298, %logistic3A_2299 : vector<1x128xf32>
      %slice3A_2301 = vector.extract_strided_slice %add3A_1530 {offsets = [25, 0], sizes = [1, 128], strides = [1, 1]} : vector<32x128xf32> to vector<1x128xf32>
      %mul3A_2302 = arith.mulf %logistic3A_2300, %slice3A_2301 : vector<1x128xf32>
      %sub3A_2303 = arith.constant 1.000000e+00 : f32
      %sub3A_2304 = vector.broadcast %sub3A_2303 : f32 to vector<1x128xf32>
      %sub3A_2305 = arith.subf %sub3A_2304, %logistic3A_2300 : vector<1x128xf32>
      %mul3A_2306 = arith.mulf %sub3A_2305, %add3A_2277 : vector<1x128xf32>
      %add3A_2307 = arith.addf %mul3A_2302, %mul3A_2306 : vector<1x128xf32>
      %ge3A_2308 = arith.constant 0.000000e+00 : f32
      %ge3A_2309 = vector.broadcast %ge3A_2308 : f32 to vector<1x128xf32>
      %ge3A_2310 = arith.cmpf oge, %add3A_2307, %ge3A_2309 : vector<1x128xf32>
      %mul3A_2311 = arith.constant 0.00999999977 : f32
      %mul3A_2312 = vector.broadcast %mul3A_2311 : f32 to vector<1x128xf32>
      %mul3A_2313 = arith.mulf %mul3A_2312, %add3A_2307 : vector<1x128xf32>
      %select_n3A_2314 = arith.select %ge3A_2310, %add3A_2307, %mul3A_2313 : vector<1x128xi1>, vector<1x128xf32>
      %swap3A_2315 = arith.constant 25 : index
      %swap3A_2316 = arith.constant 0 : index
      %swap3A_2317 = vector.load %arg14[%swap3A_2315, %swap3A_2316] : memref<32x128xf32, #tpu.memory_space<vmem>>, vector<1x128xf32>
      tpu.vector_store %arg14[%swap3A_2315, %swap3A_2316], %select_n3A_2314 {strides = array<i32>} : memref<32x128xf32, #tpu.memory_space<vmem>>, vector<1x128xf32>,
      %get3A_2318 = arith.constant 0 : index
      %get3A_2319 = arith.constant 0 : index
      %get3A_2320 = vector.load %arg8[%get3A_2318, %get3A_2319] : memref<128x128xf32, #tpu.memory_space<vmem>>, vector<128x128xf32>
      %dot_general3A_2321 = arith.constant dense<0.000000e+00> : vector<1x128xf32>
      %dot_general3A_2322 = tpu.matmul %add3A_2307, %get3A_2320, %dot_general3A_2321 {dimension_numbers = #tpu.dot_dimension_numbers<[1], [0], [0], [1], [0, 0, 1, 1], [], []>, transpose_lhs_hint = false} : vector<1x128xf32>, vector<128x128xf32>, vector<1x128xf32> -> vector<1x128xf32>
      %slice3A_2323 = vector.extract_strided_slice %dot_general3A_1538 {offsets = [26, 0], sizes = [1, 128], strides = [1, 1]} : vector<32x128xf32> to vector<1x128xf32>
      %add3A_2324 = arith.addf %slice3A_2323, %dot_general3A_2322 : vector<1x128xf32>
      %logistic3A_2325 = arith.negf %add3A_2324 : vector<1x128xf32>
      %logistic3A_2326 = math.exp %logistic3A_2325 : vector<1x128xf32>
      %logistic3A_2327 = arith.constant 1.000000e+00 : f32
      %logistic3A_2328 = vector.broadcast %logistic3A_2327 : f32 to vector<1x128xf32>
      %logistic3A_2329 = arith.addf %logistic3A_2328, %logistic3A_2326 : vector<1x128xf32>
      %logistic3A_2330 = arith.divf %logistic3A_2328, %logistic3A_2329 : vector<1x128xf32>
      %slice3A_2331 = vector.extract_strided_slice %add3A_1530 {offsets = [26, 0], sizes = [1, 128], strides = [1, 1]} : vector<32x128xf32> to vector<1x128xf32>
      %mul3A_2332 = arith.mulf %logistic3A_2330, %slice3A_2331 : vector<1x128xf32>
      %sub3A_2333 = arith.constant 1.000000e+00 : f32
      %sub3A_2334 = vector.broadcast %sub3A_2333 : f32 to vector<1x128xf32>
      %sub3A_2335 = arith.subf %sub3A_2334, %logistic3A_2330 : vector<1x128xf32>
      %mul3A_2336 = arith.mulf %sub3A_2335, %add3A_2307 : vector<1x128xf32>
      %add3A_2337 = arith.addf %mul3A_2332, %mul3A_2336 : vector<1x128xf32>
      %ge3A_2338 = arith.constant 0.000000e+00 : f32
      %ge3A_2339 = vector.broadcast %ge3A_2338 : f32 to vector<1x128xf32>
      %ge3A_2340 = arith.cmpf oge, %add3A_2337, %ge3A_2339 : vector<1x128xf32>
      %mul3A_2341 = arith.constant 0.00999999977 : f32
      %mul3A_2342 = vector.broadcast %mul3A_2341 : f32 to vector<1x128xf32>
      %mul3A_2343 = arith.mulf %mul3A_2342, %add3A_2337 : vector<1x128xf32>
      %select_n3A_2344 = arith.select %ge3A_2340, %add3A_2337, %mul3A_2343 : vector<1x128xi1>, vector<1x128xf32>
      %swap3A_2345 = arith.constant 26 : index
      %swap3A_2346 = arith.constant 0 : index
      %swap3A_2347 = vector.load %arg14[%swap3A_2345, %swap3A_2346] : memref<32x128xf32, #tpu.memory_space<vmem>>, vector<1x128xf32>
      tpu.vector_store %arg14[%swap3A_2345, %swap3A_2346], %select_n3A_2344 {strides = array<i32>} : memref<32x128xf32, #tpu.memory_space<vmem>>, vector<1x128xf32>,
      %get3A_2348 = arith.constant 0 : index
      %get3A_2349 = arith.constant 0 : index
      %get3A_2350 = vector.load %arg8[%get3A_2348, %get3A_2349] : memref<128x128xf32, #tpu.memory_space<vmem>>, vector<128x128xf32>
      %dot_general3A_2351 = arith.constant dense<0.000000e+00> : vector<1x128xf32>
      %dot_general3A_2352 = tpu.matmul %add3A_2337, %get3A_2350, %dot_general3A_2351 {dimension_numbers = #tpu.dot_dimension_numbers<[1], [0], [0], [1], [0, 0, 1, 1], [], []>, transpose_lhs_hint = false} : vector<1x128xf32>, vector<128x128xf32>, vector<1x128xf32> -> vector<1x128xf32>
      %slice3A_2353 = vector.extract_strided_slice %dot_general3A_1538 {offsets = [27, 0], sizes = [1, 128], strides = [1, 1]} : vector<32x128xf32> to vector<1x128xf32>
      %add3A_2354 = arith.addf %slice3A_2353, %dot_general3A_2352 : vector<1x128xf32>
      %logistic3A_2355 = arith.negf %add3A_2354 : vector<1x128xf32>
      %logistic3A_2356 = math.exp %logistic3A_2355 : vector<1x128xf32>
      %logistic3A_2357 = arith.constant 1.000000e+00 : f32
      %logistic3A_2358 = vector.broadcast %logistic3A_2357 : f32 to vector<1x128xf32>
      %logistic3A_2359 = arith.addf %logistic3A_2358, %logistic3A_2356 : vector<1x128xf32>
      %logistic3A_2360 = arith.divf %logistic3A_2358, %logistic3A_2359 : vector<1x128xf32>
      %slice3A_2361 = vector.extract_strided_slice %add3A_1530 {offsets = [27, 0], sizes = [1, 128], strides = [1, 1]} : vector<32x128xf32> to vector<1x128xf32>
      %mul3A_2362 = arith.mulf %logistic3A_2360, %slice3A_2361 : vector<1x128xf32>
      %sub3A_2363 = arith.constant 1.000000e+00 : f32
      %sub3A_2364 = vector.broadcast %sub3A_2363 : f32 to vector<1x128xf32>
      %sub3A_2365 = arith.subf %sub3A_2364, %logistic3A_2360 : vector<1x128xf32>
      %mul3A_2366 = arith.mulf %sub3A_2365, %add3A_2337 : vector<1x128xf32>
      %add3A_2367 = arith.addf %mul3A_2362, %mul3A_2366 : vector<1x128xf32>
      %ge3A_2368 = arith.constant 0.000000e+00 : f32
      %ge3A_2369 = vector.broadcast %ge3A_2368 : f32 to vector<1x128xf32>
      %ge3A_2370 = arith.cmpf oge, %add3A_2367, %ge3A_2369 : vector<1x128xf32>
      %mul3A_2371 = arith.constant 0.00999999977 : f32
      %mul3A_2372 = vector.broadcast %mul3A_2371 : f32 to vector<1x128xf32>
      %mul3A_2373 = arith.mulf %mul3A_2372, %add3A_2367 : vector<1x128xf32>
      %select_n3A_2374 = arith.select %ge3A_2370, %add3A_2367, %mul3A_2373 : vector<1x128xi1>, vector<1x128xf32>
      %swap3A_2375 = arith.constant 27 : index
      %swap3A_2376 = arith.constant 0 : index
      %swap3A_2377 = vector.load %arg14[%swap3A_2375, %swap3A_2376] : memref<32x128xf32, #tpu.memory_space<vmem>>, vector<1x128xf32>
      tpu.vector_store %arg14[%swap3A_2375, %swap3A_2376], %select_n3A_2374 {strides = array<i32>} : memref<32x128xf32, #tpu.memory_space<vmem>>, vector<1x128xf32>,
      %get3A_2378 = arith.constant 0 : index
      %get3A_2379 = arith.constant 0 : index
      %get3A_2380 = vector.load %arg8[%get3A_2378, %get3A_2379] : memref<128x128xf32, #tpu.memory_space<vmem>>, vector<128x128xf32>
      %dot_general3A_2381 = arith.constant dense<0.000000e+00> : vector<1x128xf32>
      %dot_general3A_2382 = tpu.matmul %add3A_2367, %get3A_2380, %dot_general3A_2381 {dimension_numbers = #tpu.dot_dimension_numbers<[1], [0], [0], [1], [0, 0, 1, 1], [], []>, transpose_lhs_hint = false} : vector<1x128xf32>, vector<128x128xf32>, vector<1x128xf32> -> vector<1x128xf32>
      %slice3A_2383 = vector.extract_strided_slice %dot_general3A_1538 {offsets = [28, 0], sizes = [1, 128], strides = [1, 1]} : vector<32x128xf32> to vector<1x128xf32>
      %add3A_2384 = arith.addf %slice3A_2383, %dot_general3A_2382 : vector<1x128xf32>
      %logistic3A_2385 = arith.negf %add3A_2384 : vector<1x128xf32>
      %logistic3A_2386 = math.exp %logistic3A_2385 : vector<1x128xf32>
      %logistic3A_2387 = arith.constant 1.000000e+00 : f32
      %logistic3A_2388 = vector.broadcast %logistic3A_2387 : f32 to vector<1x128xf32>
      %logistic3A_2389 = arith.addf %logistic3A_2388, %logistic3A_2386 : vector<1x128xf32>
      %logistic3A_2390 = arith.divf %logistic3A_2388, %logistic3A_2389 : vector<1x128xf32>
      %slice3A_2391 = vector.extract_strided_slice %add3A_1530 {offsets = [28, 0], sizes = [1, 128], strides = [1, 1]} : vector<32x128xf32> to vector<1x128xf32>
      %mul3A_2392 = arith.mulf %logistic3A_2390, %slice3A_2391 : vector<1x128xf32>
      %sub3A_2393 = arith.constant 1.000000e+00 : f32
      %sub3A_2394 = vector.broadcast %sub3A_2393 : f32 to vector<1x128xf32>
      %sub3A_2395 = arith.subf %sub3A_2394, %logistic3A_2390 : vector<1x128xf32>
      %mul3A_2396 = arith.mulf %sub3A_2395, %add3A_2367 : vector<1x128xf32>
      %add3A_2397 = arith.addf %mul3A_2392, %mul3A_2396 : vector<1x128xf32>
      %ge3A_2398 = arith.constant 0.000000e+00 : f32
      %ge3A_2399 = vector.broadcast %ge3A_2398 : f32 to vector<1x128xf32>
      %ge3A_2400 = arith.cmpf oge, %add3A_2397, %ge3A_2399 : vector<1x128xf32>
      %mul3A_2401 = arith.constant 0.00999999977 : f32
      %mul3A_2402 = vector.broadcast %mul3A_2401 : f32 to vector<1x128xf32>
      %mul3A_2403 = arith.mulf %mul3A_2402, %add3A_2397 : vector<1x128xf32>
      %select_n3A_2404 = arith.select %ge3A_2400, %add3A_2397, %mul3A_2403 : vector<1x128xi1>, vector<1x128xf32>
      %swap3A_2405 = arith.constant 28 : index
      %swap3A_2406 = arith.constant 0 : index
      %swap3A_2407 = vector.load %arg14[%swap3A_2405, %swap3A_2406] : memref<32x128xf32, #tpu.memory_space<vmem>>, vector<1x128xf32>
      tpu.vector_store %arg14[%swap3A_2405, %swap3A_2406], %select_n3A_2404 {strides = array<i32>} : memref<32x128xf32, #tpu.memory_space<vmem>>, vector<1x128xf32>,
      %get3A_2408 = arith.constant 0 : index
      %get3A_2409 = arith.constant 0 : index
      %get3A_2410 = vector.load %arg8[%get3A_2408, %get3A_2409] : memref<128x128xf32, #tpu.memory_space<vmem>>, vector<128x128xf32>
      %dot_general3A_2411 = arith.constant dense<0.000000e+00> : vector<1x128xf32>
      %dot_general3A_2412 = tpu.matmul %add3A_2397, %get3A_2410, %dot_general3A_2411 {dimension_numbers = #tpu.dot_dimension_numbers<[1], [0], [0], [1], [0, 0, 1, 1], [], []>, transpose_lhs_hint = false} : vector<1x128xf32>, vector<128x128xf32>, vector<1x128xf32> -> vector<1x128xf32>
      %slice3A_2413 = vector.extract_strided_slice %dot_general3A_1538 {offsets = [29, 0], sizes = [1, 128], strides = [1, 1]} : vector<32x128xf32> to vector<1x128xf32>
      %add3A_2414 = arith.addf %slice3A_2413, %dot_general3A_2412 : vector<1x128xf32>
      %logistic3A_2415 = arith.negf %add3A_2414 : vector<1x128xf32>
      %logistic3A_2416 = math.exp %logistic3A_2415 : vector<1x128xf32>
      %logistic3A_2417 = arith.constant 1.000000e+00 : f32
      %logistic3A_2418 = vector.broadcast %logistic3A_2417 : f32 to vector<1x128xf32>
      %logistic3A_2419 = arith.addf %logistic3A_2418, %logistic3A_2416 : vector<1x128xf32>
      %logistic3A_2420 = arith.divf %logistic3A_2418, %logistic3A_2419 : vector<1x128xf32>
      %slice3A_2421 = vector.extract_strided_slice %add3A_1530 {offsets = [29, 0], sizes = [1, 128], strides = [1, 1]} : vector<32x128xf32> to vector<1x128xf32>
      %mul3A_2422 = arith.mulf %logistic3A_2420, %slice3A_2421 : vector<1x128xf32>
      %sub3A_2423 = arith.constant 1.000000e+00 : f32
      %sub3A_2424 = vector.broadcast %sub3A_2423 : f32 to vector<1x128xf32>
      %sub3A_2425 = arith.subf %sub3A_2424, %logistic3A_2420 : vector<1x128xf32>
      %mul3A_2426 = arith.mulf %sub3A_2425, %add3A_2397 : vector<1x128xf32>
      %add3A_2427 = arith.addf %mul3A_2422, %mul3A_2426 : vector<1x128xf32>
      %ge3A_2428 = arith.constant 0.000000e+00 : f32
      %ge3A_2429 = vector.broadcast %ge3A_2428 : f32 to vector<1x128xf32>
      %ge3A_2430 = arith.cmpf oge, %add3A_2427, %ge3A_2429 : vector<1x128xf32>
      %mul3A_2431 = arith.constant 0.00999999977 : f32
      %mul3A_2432 = vector.broadcast %mul3A_2431 : f32 to vector<1x128xf32>
      %mul3A_2433 = arith.mulf %mul3A_2432, %add3A_2427 : vector<1x128xf32>
      %select_n3A_2434 = arith.select %ge3A_2430, %add3A_2427, %mul3A_2433 : vector<1x128xi1>, vector<1x128xf32>
      %swap3A_2435 = arith.constant 29 : index
      %swap3A_2436 = arith.constant 0 : index
      %swap3A_2437 = vector.load %arg14[%swap3A_2435, %swap3A_2436] : memref<32x128xf32, #tpu.memory_space<vmem>>, vector<1x128xf32>
      tpu.vector_store %arg14[%swap3A_2435, %swap3A_2436], %select_n3A_2434 {strides = array<i32>} : memref<32x128xf32, #tpu.memory_space<vmem>>, vector<1x128xf32>,
      %get3A_2438 = arith.constant 0 : index
      %get3A_2439 = arith.constant 0 : index
      %get3A_2440 = vector.load %arg8[%get3A_2438, %get3A_2439] : memref<128x128xf32, #tpu.memory_space<vmem>>, vector<128x128xf32>
      %dot_general3A_2441 = arith.constant dense<0.000000e+00> : vector<1x128xf32>
      %dot_general3A_2442 = tpu.matmul %add3A_2427, %get3A_2440, %dot_general3A_2441 {dimension_numbers = #tpu.dot_dimension_numbers<[1], [0], [0], [1], [0, 0, 1, 1], [], []>, transpose_lhs_hint = false} : vector<1x128xf32>, vector<128x128xf32>, vector<1x128xf32> -> vector<1x128xf32>
      %slice3A_2443 = vector.extract_strided_slice %dot_general3A_1538 {offsets = [30, 0], sizes = [1, 128], strides = [1, 1]} : vector<32x128xf32> to vector<1x128xf32>
      %add3A_2444 = arith.addf %slice3A_2443, %dot_general3A_2442 : vector<1x128xf32>
      %logistic3A_2445 = arith.negf %add3A_2444 : vector<1x128xf32>
      %logistic3A_2446 = math.exp %logistic3A_2445 : vector<1x128xf32>
      %logistic3A_2447 = arith.constant 1.000000e+00 : f32
      %logistic3A_2448 = vector.broadcast %logistic3A_2447 : f32 to vector<1x128xf32>
      %logistic3A_2449 = arith.addf %logistic3A_2448, %logistic3A_2446 : vector<1x128xf32>
      %logistic3A_2450 = arith.divf %logistic3A_2448, %logistic3A_2449 : vector<1x128xf32>
      %slice3A_2451 = vector.extract_strided_slice %add3A_1530 {offsets = [30, 0], sizes = [1, 128], strides = [1, 1]} : vector<32x128xf32> to vector<1x128xf32>
      %mul3A_2452 = arith.mulf %logistic3A_2450, %slice3A_2451 : vector<1x128xf32>
      %sub3A_2453 = arith.constant 1.000000e+00 : f32
      %sub3A_2454 = vector.broadcast %sub3A_2453 : f32 to vector<1x128xf32>
      %sub3A_2455 = arith.subf %sub3A_2454, %logistic3A_2450 : vector<1x128xf32>
      %mul3A_2456 = arith.mulf %sub3A_2455, %add3A_2427 : vector<1x128xf32>
      %add3A_2457 = arith.addf %mul3A_2452, %mul3A_2456 : vector<1x128xf32>
      %ge3A_2458 = arith.constant 0.000000e+00 : f32
      %ge3A_2459 = vector.broadcast %ge3A_2458 : f32 to vector<1x128xf32>
      %ge3A_2460 = arith.cmpf oge, %add3A_2457, %ge3A_2459 : vector<1x128xf32>
      %mul3A_2461 = arith.constant 0.00999999977 : f32
      %mul3A_2462 = vector.broadcast %mul3A_2461 : f32 to vector<1x128xf32>
      %mul3A_2463 = arith.mulf %mul3A_2462, %add3A_2457 : vector<1x128xf32>
      %select_n3A_2464 = arith.select %ge3A_2460, %add3A_2457, %mul3A_2463 : vector<1x128xi1>, vector<1x128xf32>
      %swap3A_2465 = arith.constant 30 : index
      %swap3A_2466 = arith.constant 0 : index
      %swap3A_2467 = vector.load %arg14[%swap3A_2465, %swap3A_2466] : memref<32x128xf32, #tpu.memory_space<vmem>>, vector<1x128xf32>
      tpu.vector_store %arg14[%swap3A_2465, %swap3A_2466], %select_n3A_2464 {strides = array<i32>} : memref<32x128xf32, #tpu.memory_space<vmem>>, vector<1x128xf32>,
      %get3A_2468 = arith.constant 0 : index
      %get3A_2469 = arith.constant 0 : index
      %get3A_2470 = vector.load %arg8[%get3A_2468, %get3A_2469] : memref<128x128xf32, #tpu.memory_space<vmem>>, vector<128x128xf32>
      %dot_general3A_2471 = arith.constant dense<0.000000e+00> : vector<1x128xf32>
      %dot_general3A_2472 = tpu.matmul %add3A_2457, %get3A_2470, %dot_general3A_2471 {dimension_numbers = #tpu.dot_dimension_numbers<[1], [0], [0], [1], [0, 0, 1, 1], [], []>, transpose_lhs_hint = false} : vector<1x128xf32>, vector<128x128xf32>, vector<1x128xf32> -> vector<1x128xf32>
      %slice3A_2473 = vector.extract_strided_slice %dot_general3A_1538 {offsets = [31, 0], sizes = [1, 128], strides = [1, 1]} : vector<32x128xf32> to vector<1x128xf32>
      %add3A_2474 = arith.addf %slice3A_2473, %dot_general3A_2472 : vector<1x128xf32>
      %logistic3A_2475 = arith.negf %add3A_2474 : vector<1x128xf32>
      %logistic3A_2476 = math.exp %logistic3A_2475 : vector<1x128xf32>
      %logistic3A_2477 = arith.constant 1.000000e+00 : f32
      %logistic3A_2478 = vector.broadcast %logistic3A_2477 : f32 to vector<1x128xf32>
      %logistic3A_2479 = arith.addf %logistic3A_2478, %logistic3A_2476 : vector<1x128xf32>
      %logistic3A_2480 = arith.divf %logistic3A_2478, %logistic3A_2479 : vector<1x128xf32>
      %slice3A_2481 = vector.extract_strided_slice %add3A_1530 {offsets = [31, 0], sizes = [1, 128], strides = [1, 1]} : vector<32x128xf32> to vector<1x128xf32>
      %mul3A_2482 = arith.mulf %logistic3A_2480, %slice3A_2481 : vector<1x128xf32>
      %sub3A_2483 = arith.constant 1.000000e+00 : f32
      %sub3A_2484 = vector.broadcast %sub3A_2483 : f32 to vector<1x128xf32>
      %sub3A_2485 = arith.subf %sub3A_2484, %logistic3A_2480 : vector<1x128xf32>
      %mul3A_2486 = arith.mulf %sub3A_2485, %add3A_2457 : vector<1x128xf32>
      %add3A_2487 = arith.addf %mul3A_2482, %mul3A_2486 : vector<1x128xf32>
      %ge3A_2488 = arith.constant 0.000000e+00 : f32
      %ge3A_2489 = vector.broadcast %ge3A_2488 : f32 to vector<1x128xf32>
      %ge3A_2490 = arith.cmpf oge, %add3A_2487, %ge3A_2489 : vector<1x128xf32>
      %mul3A_2491 = arith.constant 0.00999999977 : f32
      %mul3A_2492 = vector.broadcast %mul3A_2491 : f32 to vector<1x128xf32>
      %mul3A_2493 = arith.mulf %mul3A_2492, %add3A_2487 : vector<1x128xf32>
      %select_n3A_2494 = arith.select %ge3A_2490, %add3A_2487, %mul3A_2493 : vector<1x128xi1>, vector<1x128xf32>
      %swap3A_2495 = arith.constant 31 : index
      %swap3A_2496 = arith.constant 0 : index
      %swap3A_2497 = vector.load %arg14[%swap3A_2495, %swap3A_2496] : memref<32x128xf32, #tpu.memory_space<vmem>>, vector<1x128xf32>
      tpu.vector_store %arg14[%swap3A_2495, %swap3A_2496], %select_n3A_2494 {strides = array<i32>} : memref<32x128xf32, #tpu.memory_space<vmem>>, vector<1x128xf32>,
    } else {
    }
    %get3A = arith.constant 0 : index
    %get3A_2 = arith.constant 0 : index
    %get3A_3 = vector.load %arg14[%get3A, %get3A_2] : memref<32x128xf32, #tpu.memory_space<vmem>>, vector<32x128xf32>
    %get3A_4 = arith.constant 0 : index
    %get3A_5 = arith.constant 0 : index
    %get3A_6 = vector.load %arg9[%get3A_4, %get3A_5] : memref<128x8192xf32, #tpu.memory_space<vmem>>, vector<128x8192xf32>
    %dot_general3A = arith.constant dense<0.000000e+00> : vector<32x8192xf32>
    %dot_general3A_7 = tpu.matmul %get3A_3, %get3A_6, %dot_general3A {dimension_numbers = #tpu.dot_dimension_numbers<[1], [0], [0], [1], [0, 0, 1, 1], [], []>, transpose_lhs_hint = false} : vector<32x128xf32>, vector<128x8192xf32>, vector<32x8192xf32> -> vector<32x8192xf32>
    %get3A_8 = arith.constant 0 : index
    %get3A_9 = arith.constant 0 : index
    %get3A_10 = vector.load %arg10[%get3A_8, %get3A_9] : memref<1x8192xf32, #tpu.memory_space<vmem>>, vector<1x8192xf32>
    %add3A = vector.broadcast %get3A_10 : vector<1x8192xf32> to vector<32x8192xf32>
    %add3A_11 = arith.addf %dot_general3A_7, %add3A : vector<32x8192xf32>
    %mul3A = arith.constant 8192 : i32
    %mul3A_12 = arith.muli %arg0, %mul3A : i32
    %iota3A = tpu.iota {dimensions = array<i32: 1>} : vector<1x8192xi32>
    %add3A_13 = vector.broadcast %mul3A_12 : i32 to vector<1x8192xi32>
    %add3A_14 = arith.addi %add3A_13, %iota3A : vector<1x8192xi32>
    %lt3A = arith.constant 40000 : i32
    %lt3A_15 = vector.broadcast %lt3A : i32 to vector<1x8192xi32>
    %lt3A_16 = arith.cmpi slt, %add3A_14, %lt3A_15 : vector<1x8192xi32>
    %jit3A = arith.constant -1.000000e+30 : f32
    %broadcast_in_dim3A = vector.shape_cast %lt3A_16 : vector<1x8192xi1> to vector<1x8192xi1>
    %broadcast_in_dim3A_17 = vector.broadcast %broadcast_in_dim3A : vector<1x8192xi1> to vector<32x8192xi1>
    %broadcast_in_dim3A_18 = vector.broadcast %jit3A : f32 to vector<32x8192xf32>
    %select_n3A = arith.select %broadcast_in_dim3A_17, %add3A_11, %broadcast_in_dim3A_18 : vector<32x8192xi1>, vector<32x8192xf32>
    %reduce_max3A = arith.constant dense<0xFF800000> : vector<32xf32>
    %reduce_max3A_19 = vector.multi_reduction <maximumf>, %select_n3A, %reduce_max3A [1] : vector<32x8192xf32> to vector<32xf32>
    %broadcast_in_dim3A_20 = vector.shape_cast %reduce_max3A_19 : vector<32xf32> to vector<32x1xf32>
    %eq3A_21 = arith.constant 0 : i32
    %eq3A_22 = arith.cmpi eq, %arg0, %eq3A_21 : i32
    %convert_element_type3A_23 = arith.extui %eq3A_22 : i1 to i32
    %cond3A_24 = arith.constant 0 : i32
    %cond3A_25 = arith.cmpi ne, %convert_element_type3A_23, %cond3A_24 : i32
    scf.if %cond3A_25 {
      %broadcast_in_dim3A_40 = vector.shape_cast %broadcast_in_dim3A_20 : vector<32x1xf32> to vector<32x1xf32>
      %broadcast_in_dim3A_41 = vector.broadcast %broadcast_in_dim3A_40 : vector<32x1xf32> to vector<32x128xf32>
      %swap3A = arith.constant 0 : index
      %swap3A_42 = arith.constant 0 : index
      %swap3A_43 = vector.load %arg15[%swap3A, %swap3A_42] : memref<32x128xf32, #tpu.memory_space<vmem>>, vector<32x128xf32>
      tpu.vector_store %arg15[%swap3A, %swap3A_42], %broadcast_in_dim3A_41 {strides = array<i32>} : memref<32x128xf32, #tpu.memory_space<vmem>>, vector<32x128xf32>,
      %sub3A = vector.broadcast %broadcast_in_dim3A_20 : vector<32x1xf32> to vector<32x8192xf32>
      %sub3A_44 = arith.subf %select_n3A, %sub3A : vector<32x8192xf32>
      %exp3A = math.exp %sub3A_44 : vector<32x8192xf32>
      %reduce_sum3A = arith.constant dense<0.000000e+00> : vector<32xf32>
      %reduce_sum3A_45 = vector.multi_reduction <add>, %exp3A, %reduce_sum3A [1] : vector<32x8192xf32> to vector<32xf32>
      %broadcast_in_dim3A_46 = vector.shape_cast %reduce_sum3A_45 : vector<32xf32> to vector<32x1xf32>
      %broadcast_in_dim3A_47 = vector.shape_cast %broadcast_in_dim3A_46 : vector<32x1xf32> to vector<32x1xf32>
      %broadcast_in_dim3A_48 = vector.broadcast %broadcast_in_dim3A_47 : vector<32x1xf32> to vector<32x128xf32>
      %swap3A_49 = arith.constant 0 : index
      %swap3A_50 = arith.constant 0 : index
      %swap3A_51 = vector.load %arg16[%swap3A_49, %swap3A_50] : memref<32x128xf32, #tpu.memory_space<vmem>>, vector<32x128xf32>
      tpu.vector_store %arg16[%swap3A_49, %swap3A_50], %broadcast_in_dim3A_48 {strides = array<i32>} : memref<32x128xf32, #tpu.memory_space<vmem>>, vector<32x128xf32>,
    } else {
    }
    %gt3A = arith.constant 0 : i32
    %gt3A_26 = arith.cmpi sgt, %arg0, %gt3A : i32
    %convert_element_type3A_27 = arith.extui %gt3A_26 : i1 to i32
    %cond3A_28 = arith.constant 0 : i32
    %cond3A_29 = arith.cmpi ne, %convert_element_type3A_27, %cond3A_28 : i32
    scf.if %cond3A_29 {
      %get3A_40 = arith.constant 0 : index
      %get3A_41 = arith.constant 0 : index
      %get3A_42 = vector.load %arg15[%get3A_40, %get3A_41] : memref<32x128xf32, #tpu.memory_space<vmem>>, vector<32x128xf32>
      %broadcast_in_dim3A_43 = vector.shape_cast %broadcast_in_dim3A_20 : vector<32x1xf32> to vector<32x1xf32>
      %broadcast_in_dim3A_44 = vector.broadcast %broadcast_in_dim3A_43 : vector<32x1xf32> to vector<32x128xf32>
      %max3A = arith.maximumf %get3A_42, %broadcast_in_dim3A_44 : vector<32x128xf32>
      %slice3A = vector.extract_strided_slice %max3A {offsets = [0, 0], sizes = [32, 1], strides = [1, 1]} : vector<32x128xf32> to vector<32x1xf32>
      %sub3A = vector.broadcast %slice3A : vector<32x1xf32> to vector<32x8192xf32>
      %sub3A_45 = arith.subf %select_n3A, %sub3A : vector<32x8192xf32>
      %exp3A = math.exp %sub3A_45 : vector<32x8192xf32>
      %reduce_sum3A = arith.constant dense<0.000000e+00> : vector<32xf32>
      %reduce_sum3A_46 = vector.multi_reduction <add>, %exp3A, %reduce_sum3A [1] : vector<32x8192xf32> to vector<32xf32>
      %broadcast_in_dim3A_47 = vector.shape_cast %reduce_sum3A_46 : vector<32xf32> to vector<32x1xf32>
      %get3A_48 = arith.constant 0 : index
      %get3A_49 = arith.constant 0 : index
      %get3A_50 = vector.load %arg16[%get3A_48, %get3A_49] : memref<32x128xf32, #tpu.memory_space<vmem>>, vector<32x128xf32>
      %sub3A_51 = arith.subf %get3A_42, %max3A : vector<32x128xf32>
      %exp3A_52 = math.exp %sub3A_51 : vector<32x128xf32>
      %mul3A_53 = arith.mulf %get3A_50, %exp3A_52 : vector<32x128xf32>
      %broadcast_in_dim3A_54 = vector.shape_cast %broadcast_in_dim3A_47 : vector<32x1xf32> to vector<32x1xf32>
      %broadcast_in_dim3A_55 = vector.broadcast %broadcast_in_dim3A_54 : vector<32x1xf32> to vector<32x128xf32>
      %add3A_56 = arith.addf %mul3A_53, %broadcast_in_dim3A_55 : vector<32x128xf32>
      %swap3A = arith.constant 0 : index
      %swap3A_57 = arith.constant 0 : index
      %swap3A_58 = vector.load %arg16[%swap3A, %swap3A_57] : memref<32x128xf32, #tpu.memory_space<vmem>>, vector<32x128xf32>
      tpu.vector_store %arg16[%swap3A, %swap3A_57], %add3A_56 {strides = array<i32>} : memref<32x128xf32, #tpu.memory_space<vmem>>, vector<32x128xf32>,
      %swap3A_59 = arith.constant 0 : index
      %swap3A_60 = arith.constant 0 : index
      %swap3A_61 = vector.load %arg15[%swap3A_59, %swap3A_60] : memref<32x128xf32, #tpu.memory_space<vmem>>, vector<32x128xf32>
      tpu.vector_store %arg15[%swap3A_59, %swap3A_60], %max3A {strides = array<i32>} : memref<32x128xf32, #tpu.memory_space<vmem>>, vector<32x128xf32>,
    } else {
    }
    %lt3A_30 = arith.constant 4 : i32
    %lt3A_31 = arith.cmpi slt, %arg0, %lt3A_30 : i32
    %convert_element_type3A_32 = arith.extui %lt3A_31 : i1 to i32
    %cond3A_33 = arith.constant 0 : i32
    %cond3A_34 = arith.cmpi ne, %convert_element_type3A_32, %cond3A_33 : i32
    scf.if %cond3A_34 {
      %mul3A_40 = arith.constant 8192 : i32
      %mul3A_41 = arith.muli %arg0, %mul3A_40 : i32
      %multiple_of3A = tpu.assume_multiple %mul3A_41, 8192 : i32
      %swap3A = arith.constant 0 : index
      %swap3A_42 = arith.index_cast %multiple_of3A : i32 to index
      %swap3A_43 = vector.load %arg11[%swap3A, %swap3A_42] : memref<32x40000xf32, #tpu.memory_space<vmem>>, vector<32x8192xf32>
      tpu.vector_store %arg11[%swap3A, %swap3A_42], %select_n3A {strides = array<i32>} : memref<32x40000xf32, #tpu.memory_space<vmem>>, vector<32x8192xf32>,
    } else {
    }
    %eq3A_35 = arith.constant 4 : i32
    %eq3A_36 = arith.cmpi eq, %arg0, %eq3A_35 : i32
    %convert_element_type3A_37 = arith.extui %eq3A_36 : i1 to i32
    %cond3A_38 = arith.constant 0 : i32
    %cond3A_39 = arith.cmpi ne, %convert_element_type3A_37, %cond3A_38 : i32
    scf.if %cond3A_39 {
      %slice3A = vector.extract_strided_slice %select_n3A {offsets = [0, 0], sizes = [32, 7232], strides = [1, 1]} : vector<32x8192xf32> to vector<32x7232xf32>
      %swap3A = arith.constant 0 : index
      %swap3A_40 = arith.constant 32768 : index
      %swap3A_41 = vector.load %arg11[%swap3A, %swap3A_40] : memref<32x40000xf32, #tpu.memory_space<vmem>>, vector<32x7232xf32>
      tpu.vector_store %arg11[%swap3A, %swap3A_40], %slice3A {strides = array<i32>} : memref<32x40000xf32, #tpu.memory_space<vmem>>, vector<32x7232xf32>,
      %get3A_42 = arith.constant 0 : index
      %get3A_43 = arith.constant 0 : index
      %get3A_44 = vector.load %arg15[%get3A_42, %get3A_43] : memref<32x128xf32, #tpu.memory_space<vmem>>, vector<32x1xf32>
      %get3A_45 = arith.constant 0 : index
      %get3A_46 = arith.constant 0 : index
      %get3A_47 = vector.load %arg16[%get3A_45, %get3A_46] : memref<32x128xf32, #tpu.memory_space<vmem>>, vector<32x1xf32>
      %log3A = math.log %get3A_47 : vector<32x1xf32>
      %add3A_48 = arith.addf %get3A_44, %log3A : vector<32x1xf32>
      %get3A_49 = arith.constant 0 : index
      %get3A_50 = arith.constant 0 : index
      %get3A_51 = vector.load %arg11[%get3A_49, %get3A_50] : memref<32x40000xf32, #tpu.memory_space<vmem>>, vector<32x40000xf32>
      %sub3A = vector.broadcast %add3A_48 : vector<32x1xf32> to vector<32x40000xf32>
      %sub3A_52 = arith.subf %get3A_51, %sub3A : vector<32x40000xf32>
      %swap3A_53 = arith.constant 0 : index
      %swap3A_54 = arith.constant 0 : index
      %swap3A_55 = vector.load %arg11[%swap3A_53, %swap3A_54] : memref<32x40000xf32, #tpu.memory_space<vmem>>, vector<32x40000xf32>
      tpu.vector_store %arg11[%swap3A_53, %swap3A_54], %sub3A_52 {strides = array<i32>} : memref<32x40000xf32, #tpu.memory_space<vmem>>, vector<32x40000xf32>,
    } else {
    }
    return
  }
  func.func @transform_0(%arg0: i32) -> (i32, i32) {
    %c0_i32 = arith.constant 0 : i32
    %c0_i32_0 = arith.constant 0 : i32
    %c0_i32_1 = arith.constant 0 : i32
    return %c0_i32, %c0_i32_0 : i32, i32
  }
  func.func @transform_1(%arg0: i32) -> (i32, i32) {
    %c0_i32 = arith.constant 0 : i32
    %c0_i32_0 = arith.constant 0 : i32
    %c0_i32_1 = arith.constant 0 : i32
    return %c0_i32, %c0_i32_0 : i32, i32
  }
  func.func @transform_2(%arg0: i32) -> (i32, i32) {
    %c0_i32 = arith.constant 0 : i32
    %c0_i32_0 = arith.constant 0 : i32
    %c0_i32_1 = arith.constant 0 : i32
    return %c0_i32, %c0_i32_0 : i32, i32
  }
  func.func @transform_3(%arg0: i32) -> (i32, i32, i32) {
    %c0_i32 = arith.constant 0 : i32
    %c0_i32_0 = arith.constant 0 : i32
    %c0_i32_1 = arith.constant 0 : i32
    %c0_i32_2 = arith.constant 0 : i32
    return %c0_i32, %c0_i32_0, %c0_i32_1 : i32, i32, i32
  }
  func.func @transform_4(%arg0: i32) -> (i32, i32) {
    %c0_i32 = arith.constant 0 : i32
    %c0_i32_0 = arith.constant 0 : i32
    %c0_i32_1 = arith.constant 0 : i32
    return %c0_i32, %c0_i32_0 : i32, i32
  }
  func.func @transform_5(%arg0: i32) -> (i32, i32) {
    %c0_i32 = arith.constant 0 : i32
    %c0_i32_0 = arith.constant 0 : i32
    %c0_i32_1 = arith.constant 0 : i32
    return %c0_i32, %c0_i32_0 : i32, i32
  }
  func.func @transform_6(%arg0: i32) -> (i32, i32) {
    %c0_i32 = arith.constant 0 : i32
    %c0_i32_0 = arith.constant 0 : i32
    %c0_i32_1 = arith.constant 0 : i32
    return %c0_i32, %c0_i32_0 : i32, i32
  }
  func.func @transform_7(%arg0: i32) -> (i32, i32) {
    %c0_i32 = arith.constant 0 : i32
    %c0_i32_0 = arith.constant 0 : i32
    %c0_i32_1 = arith.constant 0 : i32
    return %c0_i32, %c0_i32_0 : i32, i32
  }
  func.func @transform_8(%arg0: i32) -> (i32, i32) {
    %c0_i32 = arith.constant 0 : i32
    %c0_i32_0 = arith.constant 0 : i32
    return %c0_i32, %arg0 : i32, i32
  }
  func.func @transform_9(%arg0: i32) -> (i32, i32) {
    %c0_i32 = arith.constant 0 : i32
    %c0_i32_0 = arith.constant 0 : i32
    return %c0_i32, %arg0 : i32, i32
  }
  func.func @transform_10(%arg0: i32) -> (i32, i32) {
    %c0_i32 = arith.constant 0 : i32
    %c0_i32_0 = arith.constant 0 : i32
    %c0_i32_1 = arith.constant 0 : i32
    return %c0_i32, %c0_i32_0 : i32, i32
  }
}

</mosaic_0001>

<sc_bundles>
// kernel: kernel.4.cloned.1.call-start
scs
__scs_entry_jumppad:
0x0: {  	(pc) =	sbr.rel $0x88, $3  }
0x1: {  	(tag) =	ssettag $0x0;
	lr =	simm.s32 $0x1  }
0x2: {  	[smem:$0x3F98] =	sst lr;
	_ =	strace $0xD0000000  }
0x3: {  	_ = 	snop  }
0x4: {  	_ = 	snop  }
0x5: {  	_ = 	snop  }
0x6: {  	_ = 	snop  }
0x7: {  	_ = 	snop  }
__scs_overlays_trampoline_lowered:
0x8: {  	[smem:$0x3FA7] =	sst s0  }
0x9: {  	[smem:$0x3FA8] =	sst s1  }
0xa: {  	[smem:$0x3FA9] =	sst s2  }
0xb: {  	[smem:$0x3FAA] =	sst s3  }
0xc: {  	[smem:$0x3FAB] =	sst s4  }
0xd: {  	[smem:$0x3FAC] =	sst s5  }
0xe: {  	[smem:$0x3FAD] =	sst s6  }
0xf: {  	[smem:$0x3FAE] =	sst s7  }
0x10: {  	[smem:$0x3FAF] =	sst s8  }
0x11: {  	[smem:$0x3FB0] =	sst s9;
	s0 =	simm.s32 @!p0 $0x0  }
0x12: {  	s1 =	sld [smem:$0x3F96];
	s0 =	simm.s32 @p0 $0x1  }
0x13: {  	[smem:$0x3FB1] =	sst s0;
	s0 =	simm.s32 @!p1 $0x0  }
0x14: {  	s2 =	sld [smem:$0x3F95];
	s0 =	simm.s32 @p1 $0x1  }
0x15: {  	[smem:$0x3FB2] =	sst s0;
	s0 =	simm.s32 @!p2 $0x0  }
0x16: {  	s3 =	sld [smem:$0x3FDB];
	s0 =	simm.s32 @p2 $0x1  }
0x17: {  	s4 =	simm.s32 $0x1BF5;
	[smem:$0x3FB4] =	sst s0  }
0x18: {  	s0 =	sld [smem:$0x3F97];
	_ =	swait.ge [sflag:s4], $0x0  }
0x19: {  	s7 =	sld [smem:$0x3F98]  }
0x1a: {  	s8 =	sadd.s32 $0xFFFFE003, lr  }
0x1b: {  	s9 =	sadd.s32 $0xFFFFFEF7, lr;
	s5 =	simm.s32 $0xFFFFFFFF;
	p2 =	slt.u32 s8, $0xFFFFF086  }
0x1c: {  	p1 =	slt.u32 s9, $0xF7A;
	s5 =	simm.s32 @!p2 $0x0  }
0x1d: {  	s5 =	simm.s32 @p1 $0x1;
	p0 =	seq.s32 s7, s2  }
0x1e: {  	s7 =	smul.u32 @!p0 $0xF7A, s2;
	p2 =	seq.s32 @!p0 s5, $0x0  }
0x1f: {  	s9 =	smul.u32 $0xF7A, s1;
	s8 =	simm.s32 @!p0 $0x1BF5;
	p2 =	por !p2, p0  }
0x20: {  	[sflag:s8] =	ssyncset.s32 @!p0 $0xFFFFF086;
	s6 =	sadd.s32 @!p0 s3, s7;
	s7 =	simm.s32 @!p0 $0x108  }
0x21: {  	s3 =	sadd.s32 s3, s9;
	s6 =	sadd.s32 @!p0 $0x88, s6;
	s7 =	simm.s32 @p2 $0x1082  }
0x22: {  	[simem:s7], [sflag:s8] =	dma.local @!p0 [hbm:s6], $0xF7A  }
0x23: {  	s9 =	sor.u32 $0xD0000000, s2;
	s6 =	simm.s32 $0x108;
	_ =	swait.ge @!p0 [sflag:s8], $0x0  }
0x24: {  	s3 =	sadd.s32 $0x88, s3;
	s6 =	simm.s32 @!p1 $0x1082;
	[sflag:s4] =	ssyncset.s32 $0xFFFFF086  }
0x25: {  	[simem:s6], [sflag:s4] =	dma.local [hbm:s3], $0xF7A  }
0x26: {  	[smem:$0x3F98] =	sst s1;
	(tag) =	ssettag s2;
	_ =	strace s9  }
0x27: {  	s1 =	sld [smem:$0x3FA8]  }
0x28: {  	s2 =	sld [smem:$0x3FA9]  }
0x29: {  	s4 =	sld [smem:$0x3FAB]  }
0x2a: {  	p0 =	seq.s32 s5, $0x0;
	s5 =	sld [smem:$0x3FAC]  }
0x2b: {  	s6 =	sld [smem:$0x3FAD]  }
0x2c: {  	s7 =	sld [smem:$0x3FAE]  }
0x2d: {  	s3 =	simm.s32 $0x108;
	s8 =	sld [smem:$0x3FAF]  }
0x2e: {  	s3 =	simm.s32 @!p0 $0x1082;
	s9 =	sld [smem:$0x3FB0]  }
0x2f: {  	lr =	sadd.s32 s0, s3;
	s0 =	sld [smem:$0x3FA7]  }
0x30: {  	s3 =	sld [smem:$0x3FAA]  }
0x31: {  	[smem:$0x3FB3] =	sst s10  }
0x32: {  	s10 =	sld [smem:$0x3FB1];
	_ =	sdelay $0x3  }
0x33: {  	p0 =	seq.s32 s10, $0x1;
	s10 =	sld [smem:$0x3FB3];
	_ =	sdelay $0x3  }
0x34: {  	[smem:$0x3FB3] =	sst s10  }
0x35: {  	s10 =	sld [smem:$0x3FB2];
	_ =	sdelay $0x3  }
0x36: {  	p1 =	seq.s32 s10, $0x1;
	s10 =	sld [smem:$0x3FB3];
	_ =	sdelay $0x3  }
0x37: {  	[smem:$0x3FB3] =	sst s10  }
0x38: {  	s10 =	sld [smem:$0x3FB4]  }
0x39: {  	_ = 	snop;
	(pc) =	sbr.ind lr, $3  }
0x3a: {  	_ = 	snop  }
0x3b: {  	_ = 	snop  }
0x3c: {  	p2 =	seq.s32 s10, $0x1;
	s10 =	sld [smem:$0x3FB3]  }
0x3d: {  	_ =	shalt  }
0x3e: {  	_ =	shalt  }
0x3f: {  	_ =	shalt  }
0x40: {  	_ =	shalt  }
0x41: {  	_ =	shalt  }
0x42: {  	_ =	shalt  }
0x43: {  	_ =	shalt  }
0x44: {  	_ =	shalt  }
0x45: {  	_ =	shalt  }
0x46: {  	_ =	shalt  }
0x47: {  	_ =	shalt  }
0x48: {  	_ =	shalt  }
0x49: {  	_ =	shalt  }
0x4a: {  	_ =	shalt  }
0x4b: {  	_ =	shalt  }
0x4c: {  	_ =	shalt  }
0x4d: {  	_ =	shalt  }
0x4e: {  	_ =	shalt  }
0x4f: {  	_ =	shalt  }
0x50: {  	_ =	shalt  }
0x51: {  	_ =	shalt  }
0x52: {  	_ =	shalt  }
0x53: {  	_ =	shalt  }
0x54: {  	_ =	shalt  }
0x55: {  	_ =	shalt  }
0x56: {  	_ =	shalt  }
0x57: {  	_ =	shalt  }
0x58: {  	_ =	shalt  }
0x59: {  	_ =	shalt  }
0x5a: {  	_ =	shalt  }
0x5b: {  	_ =	shalt  }
0x5c: {  	_ =	shalt  }
0x5d: {  	_ =	shalt  }
0x5e: {  	_ =	shalt  }
0x5f: {  	_ =	shalt  }
0x60: {  	_ =	shalt  }
0x61: {  	_ =	shalt  }
0x62: {  	_ =	shalt  }
0x63: {  	_ =	shalt  }
0x64: {  	_ =	shalt  }
0x65: {  	_ =	shalt  }
0x66: {  	_ =	shalt  }
0x67: {  	_ =	shalt  }
0x68: {  	_ =	shalt  }
0x69: {  	_ =	shalt  }
0x6a: {  	_ =	shalt  }
0x6b: {  	_ =	shalt  }
0x6c: {  	_ =	shalt  }
0x6d: {  	_ =	shalt  }
0x6e: {  	_ =	shalt  }
0x6f: {  	_ =	shalt  }
0x70: {  	_ =	shalt  }
0x71: {  	_ =	shalt  }
0x72: {  	_ =	shalt  }
0x73: {  	_ =	shalt  }
0x74: {  	_ =	shalt  }
0x75: {  	_ =	shalt  }
0x76: {  	_ =	shalt  }
0x77: {  	_ =	shalt  }
0x78: {  	_ =	shalt  }
0x79: {  	_ =	shalt  }
0x7a: {  	_ =	shalt  }
0x7b: {  	_ =	shalt  }
0x7c: {  	_ =	shalt  }
0x7d: {  	_ =	shalt  }
0x7e: {  	_ =	shalt  }
0x7f: {  	_ =	shalt  }
0x80: {  	_ =	shalt  }
0x81: {  	_ =	shalt  }
0x82: {  	_ =	shalt  }
0x83: {  	_ =	shalt  }
0x84: {  	_ =	shalt  }
0x85: {  	_ =	shalt  }
0x86: {  	_ =	shalt  }
0x87: {  	_ =	shalt  }
.Lfunc_end0:
.L_simem_size_0:
called_computation_lowered:
.L_overlay_start_0:
0x88: {  	s2 =	sld [smem:$0x3FD9]  }
0x89: {  	s3 =	sld [smem:$0x3FFE];
	_ =	sdelay $0x1  }
0x8a: {  	s1 =	srdreg.scid  }
0x8b: {  	s0 =	sand.u32 $0x1, s1  }
0x8c: {  	s14 =	sshll.u32 s0, $0xA;
	s2 =	sadd.s32 s3, s2  }
0x8d: {  	s2 =	sadd.s32 s2, s14  }
0x8e: {  	[smem:$0x3FBF] =	sst s2  }
0x8f: {  	_ = 	snop  }
0x90: {  	s2 =	sld [smem:$0x3FD0];
	_ =	sdelay $0x2  }
0x91: {  	s4 =	simm.s32 $0xA;
	s5 =	simm.s32 $0x10;
	s15 =	sld [smem:$0x3FC9]  }
0x92: {  	[smem:s5], [sflag:s4] =	dma.local [hbm:s2], $0x1  }
0x93: {  	_ =	swait.eq [sflag:s4], $0x1  }
0x94: {  	[sflag:s4] =	ssyncset.done $0x0  }
0x95: {  	[sflag:s4] =	ssyncadd.s32 $0xFFFFFFFF  }
0x96: {  	s16 =	sld [smem:$0x10];
	(tm) =	ssettm $0x1  }
0x97: {  	s17 =	sld [smem:$0x3FFB];
	_ =	sdelay $0x3  }
0x98: {  	_ =	strace s17  }
0x99: {  	s4 =	sld [smem:$0x3FFC];
	_ =	sdelay $0x3  }
0x9a: {  	_ =	strace s4  }
0x9b: {  	s4 =	sld [smem:$0x3FFD];
	_ =	sdelay $0x3  }
0x9c: {  	_ =	strace s4  }
0x9d: {  	_ =	strace $0x8FFFFFFF  }
0x9e: {  	s18 =	sld [smem:$0x3FDB];
	_ =	sdelay $0x1  }
0x9f: {  	s19 =	simm.s32 $_scs_section_size  }
0xa0: {  	s6 =	simm.s32 $_size__tile_overlayer_lowered;
	s7 =	simm.s32 $_tile_overlayer_lowered  }
0xa1: {  	s22 =	simm.s32 $0x1BFF;
	s21 =	sshll.u32 s7, $0x1;
	s4 =	sadd.s32 s19, s18  }
0xa2: {  	s8 =	simm.s32 $0x0;
	s20 =	sshll.u32 s6, $0x1;
	s6 =	sadd.s32 s21, s4  }
0xa3: {  	[timem:s8], [sflag:s22] =	dma.local [hbm:s6], s20  }
0xa4: {  	_ =	swait.ge [sflag:s22], s20  }
0xa5: {  	s5 =	ssub.s32 $0x0, s20;
	[sflag:s22] =	ssyncset.done $0x0  }
0xa6: {  	[sflag:s22] =	ssyncadd.s32 s5;
	_ =	sdelay $0x1  }
0xa7: {  	s23 =	simm.s32 $0x1B8B  }
0xa8: {  	_ =	swait.ge [sflag:s23], $0x1  }
0xa9: {  	[sflag:s23] =	ssyncset.done $0x0  }
0xaa: {  	s25 =	simm.s32 $0x1B8E;
	s24 =	sld [smem:$0x3FFE];
	[sflag:s23] =	ssyncadd.s32 $0xFFFFFFFF  }
0xab: {  	s26 =	simm.s32 $execute0_lowered;
	[smem:$0x3FD2] =	sst s25  }
0xac: {  	s6 =	sshll.u32 s26, $0x1;
	_ =	strace $0x80000046;
	[dreg:$0x1] =	wrdreg $0xFFFFFFFF  }
0xad: {  	s28 =	simm.s32 $_size_execute0_lowered;
	s4 =	sadd.s32 s4, s6;
	[dreg:$0x0] =	wrdreg $0x0  }
0xae: {  	s6 =	sshll.u32 s28, $0x1;
	[dreg:$0x2] =	wrdreg s4  }
0xaf: {  	[dreg:$0x3] =	wrdreg s6  }
0xb0: {  	[dreg:$0x4] =	wrdreg $0xC0  }
0xb1: {  	_ =	task [dreg:s8], $0x5FFFF  }
0xb2: {  	[dreg:$0x1] =	wrdreg $0xFFFFFFFF  }
0xb3: {  	[dreg:$0x0] =	wrdreg $0x60  }
0xb4: {  	[dreg:$0x2] =	wrdreg s15  }
0xb5: {  	[dreg:$0x3] =	wrdreg s24  }
0xb6: {  	[dreg:$0x4] =	wrdreg s16  }
0xb7: {  	[dreg:$0x5] =	wrdreg $0x9  }
0xb8: {  	_ =	task.clear_ibuf [dreg:s8], $0x6FFFF;
	_ =	strace $0x90000046  }
0xb9: {  	s29 =	simm.s32 $0x9;
	_ =	strace $0x80000048  }
0xba: {  	_ =	swait.ge [sflag:s29], $0x1  }
0xbb: {  	[sflag:s29] =	ssyncadd.s32 $0xFFFFFFFF  }
0xbc: {  	_ =	strace $0x90000048  }
0xbd: {  	_ =	sfence  }
0xbe: {  	s30 =	sld [smem:$0x0];
	_ =	sdelay $0x2  }
0xbf: {  	s31 =	sshll.u32 s1, $0xD;
	s1 =	sshrl.u32 s1, $0x2  }
0xc0: {  	s3 =	sand.u32 $0x4000, s31;
	s1 =	sadd.s32 s1, s30  }
0xc1: {  	s0 =	sor.u32 s3, s0;
	s1 =	sshll.u32 s1, $0x11  }
0xc2: {  	s0 =	sor.u32 s1, s0  }
0xc3: {  	s0 =	sadd.s32 $0x8F2B, s0  }
0xc4: {  	[sflag:s0] =	ssyncadd.remote.s32 $0x1  }
0xc5: {  	_ =	sfence.sel $0xFFFF  }
0xc6: {  	[dreg:$0x0] =	wrdreg $0xFFFFFFFF;
	(pc) =	sbr.abs _section_cstart, $3  }
0xc7: {  	[dreg:$0x1] =	wrdreg $0xFFFFFFFF  }
0xc8: {  	_ =	task.clear_ibuf [dreg:s8], $0x2FFFF;
	_ =	strace $0x9FFFFFFF  }
0xc9: {  	(tm) =	ssettm $0x7FFFFFFF  }
tec
execute0_lowered:
.L_overlay_start_1:
0x0: {  	(tag) =	ssettag $0x1  }
0x1: {  	s2 =	srdreg.scid  }
0x2: {  	s1 =	rddreg [dreg:$0x0];
	s0 =	stileid.u32;
	s6 =	sand.u32 $0x1, s2  }
0x3: {  	s4 =	rddreg [dreg:$0x1];
	s30 =	sshll.u32 s0, $0x6;
	s3 =	sshll.u32 s6, $0x5  }
0x4: {  	s9 =	rddreg [dreg:$0x2];
	s10 =	sor.u32 s3, s30  }
0x5: {  	s2 =	rddreg [dreg:$0x3];
	s3 =	simm.s32 $0x0;
	s5 =	sshrl.u32 s10, $0x3  }
0x6: {  	s11 =	ssub.s32 $0x2, s6;
	[smem:$0x7FF] =	sst s3;
	s4 =	sadd.s32 s5, s4  }
0x7: {  	_ =	strace $0x80000047;
	s5 =	sadd.s32 $0x1600, s4;
	s4 =	simm.s32 $0x2  }
0x8: {  	[tilespmem:s3], [sflag:$0x2] =	stream.linear.gather [hbm4b:s5+s3], $0x20, $0x38;
	[tilespmem:$0x1080] =	vst v63  }
0x9: {  	s7 =	simm.s32 $0x80;
	s12 =	sshrl.u32 s11, $0x1;
	_ =	swait.ge [sflag:s4], $0x20  }
0xa: {  	s8 =	simm.s32 $0x1;
	s11 =	ssub.s32 s11, s12;
	[sflag:s4] =	ssyncset.done $0x0  }
0xb: {  	s6 =	simm.s32 $0x20;
	s31 =	smax.u32 s11, $0x1;
	[sflag:s4] =	ssyncadd.s32 $0xFFFFFFE0  }
0xc: {  	[tilespmem:s7], [sflag:$0x1] =	stream.indirect.gather [hbm4b:s1+s6], $0x80, s3, s6, $0xb8;
	[tilespmem:$0x1080] =	vst v63  }
0xd: {  	p0 =	sne.s32 s31, $0x1;
	_ =	swait.ge [sflag:s8], $0x1000  }
.Ltmp0:
0xe: {  	s10 =	sshll.u32 s10, $0x4;
	[sflag:s8] =	ssyncset.done $0x0;
	(pc) =	sbr.rel @!p0 .LBB2_2-.Ltmp0, $4  }
0xf: {  	s9 =	sadd.s32 s9, s10;
	[sflag:s8] =	ssyncadd.s32 $0xFFFFF000  }
0x10: {  	[hbm4b:s9+s3] =	stream.linear.scatter [tilespmem:s7], [sflag:$0x2], $0x1000, $0x38;
	[tilespmem:$0x1080] =	vst v63  }
0x11: {  	_ =	swait.ge [sflag:s4], $0x1000  }
0x12: {  	s10 =	sadd.s32 $0xFFFFFFFF, s31;
	[sflag:s4] =	ssyncset.done $0x0  }
.LBB2_1:
0x13: {  	p0 =	sne.s32 s10, $0x1;
	s10 =	sadd.s32 $0xFFFFFFFF, s10;
	[sflag:s4] =	ssyncadd.s32 $0xFFFFF000  }
0x14: {  	[tilespmem:s3], [sflag:$0x2] =	stream.linear.gather [hbm4b:s5+s3], $0x20, $0x38;
	[tilespmem:$0x1080] =	vst v63  }
0x15: {  	_ =	swait.ge [sflag:s4], $0x20  }
0x16: {  	[sflag:s4] =	ssyncset.done $0x0  }
0x17: {  	[sflag:s4] =	ssyncadd.s32 $0xFFFFFFE0  }
0x18: {  	[tilespmem:s7], [sflag:$0x1] =	stream.indirect.gather [hbm4b:s1+s6], $0x80, s3, s6, $0xb8;
	[tilespmem:$0x1080] =	vst v63  }
0x19: {  	_ =	swait.ge [sflag:s8], $0x1000  }
.Ltmp1:
0x1a: {  	[sflag:s8] =	ssyncset.done $0x0;
	(pc) =	sbr.rel @p0 .LBB2_1-.Ltmp1, $4  }
0x1b: {  	[sflag:s8] =	ssyncadd.s32 $0xFFFFF000  }
0x1c: {  	[hbm4b:s9+s3] =	stream.linear.scatter [tilespmem:s7], [sflag:$0x2], $0x1000, $0x38;
	[tilespmem:$0x1080] =	vst v63  }
0x1d: {  	_ =	swait.ge [sflag:s4], $0x1000  }
0x1e: {  	[sflag:s4] =	ssyncset.done $0x0  }
.LBB2_2:
0x1f: {  	[sflag:s4] =	ssyncadd.s32 $0xFFFFF000  }
0x20: {  	_ =	sfence.sel $0x180000  }
0x21: {  	[bflag:$0x0] =	sbarrier.arrive $0xFFFF  }
0x22: {  	p0 =	sne.s32 s0, $0x0;
	_ =	strace $0x90000047  }
0x23: {  	s0 =	sadd.s32 @!p0 $0x100000, s2;
	[bflag:$0x2] =	sbarrier.arrive $0xFFFF  }
0x24: {  	[sflag:s0] =	ssyncadd.tile.s32 @!p0 $0x1;
	_ =	shalt  }
.Lfunc_end2:
_tile_overlayer_lowered:
.L_overlay_start_2:
0x25: {  	(tag) =	ssettag $0x2  }
0x26: {  	s0 =	rddreg [dreg:$0x0];
	s2 =	stileid.u32  }
0x27: {  	s1 =	rddreg [dreg:$0x1];
	p0 =	sne.s32 s2, $0x0  }
0x28: {  	s3 =	rddreg [dreg:$0x2];
	[bflag:$0x3] =	sbarrier.arrive $0xFFFF;
	s2 =	simm.s32 @!p0 $0x1C02  }
0x29: {  	[timem:s3], [sflag:s2] =	dma.local @!p0 [hbm:s0], s1  }
0x2a: {  	s0 =	simm.s32 @!p0 $0x2  }
0x2b: {  	_ =	swait.ge @!p0 [sflag:s0], s1  }
0x2c: {  	s1 =	ssub.s32 @!p0 $0x0, s1;
	[sflag:s0] =	ssyncset.done @!p0 $0x0  }
0x2d: {  	[sflag:s0] =	ssyncadd.s32 @!p0 s1  }
0x2e: {  	[bflag:$0x3] =	sbarrier.arrive $0xFFFF  }
0x2f: {  	_ =	shalt  }

</sc_bundles>
